<compile_context>
chip_gen: v7x
topology: tpu7x:2x2x1
jax: 0.10.2.dev20260603
libtpu: 0.0.44.dev20260713+nightly
codegen_flags: <defaults>
</compile_context>

<pallas_src>
import functools

import jax
import jax.numpy as jnp
from jax import lax
from jax.experimental import pallas as pl
from jax.experimental.pallas import tpu as pltpu
from jax.experimental.pallas import tpu_sc as plsc

NC = 2
NS = 16
NW = NC * NS
CH = 1024

_mesh = plsc.VectorSubcoreMesh(core_axis_name="c", subcore_axis_name="s")


def _make_sc_degree(n_pad, e, w):
    rpt = n_pad // NS
    ew = e // (NC * NS)
    chk = 1000
    nch = ew // chk

    @functools.partial(
        pl.kernel,
        out_type=jax.ShapeDtypeStruct((NC, 2, n_pad, w), jnp.float32),
        mesh=_mesh,
        compiler_params=pltpu.CompilerParams(use_tc_tiling_on_sc=False),
        scratch_types=[
            pltpu.VMEM((nch, chk), jnp.int32),
            pltpu.VMEM((chk, w), jnp.float32),
            pltpu.VMEM_SHARED((n_pad, w), jnp.float32),
            pltpu.VMEM_SHARED((n_pad, w), jnp.float32),
        ],
    )
    def deg_kernel(dst_c, dst_r, ones_hbm, zeros_hbm, out, didx, ones_v,
                   acc0, acc1):
        cid = lax.axis_index("c")
        sid = lax.axis_index("s")
        wid = cid * NS + sid
        pltpu.sync_copy(zeros_hbm, acc0.at[pl.ds(sid * rpt, rpt)])
        pltpu.sync_copy(zeros_hbm, acc1.at[pl.ds(sid * rpt, rpt)])
        pltpu.sync_copy(ones_hbm, ones_v)
        plsc.subcore_barrier()
        for dstp, acc in ((dst_c, acc0), (dst_r, acc1)):
            pltpu.sync_copy(dstp.at[wid], didx)

            def step(j, carry, acc=acc, didx=didx):
                pltpu.sync_copy(ones_v, acc.at[didx.at[j]], add=True)
                return carry

            lax.fori_loop(0, nch, step, 0)
        plsc.subcore_barrier()
        rows = pl.ds(sid * rpt, rpt)
        pltpu.sync_copy(acc0.at[rows], out.at[cid, 0, rows])
        pltpu.sync_copy(acc1.at[rows], out.at[cid, 1, rows])

    return deg_kernel


def _make_sc_agg(n, n_pad, e, d):
    rpt = n_pad // NS
    stg = n // NS
    ew = e // (NC * NS)
    chk = 1000
    nch = ew // chk

    @functools.partial(
        pl.kernel,
        out_type=jax.ShapeDtypeStruct((NC, n_pad, d), jnp.float32),
        mesh=_mesh,
        compiler_params=pltpu.CompilerParams(use_tc_tiling_on_sc=False),
        scratch_types=[
            pltpu.VMEM((nch, chk), jnp.int32),
            pltpu.VMEM((nch, chk), jnp.int32),
            pltpu.VMEM((chk, d), jnp.float32),
            pltpu.VMEM((chk, d), jnp.float32),
            pltpu.SemaphoreType.DMA,
            pltpu.SemaphoreType.DMA,
            pltpu.VMEM_SHARED((n_pad, d), jnp.float32),
            pltpu.VMEM_SHARED((n, d), jnp.float32),
        ],
    )
    def agg_kernel(g_hbm, srcp, dstp, zeros_hbm, out,
                   sidx, didx, rb0, rb1, gs0, gs1, acc, gt):
        cid = lax.axis_index("c")
        sid = lax.axis_index("s")
        wid = cid * NS + sid
        pltpu.sync_copy(zeros_hbm, acc.at[pl.ds(sid * rpt, rpt)])
        srows = pl.ds(sid * stg, stg)
        pltpu.sync_copy(g_hbm.at[srows], gt.at[srows])
        pltpu.sync_copy(srcp.at[wid], sidx)
        pltpu.sync_copy(dstp.at[wid], didx)
        plsc.subcore_barrier()

        def sl(ref, j):
            return ref.at[j]

        pltpu.async_copy(gt.at[sl(sidx, 0)], rb0, gs0)

        def pair(p, carry):
            j0 = 2 * p
            pltpu.async_copy(gt.at[sl(sidx, j0 + 1)], rb1, gs1)
            pltpu.make_async_copy(gt.at[sl(sidx, j0)], rb0, gs0).wait()
            pltpu.sync_copy(rb0, acc.at[sl(didx, j0)], add=True)
            jn = lax.rem(j0 + 2, nch)
            pltpu.async_copy(gt.at[sl(sidx, jn)], rb0, gs0)
            pltpu.make_async_copy(gt.at[sl(sidx, j0 + 1)], rb1, gs1).wait()
            pltpu.sync_copy(rb1, acc.at[sl(didx, j0 + 1)], add=True)
            return carry

        lax.fori_loop(0, nch // 2, pair, 0)
        pltpu.make_async_copy(gt.at[sl(sidx, 0)], rb0, gs0).wait()
        plsc.subcore_barrier()
        rows = pl.ds(sid * rpt, rpt)
        pltpu.sync_copy(acc.at[rows], out.at[cid, rows])

    return agg_kernel


def _dinv_pair(degp_ref):
    dc = degp_ref[0, 0] + degp_ref[1, 0]
    dr = degp_ref[0, 1] + degp_ref[1, 1]
    dinv_c = lax.rsqrt(1.0 + dc[:, 0:1])
    dinv_r = lax.rsqrt(1.0 + dr[:, 0:1])
    return dinv_c, dinv_r


def _tc_pre_body(x_ref, w_ref, degp_ref, gc_ref, gr_ref, dc_ref, dr_ref):
    dinv_c, dinv_r = _dinv_pair(degp_ref)
    h = jnp.dot(x_ref[...], w_ref[...], preferred_element_type=jnp.float32,
                precision=lax.Precision.HIGHEST)
    gc_ref[...] = h[:, :32] * dinv_c
    gr_ref[...] = h[:, 32:] * dinv_r
    dc_ref[...] = dinv_c
    dr_ref[...] = dinv_r


def _tc_mid_body(aggc_ref, aggr_ref, gc_ref, gr_ref, dc_ref, dr_ref,
                 b_c_ref, b_r_ref, w_ref, oc_ref, or_ref):
    dinv_c = dc_ref[...]
    dinv_r = dr_ref[...]
    agg_c = aggc_ref[0] + aggc_ref[1]
    agg_r = aggr_ref[0] + aggr_ref[1]
    pre_c = dinv_c * (agg_c + gc_ref[...]) + b_c_ref[...][None, :]
    pre_r = dinv_r * (agg_r + gr_ref[...]) + b_r_ref[...][None, :]
    h1 = jnp.maximum(0.5 * (pre_c + pre_r), 0.0)
    h2 = jnp.dot(h1, w_ref[...], preferred_element_type=jnp.float32,
                 precision=lax.Precision.HIGHEST)
    oc_ref[...] = h2[:, :32] * dinv_c
    or_ref[...] = h2[:, 32:] * dinv_r


def _tc_post_body(aggc_ref, aggr_ref, gc_ref, gr_ref, dc_ref, dr_ref,
                  b_c_ref, b_r_ref, out_ref):
    dinv_c = dc_ref[...]
    dinv_r = dr_ref[...]
    agg_c = aggc_ref[0] + aggc_ref[1]
    agg_r = aggr_ref[0] + aggr_ref[1]
    pre_c = dinv_c * (agg_c + gc_ref[...]) + b_c_ref[...][None, :]
    pre_r = dinv_r * (agg_r + gr_ref[...]) + b_r_ref[...][None, :]
    out_ref[...] = 0.5 * (pre_c + pre_r)


def kernel(x_paper, edge_index_cites, edge_index_rev_cites,
           W1_cites, b1_cites, W1_rev, b1_rev,
           W2_cites, b2_cites, W2_rev, b2_rev):
    n, d_in = x_paper.shape
    e = edge_index_cites.shape[1]
    h = W1_cites.shape[1]
    out_d = W2_cites.shape[1]
    n_pad = -(-(n + 1) // (8 * NS)) * (8 * NS)
    w_deg = 8
    rpt = n_pad // NS
    chk = 1000
    ones_deg = jnp.ones((chk, w_deg), jnp.float32)
    zeros_deg = jnp.zeros((rpt, w_deg), jnp.float32)
    zeros_agg = jnp.zeros((rpt, h), jnp.float32)

    nw = NC * NS
    nch_e = e // (nw * chk)
    srcp_c = edge_index_cites[0].reshape(nw, nch_e, chk)
    dstp_c = edge_index_cites[1].reshape(nw, nch_e, chk)
    srcp_r = edge_index_rev_cites[0].reshape(nw, nch_e, chk)
    dstp_r = edge_index_rev_cites[1].reshape(nw, nch_e, chk)
    degp = _make_sc_degree(n_pad, e, w_deg)(dstp_c, dstp_r, ones_deg,
                                            zeros_deg)

    nb = 10
    br = n // nb
    row2 = lambda i: (i, 0)
    full2 = lambda i: (0, 0)
    degp_spec = pl.BlockSpec((NC, 2, br, w_deg), lambda i: (0, 0, i, 0))
    aggp_spec = pl.BlockSpec((NC, br, h), lambda i: (0, i, 0))
    gblk = pl.BlockSpec((br, h), row2)
    dblk = pl.BlockSpec((br, 1), row2)
    bspec = pl.BlockSpec((h,), lambda i: (0,))

    w1 = jnp.concatenate([W1_cites, W1_rev], axis=1)
    g1c, g1r, dinv_c, dinv_r = pl.pallas_call(
        _tc_pre_body,
        grid=(nb,),
        in_specs=[pl.BlockSpec((br, d_in), row2),
                  pl.BlockSpec((d_in, 2 * h), full2), degp_spec],
        out_specs=[gblk, gblk, dblk, dblk],
        out_shape=[jax.ShapeDtypeStruct((n, h), jnp.float32)] * 2
        + [jax.ShapeDtypeStruct((n, 1), jnp.float32)] * 2,
    )(x_paper, w1, degp)

    sc_agg = _make_sc_agg(n, n_pad, e, h)
    agg1c = sc_agg(g1c, srcp_c, dstp_c, zeros_agg)
    agg1r = sc_agg(g1r, srcp_r, dstp_r, zeros_agg)

    w2 = jnp.concatenate([W2_cites, W2_rev], axis=1)
    g2c, g2r = pl.pallas_call(
        _tc_mid_body,
        grid=(nb,),
        in_specs=[aggp_spec, aggp_spec, gblk, gblk, dblk, dblk, bspec,
                  bspec, pl.BlockSpec((h, 2 * out_d), full2)],
        out_specs=[gblk, gblk],
        out_shape=[jax.ShapeDtypeStruct((n, out_d), jnp.float32)] * 2,
    )(agg1c, agg1r, g1c, g1r, dinv_c, dinv_r, b1_cites, b1_rev, w2)

    agg2c = sc_agg(g2c, srcp_c, dstp_c, zeros_agg)
    agg2r = sc_agg(g2r, srcp_r, dstp_r, zeros_agg)

    out = pl.pallas_call(
        _tc_post_body,
        grid=(nb,),
        in_specs=[aggp_spec, aggp_spec, gblk, gblk, dblk, dblk, bspec,
                  bspec],
        out_specs=gblk,
        out_shape=jax.ShapeDtypeStruct((n, out_d), jnp.float32),
    )(agg2c, agg2r, g2c, g2r, dinv_c, dinv_r, b2_cites, b2_rev)
    return out

# --- scband reference (transcript-rebuilt; emitter-appended) ---
"""Pipeline reference for scband-gcnencoder-56427280335130 (READ-ONLY COPY).

The authoritative reference and input builder live on the scoring server;
editing this copy changes nothing except your own understanding.
"""

import jax, jax.numpy as jnp
import numpy as np

N = 10000
E = 320000
D_IN = 128
H = 32
OUT = 32


def gcn_conv(x, edge_index, W, b):
    # Faithful GCNConv: linear -> symmetric-normalized propagate (with self loops) -> bias
    n = x.shape[0]
    loop = jnp.arange(n, dtype=edge_index.dtype)
    src = jnp.concatenate([edge_index[0], loop])
    dst = jnp.concatenate([edge_index[1], loop])
    deg = jnp.zeros((n,), x.dtype).at[dst].add(1.0)
    dinv = jnp.where(deg > 0, jax.lax.rsqrt(deg), 0.0)
    norm = dinv[src] * dinv[dst]
    h = x @ W
    msg = h[src] * norm[:, None]
    out = jnp.zeros((n, W.shape[1]), x.dtype).at[dst].add(msg)
    return out + b


def setup_inputs(seed: int = 0):
    key = jax.random.key(seed)
    ks = jax.random.split(key, 12)
    x_paper = jax.random.normal(ks[0], (N, D_IN), dtype=jnp.float32)
    edge_index_cites = jax.random.randint(ks[1], (2, E), 0, N, dtype=jnp.int32)
    edge_index_rev_cites = jax.random.randint(ks[2], (2, E), 0, N, dtype=jnp.int32)
    s1 = 1.0 / np.sqrt(D_IN)
    s2 = 1.0 / np.sqrt(H)
    W1_cites = jax.random.normal(ks[3], (D_IN, H), dtype=jnp.float32) * s1
    b1_cites = jnp.zeros((H,), dtype=jnp.float32)
    W1_rev = jax.random.normal(ks[4], (D_IN, H), dtype=jnp.float32) * s1
    b1_rev = jnp.zeros((H,), dtype=jnp.float32)
    W2_cites = jax.random.normal(ks[5], (H, OUT), dtype=jnp.float32) * s2
    b2_cites = jnp.zeros((OUT,), dtype=jnp.float32)
    W2_rev = jax.random.normal(ks[6], (H, OUT), dtype=jnp.float32) * s2
    b2_rev = jnp.zeros((OUT,), dtype=jnp.float32)
    return {
        "x_paper": x_paper,
        "edge_index_cites": edge_index_cites,
        "edge_index_rev_cites": edge_index_rev_cites,
        "W1_cites": W1_cites, "b1_cites": b1_cites,
        "W1_rev": W1_rev, "b1_rev": b1_rev,
        "W2_cites": W2_cites, "b2_cites": b2_cites,
        "W2_rev": W2_rev, "b2_rev": b2_rev,
    }


def reference(x_paper, edge_index_cites, edge_index_rev_cites,
              W1_cites, b1_cites, W1_rev, b1_rev,
              W2_cites, b2_cites, W2_rev, b2_rev):
    # Layer 1: HeteroConv with aggr='mean' across the two relations targeting 'paper'
    h_c = gcn_conv(x_paper, edge_index_cites, W1_cites, b1_cites)
    h_r = gcn_conv(x_paper, edge_index_rev_cites, W1_rev, b1_rev)
    h1 = 0.5 * (h_c + h_r)
    h1 = jax.nn.relu(h1)
    # Layer 2 (no relu after last layer)
    o_c = gcn_conv(h1, edge_index_cites, W2_cites, b2_cites)
    o_r = gcn_conv(h1, edge_index_rev_cites, W2_rev, b2_rev)
    out = 0.5 * (o_c + o_r)
    return out

if __name__ == "__main__":
    import jax
    _d = setup_inputs()
    print(jax.jit(kernel)(*tuple(_d.values())))

</pallas_src>

<mosaic_0001>
#map = affine_map<(d0, d1) -> (0, 0)>
#map1 = affine_map<(d0, d1) -> (0, 0, 0)>
module attributes {stable_mosaic.version = 14 : i64} {
  func.func @agg_kernel(%arg0: i32, %arg1: i32, %arg2: memref<10000x32xf32, #tpu.memory_space<hbm>>, %arg3: memref<32x10x1000xi32, #tpu.memory_space<hbm>>, %arg4: memref<32x10x1000xi32, #tpu.memory_space<hbm>>, %arg5: memref<632x32xf32, #tpu.memory_space<hbm>>, %arg6: memref<2x10112x32xf32, #tpu.memory_space<hbm>>, %arg7: memref<10x1000xi32, #tpu.memory_space<vmem>>, %arg8: memref<10x1000xi32, #tpu.memory_space<vmem>>, %arg9: memref<1000x32xf32, #tpu.memory_space<vmem>>, %arg10: memref<1000x32xf32, #tpu.memory_space<vmem>>, %arg11: memref<!tpu.dma_semaphore, #tpu.memory_space<semaphore_mem>>, %arg12: memref<!tpu.dma_semaphore, #tpu.memory_space<semaphore_mem>>, %arg13: memref<10112x32xf32, #tpu.memory_space<vmem_shared>>, %arg14: memref<10000x32xf32, #tpu.memory_space<vmem_shared>>) attributes {dimension_semantics = [#tpu.dimension_semantics<core_parallel>, #tpu.dimension_semantics<subcore_parallel>], iteration_bounds = array<i64: 2, 16>, scalar_prefetch = 0 : i64, scratch_operands = 8 : i64, tpu.core_type = #tpu.core_type<sc_vector_subcore>, window_params = [{transform_indices = #map}, {transform_indices = #map1}, {transform_indices = #map1}, {transform_indices = #map}, {transform_indices = #map1}]} {
    %mul3A = arith.constant 16 : i32
    %mul3A_0 = arith.muli %arg0, %mul3A : i32
    %add3A = arith.addi %mul3A_0, %arg1 : i32
    %mul3A_1 = arith.constant 632 : i32
    %mul3A_2 = arith.muli %arg1, %mul3A_1 : i32
    "tpu.region"() ({
      %run_scoped3A = tpu.sem_alloc : memref<!tpu.dma_semaphore, #tpu.memory_space<semaphore_mem>>
      %dma_start3A_25 = arith.constant 0 : i32
      %dma_start3A_26 = tpu.memref_slice %arg13[%mul3A_2, %dma_start3A_25] : memref<10112x32xf32, #tpu.memory_space<vmem_shared>> -> memref<632x32xf32, #tpu.memory_space<vmem_shared>>
      tpu.enqueue_dma source(%arg5 : memref<632x32xf32, #tpu.memory_space<hbm>>) target(%dma_start3A_26 : memref<632x32xf32, #tpu.memory_space<vmem_shared>>) target_semaphore(%run_scoped3A : memref<!tpu.dma_semaphore, #tpu.memory_space<semaphore_mem>>)
      %dma_wait3A_27 = arith.constant 0 : i32
      %dma_wait3A_28 = tpu.memref_slice %arg13[%mul3A_2, %dma_wait3A_27] : memref<10112x32xf32, #tpu.memory_space<vmem_shared>> -> memref<632x32xf32, #tpu.memory_space<vmem_shared>>
      tpu.wait_dma2 semaphore(%run_scoped3A : memref<!tpu.dma_semaphore, #tpu.memory_space<semaphore_mem>>) src(%arg5 : memref<632x32xf32, #tpu.memory_space<hbm>>) dst(%dma_wait3A_28 : memref<632x32xf32, #tpu.memory_space<vmem_shared>>)
      tpu.yield
    }) : () -> ()
    %mul3A_3 = arith.constant 625 : i32
    %mul3A_4 = arith.muli %arg1, %mul3A_3 : i32
    "tpu.region"() ({
      %run_scoped3A = tpu.sem_alloc : memref<!tpu.dma_semaphore, #tpu.memory_space<semaphore_mem>>
      %dma_start3A_25 = arith.constant 0 : i32
      %dma_start3A_26 = tpu.memref_slice %arg14[%mul3A_4, %dma_start3A_25] : memref<10000x32xf32, #tpu.memory_space<vmem_shared>> -> memref<625x32xf32, #tpu.memory_space<vmem_shared>>
      %dma_start3A_27 = arith.constant 0 : i32
      %dma_start3A_28 = tpu.memref_slice %arg2[%mul3A_4, %dma_start3A_27] : memref<10000x32xf32, #tpu.memory_space<hbm>> -> memref<625x32xf32, #tpu.memory_space<hbm>>
      tpu.enqueue_dma source(%dma_start3A_28 : memref<625x32xf32, #tpu.memory_space<hbm>>) target(%dma_start3A_26 : memref<625x32xf32, #tpu.memory_space<vmem_shared>>) target_semaphore(%run_scoped3A : memref<!tpu.dma_semaphore, #tpu.memory_space<semaphore_mem>>)
      %dma_wait3A_29 = arith.constant 0 : i32
      %dma_wait3A_30 = tpu.memref_slice %arg14[%mul3A_4, %dma_wait3A_29] : memref<10000x32xf32, #tpu.memory_space<vmem_shared>> -> memref<625x32xf32, #tpu.memory_space<vmem_shared>>
      %dma_wait3A_31 = arith.constant 0 : i32
      %dma_wait3A_32 = tpu.memref_slice %arg2[%mul3A_4, %dma_wait3A_31] : memref<10000x32xf32, #tpu.memory_space<hbm>> -> memref<625x32xf32, #tpu.memory_space<hbm>>
      tpu.wait_dma2 semaphore(%run_scoped3A : memref<!tpu.dma_semaphore, #tpu.memory_space<semaphore_mem>>) src(%dma_wait3A_32 : memref<625x32xf32, #tpu.memory_space<hbm>>) dst(%dma_wait3A_30 : memref<625x32xf32, #tpu.memory_space<vmem_shared>>)
      tpu.yield
    }) : () -> ()
    "tpu.region"() ({
      %run_scoped3A = tpu.sem_alloc : memref<!tpu.dma_semaphore, #tpu.memory_space<semaphore_mem>>
      %dma_start3A_25 = arith.constant 0 : i32
      %dma_start3A_26 = arith.constant 0 : i32
      %dma_start3A_27 = tpu.memref_slice %arg3[%add3A, %dma_start3A_25, %dma_start3A_26] : memref<32x10x1000xi32, #tpu.memory_space<hbm>> -> memref<1x10x1000xi32, #tpu.memory_space<hbm>>
      %dma_start3A_28 = tpu.memref_squeeze %dma_start3A_27 : memref<1x10x1000xi32, #tpu.memory_space<hbm>> -> memref<10x1000xi32, #tpu.memory_space<hbm>>
      %dma_start3A_29 = arith.constant 0 : i32
      %dma_start3A_30 = arith.constant 0 : i32
      %dma_start3A_31 = tpu.memref_slice %arg3[%add3A, %dma_start3A_29, %dma_start3A_30] : memref<32x10x1000xi32, #tpu.memory_space<hbm>> -> memref<1x10x1000xi32, #tpu.memory_space<hbm>>
      %dma_start3A_32 = tpu.memref_squeeze %dma_start3A_31 : memref<1x10x1000xi32, #tpu.memory_space<hbm>> -> memref<10x1000xi32, #tpu.memory_space<hbm>>
      tpu.enqueue_dma source(%dma_start3A_32 : memref<10x1000xi32, #tpu.memory_space<hbm>>) target(%arg7 : memref<10x1000xi32, #tpu.memory_space<vmem>>) target_semaphore(%run_scoped3A : memref<!tpu.dma_semaphore, #tpu.memory_space<semaphore_mem>>)
      %dma_wait3A_33 = arith.constant 0 : i32
      %dma_wait3A_34 = arith.constant 0 : i32
      %dma_wait3A_35 = tpu.memref_slice %arg3[%add3A, %dma_wait3A_33, %dma_wait3A_34] : memref<32x10x1000xi32, #tpu.memory_space<hbm>> -> memref<1x10x1000xi32, #tpu.memory_space<hbm>>
      %dma_wait3A_36 = tpu.memref_squeeze %dma_wait3A_35 : memref<1x10x1000xi32, #tpu.memory_space<hbm>> -> memref<10x1000xi32, #tpu.memory_space<hbm>>
      %dma_wait3A_37 = arith.constant 0 : i32
      %dma_wait3A_38 = arith.constant 0 : i32
      %dma_wait3A_39 = tpu.memref_slice %arg3[%add3A, %dma_wait3A_37, %dma_wait3A_38] : memref<32x10x1000xi32, #tpu.memory_space<hbm>> -> memref<1x10x1000xi32, #tpu.memory_space<hbm>>
      %dma_wait3A_40 = tpu.memref_squeeze %dma_wait3A_39 : memref<1x10x1000xi32, #tpu.memory_space<hbm>> -> memref<10x1000xi32, #tpu.memory_space<hbm>>
      tpu.wait_dma2 semaphore(%run_scoped3A : memref<!tpu.dma_semaphore, #tpu.memory_space<semaphore_mem>>) src(%dma_wait3A_40 : memref<10x1000xi32, #tpu.memory_space<hbm>>) dst(%arg7 : memref<10x1000xi32, #tpu.memory_space<vmem>>)
      tpu.yield
    }) : () -> ()
    "tpu.region"() ({
      %run_scoped3A = tpu.sem_alloc : memref<!tpu.dma_semaphore, #tpu.memory_space<semaphore_mem>>
      %dma_start3A_25 = arith.constant 0 : i32
      %dma_start3A_26 = arith.constant 0 : i32
      %dma_start3A_27 = tpu.memref_slice %arg4[%add3A, %dma_start3A_25, %dma_start3A_26] : memref<32x10x1000xi32, #tpu.memory_space<hbm>> -> memref<1x10x1000xi32, #tpu.memory_space<hbm>>
      %dma_start3A_28 = tpu.memref_squeeze %dma_start3A_27 : memref<1x10x1000xi32, #tpu.memory_space<hbm>> -> memref<10x1000xi32, #tpu.memory_space<hbm>>
      %dma_start3A_29 = arith.constant 0 : i32
      %dma_start3A_30 = arith.constant 0 : i32
      %dma_start3A_31 = tpu.memref_slice %arg4[%add3A, %dma_start3A_29, %dma_start3A_30] : memref<32x10x1000xi32, #tpu.memory_space<hbm>> -> memref<1x10x1000xi32, #tpu.memory_space<hbm>>
      %dma_start3A_32 = tpu.memref_squeeze %dma_start3A_31 : memref<1x10x1000xi32, #tpu.memory_space<hbm>> -> memref<10x1000xi32, #tpu.memory_space<hbm>>
      tpu.enqueue_dma source(%dma_start3A_32 : memref<10x1000xi32, #tpu.memory_space<hbm>>) target(%arg8 : memref<10x1000xi32, #tpu.memory_space<vmem>>) target_semaphore(%run_scoped3A : memref<!tpu.dma_semaphore, #tpu.memory_space<semaphore_mem>>)
      %dma_wait3A_33 = arith.constant 0 : i32
      %dma_wait3A_34 = arith.constant 0 : i32
      %dma_wait3A_35 = tpu.memref_slice %arg4[%add3A, %dma_wait3A_33, %dma_wait3A_34] : memref<32x10x1000xi32, #tpu.memory_space<hbm>> -> memref<1x10x1000xi32, #tpu.memory_space<hbm>>
      %dma_wait3A_36 = tpu.memref_squeeze %dma_wait3A_35 : memref<1x10x1000xi32, #tpu.memory_space<hbm>> -> memref<10x1000xi32, #tpu.memory_space<hbm>>
      %dma_wait3A_37 = arith.constant 0 : i32
      %dma_wait3A_38 = arith.constant 0 : i32
      %dma_wait3A_39 = tpu.memref_slice %arg4[%add3A, %dma_wait3A_37, %dma_wait3A_38] : memref<32x10x1000xi32, #tpu.memory_space<hbm>> -> memref<1x10x1000xi32, #tpu.memory_space<hbm>>
      %dma_wait3A_40 = tpu.memref_squeeze %dma_wait3A_39 : memref<1x10x1000xi32, #tpu.memory_space<hbm>> -> memref<10x1000xi32, #tpu.memory_space<hbm>>
      tpu.wait_dma2 semaphore(%run_scoped3A : memref<!tpu.dma_semaphore, #tpu.memory_space<semaphore_mem>>) src(%dma_wait3A_40 : memref<10x1000xi32, #tpu.memory_space<hbm>>) dst(%arg8 : memref<10x1000xi32, #tpu.memory_space<vmem>>)
      tpu.yield
    }) : () -> ()
    %barrier3A = arith.constant 0 : index
    tpu.barrier barrier_id(%barrier3A)
    %dma_start3A = arith.constant 0 : i32
    %dma_start3A_5 = arith.constant 0 : i32
    %dma_start3A_6 = tpu.memref_slice %arg7[%dma_start3A, %dma_start3A_5] : memref<10x1000xi32, #tpu.memory_space<vmem>> -> memref<1x1000xi32, #tpu.memory_space<vmem>>
    %dma_start3A_7 = tpu.memref_squeeze %dma_start3A_6 : memref<1x1000xi32, #tpu.memory_space<vmem>> -> memref<1000xi32, #tpu.memory_space<vmem>>
    %dma_start3A_8 = arith.constant 0 : i32
    %dma_start3A_9 = arith.constant 0 : i32
    %dma_start3A_10 = tpu.memref_slice %arg14[%dma_start3A_8, %dma_start3A_9] : memref<10000x32xf32, #tpu.memory_space<vmem_shared>> -> memref<10000x32xf32, #tpu.memory_space<vmem_shared>>
    tpu.enqueue_indirect_dma source(%dma_start3A_10 : memref<10000x32xf32, #tpu.memory_space<vmem_shared>>) target(%arg9 : memref<1000x32xf32, #tpu.memory_space<vmem>>) offsets(%dma_start3A_7 : memref<1000xi32, #tpu.memory_space<vmem>>) semaphore(%arg11 : memref<!tpu.dma_semaphore, #tpu.memory_space<semaphore_mem>>)
    %scan3A = arith.constant 0 : i32
    %scan3A_11 = arith.constant 0 : i32
    %scan3A_12 = arith.constant 5 : i32
    %scan3A_13 = arith.addi %scan3A_11, %scan3A_12 : i32
    %scan3A_14 = arith.constant 1 : i32
    scf.for %scan3A_25 = %scan3A_11 to %scan3A_13 step %scan3A_14  : i32 {
      %mul3A_26 = arith.constant 2 : i32
      %mul3A_27 = arith.muli %mul3A_26, %scan3A_25 : i32
      %add3A_28 = arith.constant 1 : i32
      %add3A_29 = arith.addi %mul3A_27, %add3A_28 : i32
      %dma_start3A_30 = arith.constant 0 : i32
      %dma_start3A_31 = tpu.memref_slice %arg7[%add3A_29, %dma_start3A_30] : memref<10x1000xi32, #tpu.memory_space<vmem>> -> memref<1x1000xi32, #tpu.memory_space<vmem>>
      %dma_start3A_32 = tpu.memref_squeeze %dma_start3A_31 : memref<1x1000xi32, #tpu.memory_space<vmem>> -> memref<1000xi32, #tpu.memory_space<vmem>>
      %dma_start3A_33 = arith.constant 0 : i32
      %dma_start3A_34 = arith.constant 0 : i32
      %dma_start3A_35 = tpu.memref_slice %arg14[%dma_start3A_33, %dma_start3A_34] : memref<10000x32xf32, #tpu.memory_space<vmem_shared>> -> memref<10000x32xf32, #tpu.memory_space<vmem_shared>>
      tpu.enqueue_indirect_dma source(%dma_start3A_35 : memref<10000x32xf32, #tpu.memory_space<vmem_shared>>) target(%arg10 : memref<1000x32xf32, #tpu.memory_space<vmem>>) offsets(%dma_start3A_32 : memref<1000xi32, #tpu.memory_space<vmem>>) semaphore(%arg12 : memref<!tpu.dma_semaphore, #tpu.memory_space<semaphore_mem>>)
      %dma_wait3A_36 = arith.constant 0 : i32
      %dma_wait3A_37 = tpu.memref_slice %arg7[%mul3A_27, %dma_wait3A_36] : memref<10x1000xi32, #tpu.memory_space<vmem>> -> memref<1x1000xi32, #tpu.memory_space<vmem>>
      %dma_wait3A_38 = tpu.memref_squeeze %dma_wait3A_37 : memref<1x1000xi32, #tpu.memory_space<vmem>> -> memref<1000xi32, #tpu.memory_space<vmem>>
      %dma_wait3A_39 = arith.constant 0 : i32
      %dma_wait3A_40 = arith.constant 0 : i32
      %dma_wait3A_41 = tpu.memref_slice %arg14[%dma_wait3A_39, %dma_wait3A_40] : memref<10000x32xf32, #tpu.memory_space<vmem_shared>> -> memref<10000x32xf32, #tpu.memory_space<vmem_shared>>
      tpu.wait_indirect_dma semaphore(%arg11 : memref<!tpu.dma_semaphore, #tpu.memory_space<semaphore_mem>>) src(%dma_wait3A_41 : memref<10000x32xf32, #tpu.memory_space<vmem_shared>>) dst(%arg9 : memref<1000x32xf32, #tpu.memory_space<vmem>>)
      "tpu.region"() ({
        %run_scoped3A = tpu.sem_alloc : memref<!tpu.dma_semaphore, #tpu.memory_space<semaphore_mem>>
        %dma_start3A_61 = arith.constant 0 : i32
        %dma_start3A_62 = tpu.memref_slice %arg8[%mul3A_27, %dma_start3A_61] : memref<10x1000xi32, #tpu.memory_space<vmem>> -> memref<1x1000xi32, #tpu.memory_space<vmem>>
        %dma_start3A_63 = tpu.memref_squeeze %dma_start3A_62 : memref<1x1000xi32, #tpu.memory_space<vmem>> -> memref<1000xi32, #tpu.memory_space<vmem>>
        %dma_start3A_64 = arith.constant 0 : i32
        %dma_start3A_65 = arith.constant 0 : i32
        %dma_start3A_66 = tpu.memref_slice %arg13[%dma_start3A_64, %dma_start3A_65] : memref<10112x32xf32, #tpu.memory_space<vmem_shared>> -> memref<10112x32xf32, #tpu.memory_space<vmem_shared>>
        tpu.enqueue_indirect_dma source(%arg9 : memref<1000x32xf32, #tpu.memory_space<vmem>>) target(%dma_start3A_66 : memref<10112x32xf32, #tpu.memory_space<vmem_shared>>) offsets(%dma_start3A_63 : memref<1000xi32, #tpu.memory_space<vmem>>) semaphore(%run_scoped3A : memref<!tpu.dma_semaphore, #tpu.memory_space<semaphore_mem>>) {add = true}
        %dma_wait3A_67 = arith.constant 0 : i32
        %dma_wait3A_68 = tpu.memref_slice %arg8[%mul3A_27, %dma_wait3A_67] : memref<10x1000xi32, #tpu.memory_space<vmem>> -> memref<1x1000xi32, #tpu.memory_space<vmem>>
        %dma_wait3A_69 = tpu.memref_squeeze %dma_wait3A_68 : memref<1x1000xi32, #tpu.memory_space<vmem>> -> memref<1000xi32, #tpu.memory_space<vmem>>
        %dma_wait3A_70 = arith.constant 0 : i32
        %dma_wait3A_71 = arith.constant 0 : i32
        %dma_wait3A_72 = tpu.memref_slice %arg13[%dma_wait3A_70, %dma_wait3A_71] : memref<10112x32xf32, #tpu.memory_space<vmem_shared>> -> memref<10112x32xf32, #tpu.memory_space<vmem_shared>>
        tpu.wait_indirect_dma semaphore(%run_scoped3A : memref<!tpu.dma_semaphore, #tpu.memory_space<semaphore_mem>>) src(%arg9 : memref<1000x32xf32, #tpu.memory_space<vmem>>) dst(%dma_wait3A_72 : memref<10112x32xf32, #tpu.memory_space<vmem_shared>>)
        tpu.yield
      }) : () -> ()
      %add3A_42 = arith.constant 2 : i32
      %add3A_43 = arith.addi %mul3A_27, %add3A_42 : i32
      %rem3A = arith.constant 10 : i32
      %rem3A_44 = arith.remsi %add3A_43, %rem3A : i32
      %dma_start3A_45 = arith.constant 0 : i32
      %dma_start3A_46 = tpu.memref_slice %arg7[%rem3A_44, %dma_start3A_45] : memref<10x1000xi32, #tpu.memory_space<vmem>> -> memref<1x1000xi32, #tpu.memory_space<vmem>>
      %dma_start3A_47 = tpu.memref_squeeze %dma_start3A_46 : memref<1x1000xi32, #tpu.memory_space<vmem>> -> memref<1000xi32, #tpu.memory_space<vmem>>
      %dma_start3A_48 = arith.constant 0 : i32
      %dma_start3A_49 = arith.constant 0 : i32
      %dma_start3A_50 = tpu.memref_slice %arg14[%dma_start3A_48, %dma_start3A_49] : memref<10000x32xf32, #tpu.memory_space<vmem_shared>> -> memref<10000x32xf32, #tpu.memory_space<vmem_shared>>
      tpu.enqueue_indirect_dma source(%dma_start3A_50 : memref<10000x32xf32, #tpu.memory_space<vmem_shared>>) target(%arg9 : memref<1000x32xf32, #tpu.memory_space<vmem>>) offsets(%dma_start3A_47 : memref<1000xi32, #tpu.memory_space<vmem>>) semaphore(%arg11 : memref<!tpu.dma_semaphore, #tpu.memory_space<semaphore_mem>>)
      %add3A_51 = arith.constant 1 : i32
      %add3A_52 = arith.addi %mul3A_27, %add3A_51 : i32
      %dma_wait3A_53 = arith.constant 0 : i32
      %dma_wait3A_54 = tpu.memref_slice %arg7[%add3A_52, %dma_wait3A_53] : memref<10x1000xi32, #tpu.memory_space<vmem>> -> memref<1x1000xi32, #tpu.memory_space<vmem>>
      %dma_wait3A_55 = tpu.memref_squeeze %dma_wait3A_54 : memref<1x1000xi32, #tpu.memory_space<vmem>> -> memref<1000xi32, #tpu.memory_space<vmem>>
      %dma_wait3A_56 = arith.constant 0 : i32
      %dma_wait3A_57 = arith.constant 0 : i32
      %dma_wait3A_58 = tpu.memref_slice %arg14[%dma_wait3A_56, %dma_wait3A_57] : memref<10000x32xf32, #tpu.memory_space<vmem_shared>> -> memref<10000x32xf32, #tpu.memory_space<vmem_shared>>
      tpu.wait_indirect_dma semaphore(%arg12 : memref<!tpu.dma_semaphore, #tpu.memory_space<semaphore_mem>>) src(%dma_wait3A_58 : memref<10000x32xf32, #tpu.memory_space<vmem_shared>>) dst(%arg10 : memref<1000x32xf32, #tpu.memory_space<vmem>>)
      %add3A_59 = arith.constant 1 : i32
      %add3A_60 = arith.addi %mul3A_27, %add3A_59 : i32
      "tpu.region"() ({
        %run_scoped3A = tpu.sem_alloc : memref<!tpu.dma_semaphore, #tpu.memory_space<semaphore_mem>>
        %dma_start3A_61 = arith.constant 0 : i32
        %dma_start3A_62 = tpu.memref_slice %arg8[%add3A_60, %dma_start3A_61] : memref<10x1000xi32, #tpu.memory_space<vmem>> -> memref<1x1000xi32, #tpu.memory_space<vmem>>
        %dma_start3A_63 = tpu.memref_squeeze %dma_start3A_62 : memref<1x1000xi32, #tpu.memory_space<vmem>> -> memref<1000xi32, #tpu.memory_space<vmem>>
        %dma_start3A_64 = arith.constant 0 : i32
        %dma_start3A_65 = arith.constant 0 : i32
        %dma_start3A_66 = tpu.memref_slice %arg13[%dma_start3A_64, %dma_start3A_65] : memref<10112x32xf32, #tpu.memory_space<vmem_shared>> -> memref<10112x32xf32, #tpu.memory_space<vmem_shared>>
        tpu.enqueue_indirect_dma source(%arg10 : memref<1000x32xf32, #tpu.memory_space<vmem>>) target(%dma_start3A_66 : memref<10112x32xf32, #tpu.memory_space<vmem_shared>>) offsets(%dma_start3A_63 : memref<1000xi32, #tpu.memory_space<vmem>>) semaphore(%run_scoped3A : memref<!tpu.dma_semaphore, #tpu.memory_space<semaphore_mem>>) {add = true}
        %dma_wait3A_67 = arith.constant 0 : i32
        %dma_wait3A_68 = tpu.memref_slice %arg8[%add3A_60, %dma_wait3A_67] : memref<10x1000xi32, #tpu.memory_space<vmem>> -> memref<1x1000xi32, #tpu.memory_space<vmem>>
        %dma_wait3A_69 = tpu.memref_squeeze %dma_wait3A_68 : memref<1x1000xi32, #tpu.memory_space<vmem>> -> memref<1000xi32, #tpu.memory_space<vmem>>
        %dma_wait3A_70 = arith.constant 0 : i32
        %dma_wait3A_71 = arith.constant 0 : i32
        %dma_wait3A_72 = tpu.memref_slice %arg13[%dma_wait3A_70, %dma_wait3A_71] : memref<10112x32xf32, #tpu.memory_space<vmem_shared>> -> memref<10112x32xf32, #tpu.memory_space<vmem_shared>>
        tpu.wait_indirect_dma semaphore(%run_scoped3A : memref<!tpu.dma_semaphore, #tpu.memory_space<semaphore_mem>>) src(%arg10 : memref<1000x32xf32, #tpu.memory_space<vmem>>) dst(%dma_wait3A_72 : memref<10112x32xf32, #tpu.memory_space<vmem_shared>>)
        tpu.yield
      }) : () -> ()
    }
    %scan3A_15 = arith.constant 5 : i32
    %dma_wait3A = arith.constant 0 : i32
    %dma_wait3A_16 = arith.constant 0 : i32
    %dma_wait3A_17 = tpu.memref_slice %arg7[%dma_wait3A, %dma_wait3A_16] : memref<10x1000xi32, #tpu.memory_space<vmem>> -> memref<1x1000xi32, #tpu.memory_space<vmem>>
    %dma_wait3A_18 = tpu.memref_squeeze %dma_wait3A_17 : memref<1x1000xi32, #tpu.memory_space<vmem>> -> memref<1000xi32, #tpu.memory_space<vmem>>
    %dma_wait3A_19 = arith.constant 0 : i32
    %dma_wait3A_20 = arith.constant 0 : i32
    %dma_wait3A_21 = tpu.memref_slice %arg14[%dma_wait3A_19, %dma_wait3A_20] : memref<10000x32xf32, #tpu.memory_space<vmem_shared>> -> memref<10000x32xf32, #tpu.memory_space<vmem_shared>>
    tpu.wait_indirect_dma semaphore(%arg11 : memref<!tpu.dma_semaphore, #tpu.memory_space<semaphore_mem>>) src(%dma_wait3A_21 : memref<10000x32xf32, #tpu.memory_space<vmem_shared>>) dst(%arg9 : memref<1000x32xf32, #tpu.memory_space<vmem>>)
    %barrier3A_22 = arith.constant 0 : index
    tpu.barrier barrier_id(%barrier3A_22)
    %mul3A_23 = arith.constant 632 : i32
    %mul3A_24 = arith.muli %arg1, %mul3A_23 : i32
    "tpu.region"() ({
      %run_scoped3A = tpu.sem_alloc : memref<!tpu.dma_semaphore, #tpu.memory_space<semaphore_mem>>
      %dma_start3A_25 = arith.constant 0 : i32
      %dma_start3A_26 = tpu.memref_slice %arg6[%arg0, %mul3A_24, %dma_start3A_25] : memref<2x10112x32xf32, #tpu.memory_space<hbm>> -> memref<1x632x32xf32, #tpu.memory_space<hbm>>
      %dma_start3A_27 = tpu.memref_squeeze %dma_start3A_26 : memref<1x632x32xf32, #tpu.memory_space<hbm>> -> memref<632x32xf32, #tpu.memory_space<hbm>>
      %dma_start3A_28 = arith.constant 0 : i32
      %dma_start3A_29 = tpu.memref_slice %arg13[%mul3A_24, %dma_start3A_28] : memref<10112x32xf32, #tpu.memory_space<vmem_shared>> -> memref<632x32xf32, #tpu.memory_space<vmem_shared>>
      tpu.enqueue_dma source(%dma_start3A_29 : memref<632x32xf32, #tpu.memory_space<vmem_shared>>) target(%dma_start3A_27 : memref<632x32xf32, #tpu.memory_space<hbm>>) target_semaphore(%run_scoped3A : memref<!tpu.dma_semaphore, #tpu.memory_space<semaphore_mem>>)
      %dma_wait3A_30 = arith.constant 0 : i32
      %dma_wait3A_31 = tpu.memref_slice %arg6[%arg0, %mul3A_24, %dma_wait3A_30] : memref<2x10112x32xf32, #tpu.memory_space<hbm>> -> memref<1x632x32xf32, #tpu.memory_space<hbm>>
      %dma_wait3A_32 = tpu.memref_squeeze %dma_wait3A_31 : memref<1x632x32xf32, #tpu.memory_space<hbm>> -> memref<632x32xf32, #tpu.memory_space<hbm>>
      %dma_wait3A_33 = arith.constant 0 : i32
      %dma_wait3A_34 = tpu.memref_slice %arg13[%mul3A_24, %dma_wait3A_33] : memref<10112x32xf32, #tpu.memory_space<vmem_shared>> -> memref<632x32xf32, #tpu.memory_space<vmem_shared>>
      tpu.wait_dma2 semaphore(%run_scoped3A : memref<!tpu.dma_semaphore, #tpu.memory_space<semaphore_mem>>) src(%dma_wait3A_34 : memref<632x32xf32, #tpu.memory_space<vmem_shared>>) dst(%dma_wait3A_32 : memref<632x32xf32, #tpu.memory_space<hbm>>)
      tpu.yield
    }) : () -> ()
    return
  }
}

#map = affine_map<(d0, d1) -> (0, 0)>
#map1 = affine_map<(d0, d1) -> (0, 0, 0)>
module attributes {stable_mosaic.version = 14 : i64} {
  func.func @agg_kernel(%arg0: i32, %arg1: i32, %arg2: memref<10000x32xf32, #tpu.memory_space<hbm>>, %arg3: memref<32x10x1000xi32, #tpu.memory_space<hbm>>, %arg4: memref<32x10x1000xi32, #tpu.memory_space<hbm>>, %arg5: memref<632x32xf32, #tpu.memory_space<hbm>>, %arg6: memref<2x10112x32xf32, #tpu.memory_space<hbm>>, %arg7: memref<10x1000xi32, #tpu.memory_space<vmem>>, %arg8: memref<10x1000xi32, #tpu.memory_space<vmem>>, %arg9: memref<1000x32xf32, #tpu.memory_space<vmem>>, %arg10: memref<1000x32xf32, #tpu.memory_space<vmem>>, %arg11: memref<!tpu.dma_semaphore, #tpu.memory_space<semaphore_mem>>, %arg12: memref<!tpu.dma_semaphore, #tpu.memory_space<semaphore_mem>>, %arg13: memref<10112x32xf32, #tpu.memory_space<vmem_shared>>, %arg14: memref<10000x32xf32, #tpu.memory_space<vmem_shared>>) attributes {dimension_semantics = [#tpu.dimension_semantics<core_parallel>, #tpu.dimension_semantics<subcore_parallel>], iteration_bounds = array<i64: 2, 16>, scalar_prefetch = 0 : i64, scratch_operands = 8 : i64, tpu.core_type = #tpu.core_type<sc_vector_subcore>, window_params = [{transform_indices = #map}, {transform_indices = #map1}, {transform_indices = #map1}, {transform_indices = #map}, {transform_indices = #map1}]} {
    %mul3A = arith.constant 16 : i32
    %mul3A_0 = arith.muli %arg0, %mul3A : i32
    %add3A = arith.addi %mul3A_0, %arg1 : i32
    %mul3A_1 = arith.constant 632 : i32
    %mul3A_2 = arith.muli %arg1, %mul3A_1 : i32
    "tpu.region"() ({
      %run_scoped3A = tpu.sem_alloc : memref<!tpu.dma_semaphore, #tpu.memory_space<semaphore_mem>>
      %dma_start3A_25 = arith.constant 0 : i32
      %dma_start3A_26 = tpu.memref_slice %arg13[%mul3A_2, %dma_start3A_25] : memref<10112x32xf32, #tpu.memory_space<vmem_shared>> -> memref<632x32xf32, #tpu.memory_space<vmem_shared>>
      tpu.enqueue_dma source(%arg5 : memref<632x32xf32, #tpu.memory_space<hbm>>) target(%dma_start3A_26 : memref<632x32xf32, #tpu.memory_space<vmem_shared>>) target_semaphore(%run_scoped3A : memref<!tpu.dma_semaphore, #tpu.memory_space<semaphore_mem>>)
      %dma_wait3A_27 = arith.constant 0 : i32
      %dma_wait3A_28 = tpu.memref_slice %arg13[%mul3A_2, %dma_wait3A_27] : memref<10112x32xf32, #tpu.memory_space<vmem_shared>> -> memref<632x32xf32, #tpu.memory_space<vmem_shared>>
      tpu.wait_dma2 semaphore(%run_scoped3A : memref<!tpu.dma_semaphore, #tpu.memory_space<semaphore_mem>>) src(%arg5 : memref<632x32xf32, #tpu.memory_space<hbm>>) dst(%dma_wait3A_28 : memref<632x32xf32, #tpu.memory_space<vmem_shared>>)
      tpu.yield
    }) : () -> ()
    %mul3A_3 = arith.constant 625 : i32
    %mul3A_4 = arith.muli %arg1, %mul3A_3 : i32
    "tpu.region"() ({
      %run_scoped3A = tpu.sem_alloc : memref<!tpu.dma_semaphore, #tpu.memory_space<semaphore_mem>>
      %dma_start3A_25 = arith.constant 0 : i32
      %dma_start3A_26 = tpu.memref_slice %arg14[%mul3A_4, %dma_start3A_25] : memref<10000x32xf32, #tpu.memory_space<vmem_shared>> -> memref<625x32xf32, #tpu.memory_space<vmem_shared>>
      %dma_start3A_27 = arith.constant 0 : i32
      %dma_start3A_28 = tpu.memref_slice %arg2[%mul3A_4, %dma_start3A_27] : memref<10000x32xf32, #tpu.memory_space<hbm>> -> memref<625x32xf32, #tpu.memory_space<hbm>>
      tpu.enqueue_dma source(%dma_start3A_28 : memref<625x32xf32, #tpu.memory_space<hbm>>) target(%dma_start3A_26 : memref<625x32xf32, #tpu.memory_space<vmem_shared>>) target_semaphore(%run_scoped3A : memref<!tpu.dma_semaphore, #tpu.memory_space<semaphore_mem>>)
      %dma_wait3A_29 = arith.constant 0 : i32
      %dma_wait3A_30 = tpu.memref_slice %arg14[%mul3A_4, %dma_wait3A_29] : memref<10000x32xf32, #tpu.memory_space<vmem_shared>> -> memref<625x32xf32, #tpu.memory_space<vmem_shared>>
      %dma_wait3A_31 = arith.constant 0 : i32
      %dma_wait3A_32 = tpu.memref_slice %arg2[%mul3A_4, %dma_wait3A_31] : memref<10000x32xf32, #tpu.memory_space<hbm>> -> memref<625x32xf32, #tpu.memory_space<hbm>>
      tpu.wait_dma2 semaphore(%run_scoped3A : memref<!tpu.dma_semaphore, #tpu.memory_space<semaphore_mem>>) src(%dma_wait3A_32 : memref<625x32xf32, #tpu.memory_space<hbm>>) dst(%dma_wait3A_30 : memref<625x32xf32, #tpu.memory_space<vmem_shared>>)
      tpu.yield
    }) : () -> ()
    "tpu.region"() ({
      %run_scoped3A = tpu.sem_alloc : memref<!tpu.dma_semaphore, #tpu.memory_space<semaphore_mem>>
      %dma_start3A_25 = arith.constant 0 : i32
      %dma_start3A_26 = arith.constant 0 : i32
      %dma_start3A_27 = tpu.memref_slice %arg3[%add3A, %dma_start3A_25, %dma_start3A_26] : memref<32x10x1000xi32, #tpu.memory_space<hbm>> -> memref<1x10x1000xi32, #tpu.memory_space<hbm>>
      %dma_start3A_28 = tpu.memref_squeeze %dma_start3A_27 : memref<1x10x1000xi32, #tpu.memory_space<hbm>> -> memref<10x1000xi32, #tpu.memory_space<hbm>>
      %dma_start3A_29 = arith.constant 0 : i32
      %dma_start3A_30 = arith.constant 0 : i32
      %dma_start3A_31 = tpu.memref_slice %arg3[%add3A, %dma_start3A_29, %dma_start3A_30] : memref<32x10x1000xi32, #tpu.memory_space<hbm>> -> memref<1x10x1000xi32, #tpu.memory_space<hbm>>
      %dma_start3A_32 = tpu.memref_squeeze %dma_start3A_31 : memref<1x10x1000xi32, #tpu.memory_space<hbm>> -> memref<10x1000xi32, #tpu.memory_space<hbm>>
      tpu.enqueue_dma source(%dma_start3A_32 : memref<10x1000xi32, #tpu.memory_space<hbm>>) target(%arg7 : memref<10x1000xi32, #tpu.memory_space<vmem>>) target_semaphore(%run_scoped3A : memref<!tpu.dma_semaphore, #tpu.memory_space<semaphore_mem>>)
      %dma_wait3A_33 = arith.constant 0 : i32
      %dma_wait3A_34 = arith.constant 0 : i32
      %dma_wait3A_35 = tpu.memref_slice %arg3[%add3A, %dma_wait3A_33, %dma_wait3A_34] : memref<32x10x1000xi32, #tpu.memory_space<hbm>> -> memref<1x10x1000xi32, #tpu.memory_space<hbm>>
      %dma_wait3A_36 = tpu.memref_squeeze %dma_wait3A_35 : memref<1x10x1000xi32, #tpu.memory_space<hbm>> -> memref<10x1000xi32, #tpu.memory_space<hbm>>
      %dma_wait3A_37 = arith.constant 0 : i32
      %dma_wait3A_38 = arith.constant 0 : i32
      %dma_wait3A_39 = tpu.memref_slice %arg3[%add3A, %dma_wait3A_37, %dma_wait3A_38] : memref<32x10x1000xi32, #tpu.memory_space<hbm>> -> memref<1x10x1000xi32, #tpu.memory_space<hbm>>
      %dma_wait3A_40 = tpu.memref_squeeze %dma_wait3A_39 : memref<1x10x1000xi32, #tpu.memory_space<hbm>> -> memref<10x1000xi32, #tpu.memory_space<hbm>>
      tpu.wait_dma2 semaphore(%run_scoped3A : memref<!tpu.dma_semaphore, #tpu.memory_space<semaphore_mem>>) src(%dma_wait3A_40 : memref<10x1000xi32, #tpu.memory_space<hbm>>) dst(%arg7 : memref<10x1000xi32, #tpu.memory_space<vmem>>)
      tpu.yield
    }) : () -> ()
    "tpu.region"() ({
      %run_scoped3A = tpu.sem_alloc : memref<!tpu.dma_semaphore, #tpu.memory_space<semaphore_mem>>
      %dma_start3A_25 = arith.constant 0 : i32
      %dma_start3A_26 = arith.constant 0 : i32
      %dma_start3A_27 = tpu.memref_slice %arg4[%add3A, %dma_start3A_25, %dma_start3A_26] : memref<32x10x1000xi32, #tpu.memory_space<hbm>> -> memref<1x10x1000xi32, #tpu.memory_space<hbm>>
      %dma_start3A_28 = tpu.memref_squeeze %dma_start3A_27 : memref<1x10x1000xi32, #tpu.memory_space<hbm>> -> memref<10x1000xi32, #tpu.memory_space<hbm>>
      %dma_start3A_29 = arith.constant 0 : i32
      %dma_start3A_30 = arith.constant 0 : i32
      %dma_start3A_31 = tpu.memref_slice %arg4[%add3A, %dma_start3A_29, %dma_start3A_30] : memref<32x10x1000xi32, #tpu.memory_space<hbm>> -> memref<1x10x1000xi32, #tpu.memory_space<hbm>>
      %dma_start3A_32 = tpu.memref_squeeze %dma_start3A_31 : memref<1x10x1000xi32, #tpu.memory_space<hbm>> -> memref<10x1000xi32, #tpu.memory_space<hbm>>
      tpu.enqueue_dma source(%dma_start3A_32 : memref<10x1000xi32, #tpu.memory_space<hbm>>) target(%arg8 : memref<10x1000xi32, #tpu.memory_space<vmem>>) target_semaphore(%run_scoped3A : memref<!tpu.dma_semaphore, #tpu.memory_space<semaphore_mem>>)
      %dma_wait3A_33 = arith.constant 0 : i32
      %dma_wait3A_34 = arith.constant 0 : i32
      %dma_wait3A_35 = tpu.memref_slice %arg4[%add3A, %dma_wait3A_33, %dma_wait3A_34] : memref<32x10x1000xi32, #tpu.memory_space<hbm>> -> memref<1x10x1000xi32, #tpu.memory_space<hbm>>
      %dma_wait3A_36 = tpu.memref_squeeze %dma_wait3A_35 : memref<1x10x1000xi32, #tpu.memory_space<hbm>> -> memref<10x1000xi32, #tpu.memory_space<hbm>>
      %dma_wait3A_37 = arith.constant 0 : i32
      %dma_wait3A_38 = arith.constant 0 : i32
      %dma_wait3A_39 = tpu.memref_slice %arg4[%add3A, %dma_wait3A_37, %dma_wait3A_38] : memref<32x10x1000xi32, #tpu.memory_space<hbm>> -> memref<1x10x1000xi32, #tpu.memory_space<hbm>>
      %dma_wait3A_40 = tpu.memref_squeeze %dma_wait3A_39 : memref<1x10x1000xi32, #tpu.memory_space<hbm>> -> memref<10x1000xi32, #tpu.memory_space<hbm>>
      tpu.wait_dma2 semaphore(%run_scoped3A : memref<!tpu.dma_semaphore, #tpu.memory_space<semaphore_mem>>) src(%dma_wait3A_40 : memref<10x1000xi32, #tpu.memory_space<hbm>>) dst(%arg8 : memref<10x1000xi32, #tpu.memory_space<vmem>>)
      tpu.yield
    }) : () -> ()
    %barrier3A = arith.constant 0 : index
    tpu.barrier barrier_id(%barrier3A)
    %dma_start3A = arith.constant 0 : i32
    %dma_start3A_5 = arith.constant 0 : i32
    %dma_start3A_6 = tpu.memref_slice %arg7[%dma_start3A, %dma_start3A_5] : memref<10x1000xi32, #tpu.memory_space<vmem>> -> memref<1x1000xi32, #tpu.memory_space<vmem>>
    %dma_start3A_7 = tpu.memref_squeeze %dma_start3A_6 : memref<1x1000xi32, #tpu.memory_space<vmem>> -> memref<1000xi32, #tpu.memory_space<vmem>>
    %dma_start3A_8 = arith.constant 0 : i32
    %dma_start3A_9 = arith.constant 0 : i32
    %dma_start3A_10 = tpu.memref_slice %arg14[%dma_start3A_8, %dma_start3A_9] : memref<10000x32xf32, #tpu.memory_space<vmem_shared>> -> memref<10000x32xf32, #tpu.memory_space<vmem_shared>>
    tpu.enqueue_indirect_dma source(%dma_start3A_10 : memref<10000x32xf32, #tpu.memory_space<vmem_shared>>) target(%arg9 : memref<1000x32xf32, #tpu.memory_space<vmem>>) offsets(%dma_start3A_7 : memref<1000xi32, #tpu.memory_space<vmem>>) semaphore(%arg11 : memref<!tpu.dma_semaphore, #tpu.memory_space<semaphore_mem>>)
    %scan3A = arith.constant 0 : i32
    %scan3A_11 = arith.constant 0 : i32
    %scan3A_12 = arith.constant 5 : i32
    %scan3A_13 = arith.addi %scan3A_11, %scan3A_12 : i32
    %scan3A_14 = arith.constant 1 : i32
    scf.for %scan3A_25 = %scan3A_11 to %scan3A_13 step %scan3A_14  : i32 {
      %mul3A_26 = arith.constant 2 : i32
      %mul3A_27 = arith.muli %mul3A_26, %scan3A_25 : i32
      %add3A_28 = arith.constant 1 : i32
      %add3A_29 = arith.addi %mul3A_27, %add3A_28 : i32
      %dma_start3A_30 = arith.constant 0 : i32
      %dma_start3A_31 = tpu.memref_slice %arg7[%add3A_29, %dma_start3A_30] : memref<10x1000xi32, #tpu.memory_space<vmem>> -> memref<1x1000xi32, #tpu.memory_space<vmem>>
      %dma_start3A_32 = tpu.memref_squeeze %dma_start3A_31 : memref<1x1000xi32, #tpu.memory_space<vmem>> -> memref<1000xi32, #tpu.memory_space<vmem>>
      %dma_start3A_33 = arith.constant 0 : i32
      %dma_start3A_34 = arith.constant 0 : i32
      %dma_start3A_35 = tpu.memref_slice %arg14[%dma_start3A_33, %dma_start3A_34] : memref<10000x32xf32, #tpu.memory_space<vmem_shared>> -> memref<10000x32xf32, #tpu.memory_space<vmem_shared>>
      tpu.enqueue_indirect_dma source(%dma_start3A_35 : memref<10000x32xf32, #tpu.memory_space<vmem_shared>>) target(%arg10 : memref<1000x32xf32, #tpu.memory_space<vmem>>) offsets(%dma_start3A_32 : memref<1000xi32, #tpu.memory_space<vmem>>) semaphore(%arg12 : memref<!tpu.dma_semaphore, #tpu.memory_space<semaphore_mem>>)
      %dma_wait3A_36 = arith.constant 0 : i32
      %dma_wait3A_37 = tpu.memref_slice %arg7[%mul3A_27, %dma_wait3A_36] : memref<10x1000xi32, #tpu.memory_space<vmem>> -> memref<1x1000xi32, #tpu.memory_space<vmem>>
      %dma_wait3A_38 = tpu.memref_squeeze %dma_wait3A_37 : memref<1x1000xi32, #tpu.memory_space<vmem>> -> memref<1000xi32, #tpu.memory_space<vmem>>
      %dma_wait3A_39 = arith.constant 0 : i32
      %dma_wait3A_40 = arith.constant 0 : i32
      %dma_wait3A_41 = tpu.memref_slice %arg14[%dma_wait3A_39, %dma_wait3A_40] : memref<10000x32xf32, #tpu.memory_space<vmem_shared>> -> memref<10000x32xf32, #tpu.memory_space<vmem_shared>>
      tpu.wait_indirect_dma semaphore(%arg11 : memref<!tpu.dma_semaphore, #tpu.memory_space<semaphore_mem>>) src(%dma_wait3A_41 : memref<10000x32xf32, #tpu.memory_space<vmem_shared>>) dst(%arg9 : memref<1000x32xf32, #tpu.memory_space<vmem>>)
      "tpu.region"() ({
        %run_scoped3A = tpu.sem_alloc : memref<!tpu.dma_semaphore, #tpu.memory_space<semaphore_mem>>
        %dma_start3A_61 = arith.constant 0 : i32
        %dma_start3A_62 = tpu.memref_slice %arg8[%mul3A_27, %dma_start3A_61] : memref<10x1000xi32, #tpu.memory_space<vmem>> -> memref<1x1000xi32, #tpu.memory_space<vmem>>
        %dma_start3A_63 = tpu.memref_squeeze %dma_start3A_62 : memref<1x1000xi32, #tpu.memory_space<vmem>> -> memref<1000xi32, #tpu.memory_space<vmem>>
        %dma_start3A_64 = arith.constant 0 : i32
        %dma_start3A_65 = arith.constant 0 : i32
        %dma_start3A_66 = tpu.memref_slice %arg13[%dma_start3A_64, %dma_start3A_65] : memref<10112x32xf32, #tpu.memory_space<vmem_shared>> -> memref<10112x32xf32, #tpu.memory_space<vmem_shared>>
        tpu.enqueue_indirect_dma source(%arg9 : memref<1000x32xf32, #tpu.memory_space<vmem>>) target(%dma_start3A_66 : memref<10112x32xf32, #tpu.memory_space<vmem_shared>>) offsets(%dma_start3A_63 : memref<1000xi32, #tpu.memory_space<vmem>>) semaphore(%run_scoped3A : memref<!tpu.dma_semaphore, #tpu.memory_space<semaphore_mem>>) {add = true}
        %dma_wait3A_67 = arith.constant 0 : i32
        %dma_wait3A_68 = tpu.memref_slice %arg8[%mul3A_27, %dma_wait3A_67] : memref<10x1000xi32, #tpu.memory_space<vmem>> -> memref<1x1000xi32, #tpu.memory_space<vmem>>
        %dma_wait3A_69 = tpu.memref_squeeze %dma_wait3A_68 : memref<1x1000xi32, #tpu.memory_space<vmem>> -> memref<1000xi32, #tpu.memory_space<vmem>>
        %dma_wait3A_70 = arith.constant 0 : i32
        %dma_wait3A_71 = arith.constant 0 : i32
        %dma_wait3A_72 = tpu.memref_slice %arg13[%dma_wait3A_70, %dma_wait3A_71] : memref<10112x32xf32, #tpu.memory_space<vmem_shared>> -> memref<10112x32xf32, #tpu.memory_space<vmem_shared>>
        tpu.wait_indirect_dma semaphore(%run_scoped3A : memref<!tpu.dma_semaphore, #tpu.memory_space<semaphore_mem>>) src(%arg9 : memref<1000x32xf32, #tpu.memory_space<vmem>>) dst(%dma_wait3A_72 : memref<10112x32xf32, #tpu.memory_space<vmem_shared>>)
        tpu.yield
      }) : () -> ()
      %add3A_42 = arith.constant 2 : i32
      %add3A_43 = arith.addi %mul3A_27, %add3A_42 : i32
      %rem3A = arith.constant 10 : i32
      %rem3A_44 = arith.remsi %add3A_43, %rem3A : i32
      %dma_start3A_45 = arith.constant 0 : i32
      %dma_start3A_46 = tpu.memref_slice %arg7[%rem3A_44, %dma_start3A_45] : memref<10x1000xi32, #tpu.memory_space<vmem>> -> memref<1x1000xi32, #tpu.memory_space<vmem>>
      %dma_start3A_47 = tpu.memref_squeeze %dma_start3A_46 : memref<1x1000xi32, #tpu.memory_space<vmem>> -> memref<1000xi32, #tpu.memory_space<vmem>>
      %dma_start3A_48 = arith.constant 0 : i32
      %dma_start3A_49 = arith.constant 0 : i32
      %dma_start3A_50 = tpu.memref_slice %arg14[%dma_start3A_48, %dma_start3A_49] : memref<10000x32xf32, #tpu.memory_space<vmem_shared>> -> memref<10000x32xf32, #tpu.memory_space<vmem_shared>>
      tpu.enqueue_indirect_dma source(%dma_start3A_50 : memref<10000x32xf32, #tpu.memory_space<vmem_shared>>) target(%arg9 : memref<1000x32xf32, #tpu.memory_space<vmem>>) offsets(%dma_start3A_47 : memref<1000xi32, #tpu.memory_space<vmem>>) semaphore(%arg11 : memref<!tpu.dma_semaphore, #tpu.memory_space<semaphore_mem>>)
      %add3A_51 = arith.constant 1 : i32
      %add3A_52 = arith.addi %mul3A_27, %add3A_51 : i32
      %dma_wait3A_53 = arith.constant 0 : i32
      %dma_wait3A_54 = tpu.memref_slice %arg7[%add3A_52, %dma_wait3A_53] : memref<10x1000xi32, #tpu.memory_space<vmem>> -> memref<1x1000xi32, #tpu.memory_space<vmem>>
      %dma_wait3A_55 = tpu.memref_squeeze %dma_wait3A_54 : memref<1x1000xi32, #tpu.memory_space<vmem>> -> memref<1000xi32, #tpu.memory_space<vmem>>
      %dma_wait3A_56 = arith.constant 0 : i32
      %dma_wait3A_57 = arith.constant 0 : i32
      %dma_wait3A_58 = tpu.memref_slice %arg14[%dma_wait3A_56, %dma_wait3A_57] : memref<10000x32xf32, #tpu.memory_space<vmem_shared>> -> memref<10000x32xf32, #tpu.memory_space<vmem_shared>>
      tpu.wait_indirect_dma semaphore(%arg12 : memref<!tpu.dma_semaphore, #tpu.memory_space<semaphore_mem>>) src(%dma_wait3A_58 : memref<10000x32xf32, #tpu.memory_space<vmem_shared>>) dst(%arg10 : memref<1000x32xf32, #tpu.memory_space<vmem>>)
      %add3A_59 = arith.constant 1 : i32
      %add3A_60 = arith.addi %mul3A_27, %add3A_59 : i32
      "tpu.region"() ({
        %run_scoped3A = tpu.sem_alloc : memref<!tpu.dma_semaphore, #tpu.memory_space<semaphore_mem>>
        %dma_start3A_61 = arith.constant 0 : i32
        %dma_start3A_62 = tpu.memref_slice %arg8[%add3A_60, %dma_start3A_61] : memref<10x1000xi32, #tpu.memory_space<vmem>> -> memref<1x1000xi32, #tpu.memory_space<vmem>>
        %dma_start3A_63 = tpu.memref_squeeze %dma_start3A_62 : memref<1x1000xi32, #tpu.memory_space<vmem>> -> memref<1000xi32, #tpu.memory_space<vmem>>
        %dma_start3A_64 = arith.constant 0 : i32
        %dma_start3A_65 = arith.constant 0 : i32
        %dma_start3A_66 = tpu.memref_slice %arg13[%dma_start3A_64, %dma_start3A_65] : memref<10112x32xf32, #tpu.memory_space<vmem_shared>> -> memref<10112x32xf32, #tpu.memory_space<vmem_shared>>
        tpu.enqueue_indirect_dma source(%arg10 : memref<1000x32xf32, #tpu.memory_space<vmem>>) target(%dma_start3A_66 : memref<10112x32xf32, #tpu.memory_space<vmem_shared>>) offsets(%dma_start3A_63 : memref<1000xi32, #tpu.memory_space<vmem>>) semaphore(%run_scoped3A : memref<!tpu.dma_semaphore, #tpu.memory_space<semaphore_mem>>) {add = true}
        %dma_wait3A_67 = arith.constant 0 : i32
        %dma_wait3A_68 = tpu.memref_slice %arg8[%add3A_60, %dma_wait3A_67] : memref<10x1000xi32, #tpu.memory_space<vmem>> -> memref<1x1000xi32, #tpu.memory_space<vmem>>
        %dma_wait3A_69 = tpu.memref_squeeze %dma_wait3A_68 : memref<1x1000xi32, #tpu.memory_space<vmem>> -> memref<1000xi32, #tpu.memory_space<vmem>>
        %dma_wait3A_70 = arith.constant 0 : i32
        %dma_wait3A_71 = arith.constant 0 : i32
        %dma_wait3A_72 = tpu.memref_slice %arg13[%dma_wait3A_70, %dma_wait3A_71] : memref<10112x32xf32, #tpu.memory_space<vmem_shared>> -> memref<10112x32xf32, #tpu.memory_space<vmem_shared>>
        tpu.wait_indirect_dma semaphore(%run_scoped3A : memref<!tpu.dma_semaphore, #tpu.memory_space<semaphore_mem>>) src(%arg10 : memref<1000x32xf32, #tpu.memory_space<vmem>>) dst(%dma_wait3A_72 : memref<10112x32xf32, #tpu.memory_space<vmem_shared>>)
        tpu.yield
      }) : () -> ()
    }
    %scan3A_15 = arith.constant 5 : i32
    %dma_wait3A = arith.constant 0 : i32
    %dma_wait3A_16 = arith.constant 0 : i32
    %dma_wait3A_17 = tpu.memref_slice %arg7[%dma_wait3A, %dma_wait3A_16] : memref<10x1000xi32, #tpu.memory_space<vmem>> -> memref<1x1000xi32, #tpu.memory_space<vmem>>
    %dma_wait3A_18 = tpu.memref_squeeze %dma_wait3A_17 : memref<1x1000xi32, #tpu.memory_space<vmem>> -> memref<1000xi32, #tpu.memory_space<vmem>>
    %dma_wait3A_19 = arith.constant 0 : i32
    %dma_wait3A_20 = arith.constant 0 : i32
    %dma_wait3A_21 = tpu.memref_slice %arg14[%dma_wait3A_19, %dma_wait3A_20] : memref<10000x32xf32, #tpu.memory_space<vmem_shared>> -> memref<10000x32xf32, #tpu.memory_space<vmem_shared>>
    tpu.wait_indirect_dma semaphore(%arg11 : memref<!tpu.dma_semaphore, #tpu.memory_space<semaphore_mem>>) src(%dma_wait3A_21 : memref<10000x32xf32, #tpu.memory_space<vmem_shared>>) dst(%arg9 : memref<1000x32xf32, #tpu.memory_space<vmem>>)
    %barrier3A_22 = arith.constant 0 : index
    tpu.barrier barrier_id(%barrier3A_22)
    %mul3A_23 = arith.constant 632 : i32
    %mul3A_24 = arith.muli %arg1, %mul3A_23 : i32
    "tpu.region"() ({
      %run_scoped3A = tpu.sem_alloc : memref<!tpu.dma_semaphore, #tpu.memory_space<semaphore_mem>>
      %dma_start3A_25 = arith.constant 0 : i32
      %dma_start3A_26 = tpu.memref_slice %arg6[%arg0, %mul3A_24, %dma_start3A_25] : memref<2x10112x32xf32, #tpu.memory_space<hbm>> -> memref<1x632x32xf32, #tpu.memory_space<hbm>>
      %dma_start3A_27 = tpu.memref_squeeze %dma_start3A_26 : memref<1x632x32xf32, #tpu.memory_space<hbm>> -> memref<632x32xf32, #tpu.memory_space<hbm>>
      %dma_start3A_28 = arith.constant 0 : i32
      %dma_start3A_29 = tpu.memref_slice %arg13[%mul3A_24, %dma_start3A_28] : memref<10112x32xf32, #tpu.memory_space<vmem_shared>> -> memref<632x32xf32, #tpu.memory_space<vmem_shared>>
      tpu.enqueue_dma source(%dma_start3A_29 : memref<632x32xf32, #tpu.memory_space<vmem_shared>>) target(%dma_start3A_27 : memref<632x32xf32, #tpu.memory_space<hbm>>) target_semaphore(%run_scoped3A : memref<!tpu.dma_semaphore, #tpu.memory_space<semaphore_mem>>)
      %dma_wait3A_30 = arith.constant 0 : i32
      %dma_wait3A_31 = tpu.memref_slice %arg6[%arg0, %mul3A_24, %dma_wait3A_30] : memref<2x10112x32xf32, #tpu.memory_space<hbm>> -> memref<1x632x32xf32, #tpu.memory_space<hbm>>
      %dma_wait3A_32 = tpu.memref_squeeze %dma_wait3A_31 : memref<1x632x32xf32, #tpu.memory_space<hbm>> -> memref<632x32xf32, #tpu.memory_space<hbm>>
      %dma_wait3A_33 = arith.constant 0 : i32
      %dma_wait3A_34 = tpu.memref_slice %arg13[%mul3A_24, %dma_wait3A_33] : memref<10112x32xf32, #tpu.memory_space<vmem_shared>> -> memref<632x32xf32, #tpu.memory_space<vmem_shared>>
      tpu.wait_dma2 semaphore(%run_scoped3A : memref<!tpu.dma_semaphore, #tpu.memory_space<semaphore_mem>>) src(%dma_wait3A_34 : memref<632x32xf32, #tpu.memory_space<vmem_shared>>) dst(%dma_wait3A_32 : memref<632x32xf32, #tpu.memory_space<hbm>>)
      tpu.yield
    }) : () -> ()
    return
  }
}

#map = affine_map<(d0, d1) -> (0, 0, 0)>
#map1 = affine_map<(d0, d1) -> (0, 0)>
#map2 = affine_map<(d0, d1) -> (0, 0, 0, 0)>
module attributes {stable_mosaic.version = 14 : i64} {
  func.func @deg_kernel(%arg0: i32, %arg1: i32, %arg2: memref<32x10x1000xi32, #tpu.memory_space<hbm>>, %arg3: memref<32x10x1000xi32, #tpu.memory_space<hbm>>, %arg4: memref<1000x8xf32, #tpu.memory_space<hbm>>, %arg5: memref<632x8xf32, #tpu.memory_space<hbm>>, %arg6: memref<2x2x10112x8xf32, #tpu.memory_space<hbm>>, %arg7: memref<10x1000xi32, #tpu.memory_space<vmem>>, %arg8: memref<1000x8xf32, #tpu.memory_space<vmem>>, %arg9: memref<10112x8xf32, #tpu.memory_space<vmem_shared>>, %arg10: memref<10112x8xf32, #tpu.memory_space<vmem_shared>>) attributes {dimension_semantics = [#tpu.dimension_semantics<core_parallel>, #tpu.dimension_semantics<subcore_parallel>], iteration_bounds = array<i64: 2, 16>, scalar_prefetch = 0 : i64, scratch_operands = 4 : i64, tpu.core_type = #tpu.core_type<sc_vector_subcore>, window_params = [{transform_indices = #map}, {transform_indices = #map}, {transform_indices = #map1}, {transform_indices = #map1}, {transform_indices = #map2}]} {
    %mul3A = arith.constant 16 : i32
    %mul3A_0 = arith.muli %arg0, %mul3A : i32
    %add3A = arith.addi %mul3A_0, %arg1 : i32
    %mul3A_1 = arith.constant 632 : i32
    %mul3A_2 = arith.muli %arg1, %mul3A_1 : i32
    "tpu.region"() ({
      %run_scoped3A_20 = tpu.sem_alloc : memref<!tpu.dma_semaphore, #tpu.memory_space<semaphore_mem>>
      %dma_start3A = arith.constant 0 : i32
      %dma_start3A_21 = tpu.memref_slice %arg9[%mul3A_2, %dma_start3A] : memref<10112x8xf32, #tpu.memory_space<vmem_shared>> -> memref<632x8xf32, #tpu.memory_space<vmem_shared>>
      tpu.enqueue_dma source(%arg5 : memref<632x8xf32, #tpu.memory_space<hbm>>) target(%dma_start3A_21 : memref<632x8xf32, #tpu.memory_space<vmem_shared>>) target_semaphore(%run_scoped3A_20 : memref<!tpu.dma_semaphore, #tpu.memory_space<semaphore_mem>>)
      %dma_wait3A = arith.constant 0 : i32
      %dma_wait3A_22 = tpu.memref_slice %arg9[%mul3A_2, %dma_wait3A] : memref<10112x8xf32, #tpu.memory_space<vmem_shared>> -> memref<632x8xf32, #tpu.memory_space<vmem_shared>>
      tpu.wait_dma2 semaphore(%run_scoped3A_20 : memref<!tpu.dma_semaphore, #tpu.memory_space<semaphore_mem>>) src(%arg5 : memref<632x8xf32, #tpu.memory_space<hbm>>) dst(%dma_wait3A_22 : memref<632x8xf32, #tpu.memory_space<vmem_shared>>)
      tpu.yield
    }) : () -> ()
    %mul3A_3 = arith.constant 632 : i32
    %mul3A_4 = arith.muli %arg1, %mul3A_3 : i32
    "tpu.region"() ({
      %run_scoped3A_20 = tpu.sem_alloc : memref<!tpu.dma_semaphore, #tpu.memory_space<semaphore_mem>>
      %dma_start3A = arith.constant 0 : i32
      %dma_start3A_21 = tpu.memref_slice %arg10[%mul3A_4, %dma_start3A] : memref<10112x8xf32, #tpu.memory_space<vmem_shared>> -> memref<632x8xf32, #tpu.memory_space<vmem_shared>>
      tpu.enqueue_dma source(%arg5 : memref<632x8xf32, #tpu.memory_space<hbm>>) target(%dma_start3A_21 : memref<632x8xf32, #tpu.memory_space<vmem_shared>>) target_semaphore(%run_scoped3A_20 : memref<!tpu.dma_semaphore, #tpu.memory_space<semaphore_mem>>)
      %dma_wait3A = arith.constant 0 : i32
      %dma_wait3A_22 = tpu.memref_slice %arg10[%mul3A_4, %dma_wait3A] : memref<10112x8xf32, #tpu.memory_space<vmem_shared>> -> memref<632x8xf32, #tpu.memory_space<vmem_shared>>
      tpu.wait_dma2 semaphore(%run_scoped3A_20 : memref<!tpu.dma_semaphore, #tpu.memory_space<semaphore_mem>>) src(%arg5 : memref<632x8xf32, #tpu.memory_space<hbm>>) dst(%dma_wait3A_22 : memref<632x8xf32, #tpu.memory_space<vmem_shared>>)
      tpu.yield
    }) : () -> ()
    "tpu.region"() ({
      %run_scoped3A_20 = tpu.sem_alloc : memref<!tpu.dma_semaphore, #tpu.memory_space<semaphore_mem>>
      tpu.enqueue_dma source(%arg4 : memref<1000x8xf32, #tpu.memory_space<hbm>>) target(%arg8 : memref<1000x8xf32, #tpu.memory_space<vmem>>) target_semaphore(%run_scoped3A_20 : memref<!tpu.dma_semaphore, #tpu.memory_space<semaphore_mem>>)
      tpu.wait_dma2 semaphore(%run_scoped3A_20 : memref<!tpu.dma_semaphore, #tpu.memory_space<semaphore_mem>>) src(%arg4 : memref<1000x8xf32, #tpu.memory_space<hbm>>) dst(%arg8 : memref<1000x8xf32, #tpu.memory_space<vmem>>)
      tpu.yield
    }) : () -> ()
    %barrier3A = arith.constant 0 : index
    tpu.barrier barrier_id(%barrier3A)
    "tpu.region"() ({
      %run_scoped3A_20 = tpu.sem_alloc : memref<!tpu.dma_semaphore, #tpu.memory_space<semaphore_mem>>
      %dma_start3A = arith.constant 0 : i32
      %dma_start3A_21 = arith.constant 0 : i32
      %dma_start3A_22 = tpu.memref_slice %arg2[%add3A, %dma_start3A, %dma_start3A_21] : memref<32x10x1000xi32, #tpu.memory_space<hbm>> -> memref<1x10x1000xi32, #tpu.memory_space<hbm>>
      %dma_start3A_23 = tpu.memref_squeeze %dma_start3A_22 : memref<1x10x1000xi32, #tpu.memory_space<hbm>> -> memref<10x1000xi32, #tpu.memory_space<hbm>>
      %dma_start3A_24 = arith.constant 0 : i32
      %dma_start3A_25 = arith.constant 0 : i32
      %dma_start3A_26 = tpu.memref_slice %arg2[%add3A, %dma_start3A_24, %dma_start3A_25] : memref<32x10x1000xi32, #tpu.memory_space<hbm>> -> memref<1x10x1000xi32, #tpu.memory_space<hbm>>
      %dma_start3A_27 = tpu.memref_squeeze %dma_start3A_26 : memref<1x10x1000xi32, #tpu.memory_space<hbm>> -> memref<10x1000xi32, #tpu.memory_space<hbm>>
      tpu.enqueue_dma source(%dma_start3A_27 : memref<10x1000xi32, #tpu.memory_space<hbm>>) target(%arg7 : memref<10x1000xi32, #tpu.memory_space<vmem>>) target_semaphore(%run_scoped3A_20 : memref<!tpu.dma_semaphore, #tpu.memory_space<semaphore_mem>>)
      %dma_wait3A = arith.constant 0 : i32
      %dma_wait3A_28 = arith.constant 0 : i32
      %dma_wait3A_29 = tpu.memref_slice %arg2[%add3A, %dma_wait3A, %dma_wait3A_28] : memref<32x10x1000xi32, #tpu.memory_space<hbm>> -> memref<1x10x1000xi32, #tpu.memory_space<hbm>>
      %dma_wait3A_30 = tpu.memref_squeeze %dma_wait3A_29 : memref<1x10x1000xi32, #tpu.memory_space<hbm>> -> memref<10x1000xi32, #tpu.memory_space<hbm>>
      %dma_wait3A_31 = arith.constant 0 : i32
      %dma_wait3A_32 = arith.constant 0 : i32
      %dma_wait3A_33 = tpu.memref_slice %arg2[%add3A, %dma_wait3A_31, %dma_wait3A_32] : memref<32x10x1000xi32, #tpu.memory_space<hbm>> -> memref<1x10x1000xi32, #tpu.memory_space<hbm>>
      %dma_wait3A_34 = tpu.memref_squeeze %dma_wait3A_33 : memref<1x10x1000xi32, #tpu.memory_space<hbm>> -> memref<10x1000xi32, #tpu.memory_space<hbm>>
      tpu.wait_dma2 semaphore(%run_scoped3A_20 : memref<!tpu.dma_semaphore, #tpu.memory_space<semaphore_mem>>) src(%dma_wait3A_34 : memref<10x1000xi32, #tpu.memory_space<hbm>>) dst(%arg7 : memref<10x1000xi32, #tpu.memory_space<vmem>>)
      tpu.yield
    }) : () -> ()
    %scan3A = arith.constant 0 : i32
    %scan3A_5 = arith.constant 0 : i32
    %scan3A_6 = arith.constant 10 : i32
    %scan3A_7 = arith.addi %scan3A_5, %scan3A_6 : i32
    %scan3A_8 = arith.constant 1 : i32
    scf.for %scan3A_20 = %scan3A_5 to %scan3A_7 step %scan3A_8  : i32 {
      "tpu.region"() ({
        %run_scoped3A_21 = tpu.sem_alloc : memref<!tpu.dma_semaphore, #tpu.memory_space<semaphore_mem>>
        %dma_start3A = arith.constant 0 : i32
        %dma_start3A_22 = tpu.memref_slice %arg7[%scan3A_20, %dma_start3A] : memref<10x1000xi32, #tpu.memory_space<vmem>> -> memref<1x1000xi32, #tpu.memory_space<vmem>>
        %dma_start3A_23 = tpu.memref_squeeze %dma_start3A_22 : memref<1x1000xi32, #tpu.memory_space<vmem>> -> memref<1000xi32, #tpu.memory_space<vmem>>
        %dma_start3A_24 = arith.constant 0 : i32
        %dma_start3A_25 = arith.constant 0 : i32
        %dma_start3A_26 = tpu.memref_slice %arg9[%dma_start3A_24, %dma_start3A_25] : memref<10112x8xf32, #tpu.memory_space<vmem_shared>> -> memref<10112x8xf32, #tpu.memory_space<vmem_shared>>
        tpu.enqueue_indirect_dma source(%arg8 : memref<1000x8xf32, #tpu.memory_space<vmem>>) target(%dma_start3A_26 : memref<10112x8xf32, #tpu.memory_space<vmem_shared>>) offsets(%dma_start3A_23 : memref<1000xi32, #tpu.memory_space<vmem>>) semaphore(%run_scoped3A_21 : memref<!tpu.dma_semaphore, #tpu.memory_space<semaphore_mem>>) {add = true}
        %dma_wait3A = arith.constant 0 : i32
        %dma_wait3A_27 = tpu.memref_slice %arg7[%scan3A_20, %dma_wait3A] : memref<10x1000xi32, #tpu.memory_space<vmem>> -> memref<1x1000xi32, #tpu.memory_space<vmem>>
        %dma_wait3A_28 = tpu.memref_squeeze %dma_wait3A_27 : memref<1x1000xi32, #tpu.memory_space<vmem>> -> memref<1000xi32, #tpu.memory_space<vmem>>
        %dma_wait3A_29 = arith.constant 0 : i32
        %dma_wait3A_30 = arith.constant 0 : i32
        %dma_wait3A_31 = tpu.memref_slice %arg9[%dma_wait3A_29, %dma_wait3A_30] : memref<10112x8xf32, #tpu.memory_space<vmem_shared>> -> memref<10112x8xf32, #tpu.memory_space<vmem_shared>>
        tpu.wait_indirect_dma semaphore(%run_scoped3A_21 : memref<!tpu.dma_semaphore, #tpu.memory_space<semaphore_mem>>) src(%arg8 : memref<1000x8xf32, #tpu.memory_space<vmem>>) dst(%dma_wait3A_31 : memref<10112x8xf32, #tpu.memory_space<vmem_shared>>)
        tpu.yield
      }) : () -> ()
    }
    %scan3A_9 = arith.constant 10 : i32
    "tpu.region"() ({
      %run_scoped3A_20 = tpu.sem_alloc : memref<!tpu.dma_semaphore, #tpu.memory_space<semaphore_mem>>
      %dma_start3A = arith.constant 0 : i32
      %dma_start3A_21 = arith.constant 0 : i32
      %dma_start3A_22 = tpu.memref_slice %arg3[%add3A, %dma_start3A, %dma_start3A_21] : memref<32x10x1000xi32, #tpu.memory_space<hbm>> -> memref<1x10x1000xi32, #tpu.memory_space<hbm>>
      %dma_start3A_23 = tpu.memref_squeeze %dma_start3A_22 : memref<1x10x1000xi32, #tpu.memory_space<hbm>> -> memref<10x1000xi32, #tpu.memory_space<hbm>>
      %dma_start3A_24 = arith.constant 0 : i32
      %dma_start3A_25 = arith.constant 0 : i32
      %dma_start3A_26 = tpu.memref_slice %arg3[%add3A, %dma_start3A_24, %dma_start3A_25] : memref<32x10x1000xi32, #tpu.memory_space<hbm>> -> memref<1x10x1000xi32, #tpu.memory_space<hbm>>
      %dma_start3A_27 = tpu.memref_squeeze %dma_start3A_26 : memref<1x10x1000xi32, #tpu.memory_space<hbm>> -> memref<10x1000xi32, #tpu.memory_space<hbm>>
      tpu.enqueue_dma source(%dma_start3A_27 : memref<10x1000xi32, #tpu.memory_space<hbm>>) target(%arg7 : memref<10x1000xi32, #tpu.memory_space<vmem>>) target_semaphore(%run_scoped3A_20 : memref<!tpu.dma_semaphore, #tpu.memory_space<semaphore_mem>>)
      %dma_wait3A = arith.constant 0 : i32
      %dma_wait3A_28 = arith.constant 0 : i32
      %dma_wait3A_29 = tpu.memref_slice %arg3[%add3A, %dma_wait3A, %dma_wait3A_28] : memref<32x10x1000xi32, #tpu.memory_space<hbm>> -> memref<1x10x1000xi32, #tpu.memory_space<hbm>>
      %dma_wait3A_30 = tpu.memref_squeeze %dma_wait3A_29 : memref<1x10x1000xi32, #tpu.memory_space<hbm>> -> memref<10x1000xi32, #tpu.memory_space<hbm>>
      %dma_wait3A_31 = arith.constant 0 : i32
      %dma_wait3A_32 = arith.constant 0 : i32
      %dma_wait3A_33 = tpu.memref_slice %arg3[%add3A, %dma_wait3A_31, %dma_wait3A_32] : memref<32x10x1000xi32, #tpu.memory_space<hbm>> -> memref<1x10x1000xi32, #tpu.memory_space<hbm>>
      %dma_wait3A_34 = tpu.memref_squeeze %dma_wait3A_33 : memref<1x10x1000xi32, #tpu.memory_space<hbm>> -> memref<10x1000xi32, #tpu.memory_space<hbm>>
      tpu.wait_dma2 semaphore(%run_scoped3A_20 : memref<!tpu.dma_semaphore, #tpu.memory_space<semaphore_mem>>) src(%dma_wait3A_34 : memref<10x1000xi32, #tpu.memory_space<hbm>>) dst(%arg7 : memref<10x1000xi32, #tpu.memory_space<vmem>>)
      tpu.yield
    }) : () -> ()
    %scan3A_10 = arith.constant 0 : i32
    %scan3A_11 = arith.constant 0 : i32
    %scan3A_12 = arith.constant 10 : i32
    %scan3A_13 = arith.addi %scan3A_11, %scan3A_12 : i32
    %scan3A_14 = arith.constant 1 : i32
    scf.for %scan3A_20 = %scan3A_11 to %scan3A_13 step %scan3A_14  : i32 {
      "tpu.region"() ({
        %run_scoped3A_21 = tpu.sem_alloc : memref<!tpu.dma_semaphore, #tpu.memory_space<semaphore_mem>>
        %dma_start3A = arith.constant 0 : i32
        %dma_start3A_22 = tpu.memref_slice %arg7[%scan3A_20, %dma_start3A] : memref<10x1000xi32, #tpu.memory_space<vmem>> -> memref<1x1000xi32, #tpu.memory_space<vmem>>
        %dma_start3A_23 = tpu.memref_squeeze %dma_start3A_22 : memref<1x1000xi32, #tpu.memory_space<vmem>> -> memref<1000xi32, #tpu.memory_space<vmem>>
        %dma_start3A_24 = arith.constant 0 : i32
        %dma_start3A_25 = arith.constant 0 : i32
        %dma_start3A_26 = tpu.memref_slice %arg10[%dma_start3A_24, %dma_start3A_25] : memref<10112x8xf32, #tpu.memory_space<vmem_shared>> -> memref<10112x8xf32, #tpu.memory_space<vmem_shared>>
        tpu.enqueue_indirect_dma source(%arg8 : memref<1000x8xf32, #tpu.memory_space<vmem>>) target(%dma_start3A_26 : memref<10112x8xf32, #tpu.memory_space<vmem_shared>>) offsets(%dma_start3A_23 : memref<1000xi32, #tpu.memory_space<vmem>>) semaphore(%run_scoped3A_21 : memref<!tpu.dma_semaphore, #tpu.memory_space<semaphore_mem>>) {add = true}
        %dma_wait3A = arith.constant 0 : i32
        %dma_wait3A_27 = tpu.memref_slice %arg7[%scan3A_20, %dma_wait3A] : memref<10x1000xi32, #tpu.memory_space<vmem>> -> memref<1x1000xi32, #tpu.memory_space<vmem>>
        %dma_wait3A_28 = tpu.memref_squeeze %dma_wait3A_27 : memref<1x1000xi32, #tpu.memory_space<vmem>> -> memref<1000xi32, #tpu.memory_space<vmem>>
        %dma_wait3A_29 = arith.constant 0 : i32
        %dma_wait3A_30 = arith.constant 0 : i32
        %dma_wait3A_31 = tpu.memref_slice %arg10[%dma_wait3A_29, %dma_wait3A_30] : memref<10112x8xf32, #tpu.memory_space<vmem_shared>> -> memref<10112x8xf32, #tpu.memory_space<vmem_shared>>
        tpu.wait_indirect_dma semaphore(%run_scoped3A_21 : memref<!tpu.dma_semaphore, #tpu.memory_space<semaphore_mem>>) src(%arg8 : memref<1000x8xf32, #tpu.memory_space<vmem>>) dst(%dma_wait3A_31 : memref<10112x8xf32, #tpu.memory_space<vmem_shared>>)
        tpu.yield
      }) : () -> ()
    }
    %scan3A_15 = arith.constant 10 : i32
    %barrier3A_16 = arith.constant 0 : index
    tpu.barrier barrier_id(%barrier3A_16)
    %mul3A_17 = arith.constant 632 : i32
    %mul3A_18 = arith.muli %arg1, %mul3A_17 : i32
    %run_scoped3A = arith.constant 0 : i32
    "tpu.region"() ({
      %run_scoped3A_20 = tpu.sem_alloc : memref<!tpu.dma_semaphore, #tpu.memory_space<semaphore_mem>>
      %dma_start3A = arith.constant 0 : i32
      %dma_start3A_21 = tpu.memref_slice %arg6[%arg0, %run_scoped3A, %mul3A_18, %dma_start3A] : memref<2x2x10112x8xf32, #tpu.memory_space<hbm>> -> memref<1x1x632x8xf32, #tpu.memory_space<hbm>>
      %dma_start3A_22 = tpu.memref_squeeze %dma_start3A_21 : memref<1x1x632x8xf32, #tpu.memory_space<hbm>> -> memref<632x8xf32, #tpu.memory_space<hbm>>
      %dma_start3A_23 = arith.constant 0 : i32
      %dma_start3A_24 = tpu.memref_slice %arg9[%mul3A_18, %dma_start3A_23] : memref<10112x8xf32, #tpu.memory_space<vmem_shared>> -> memref<632x8xf32, #tpu.memory_space<vmem_shared>>
      tpu.enqueue_dma source(%dma_start3A_24 : memref<632x8xf32, #tpu.memory_space<vmem_shared>>) target(%dma_start3A_22 : memref<632x8xf32, #tpu.memory_space<hbm>>) target_semaphore(%run_scoped3A_20 : memref<!tpu.dma_semaphore, #tpu.memory_space<semaphore_mem>>)
      %dma_wait3A = arith.constant 0 : i32
      %dma_wait3A_25 = tpu.memref_slice %arg6[%arg0, %run_scoped3A, %mul3A_18, %dma_wait3A] : memref<2x2x10112x8xf32, #tpu.memory_space<hbm>> -> memref<1x1x632x8xf32, #tpu.memory_space<hbm>>
      %dma_wait3A_26 = tpu.memref_squeeze %dma_wait3A_25 : memref<1x1x632x8xf32, #tpu.memory_space<hbm>> -> memref<632x8xf32, #tpu.memory_space<hbm>>
      %dma_wait3A_27 = arith.constant 0 : i32
      %dma_wait3A_28 = tpu.memref_slice %arg9[%mul3A_18, %dma_wait3A_27] : memref<10112x8xf32, #tpu.memory_space<vmem_shared>> -> memref<632x8xf32, #tpu.memory_space<vmem_shared>>
      tpu.wait_dma2 semaphore(%run_scoped3A_20 : memref<!tpu.dma_semaphore, #tpu.memory_space<semaphore_mem>>) src(%dma_wait3A_28 : memref<632x8xf32, #tpu.memory_space<vmem_shared>>) dst(%dma_wait3A_26 : memref<632x8xf32, #tpu.memory_space<hbm>>)
      tpu.yield
    }) : () -> ()
    %run_scoped3A_19 = arith.constant 1 : i32
    "tpu.region"() ({
      %run_scoped3A_20 = tpu.sem_alloc : memref<!tpu.dma_semaphore, #tpu.memory_space<semaphore_mem>>
      %dma_start3A = arith.constant 0 : i32
      %dma_start3A_21 = tpu.memref_slice %arg6[%arg0, %run_scoped3A_19, %mul3A_18, %dma_start3A] : memref<2x2x10112x8xf32, #tpu.memory_space<hbm>> -> memref<1x1x632x8xf32, #tpu.memory_space<hbm>>
      %dma_start3A_22 = tpu.memref_squeeze %dma_start3A_21 : memref<1x1x632x8xf32, #tpu.memory_space<hbm>> -> memref<632x8xf32, #tpu.memory_space<hbm>>
      %dma_start3A_23 = arith.constant 0 : i32
      %dma_start3A_24 = tpu.memref_slice %arg10[%mul3A_18, %dma_start3A_23] : memref<10112x8xf32, #tpu.memory_space<vmem_shared>> -> memref<632x8xf32, #tpu.memory_space<vmem_shared>>
      tpu.enqueue_dma source(%dma_start3A_24 : memref<632x8xf32, #tpu.memory_space<vmem_shared>>) target(%dma_start3A_22 : memref<632x8xf32, #tpu.memory_space<hbm>>) target_semaphore(%run_scoped3A_20 : memref<!tpu.dma_semaphore, #tpu.memory_space<semaphore_mem>>)
      %dma_wait3A = arith.constant 0 : i32
      %dma_wait3A_25 = tpu.memref_slice %arg6[%arg0, %run_scoped3A_19, %mul3A_18, %dma_wait3A] : memref<2x2x10112x8xf32, #tpu.memory_space<hbm>> -> memref<1x1x632x8xf32, #tpu.memory_space<hbm>>
      %dma_wait3A_26 = tpu.memref_squeeze %dma_wait3A_25 : memref<1x1x632x8xf32, #tpu.memory_space<hbm>> -> memref<632x8xf32, #tpu.memory_space<hbm>>
      %dma_wait3A_27 = arith.constant 0 : i32
      %dma_wait3A_28 = tpu.memref_slice %arg10[%mul3A_18, %dma_wait3A_27] : memref<10112x8xf32, #tpu.memory_space<vmem_shared>> -> memref<632x8xf32, #tpu.memory_space<vmem_shared>>
      tpu.wait_dma2 semaphore(%run_scoped3A_20 : memref<!tpu.dma_semaphore, #tpu.memory_space<semaphore_mem>>) src(%dma_wait3A_28 : memref<632x8xf32, #tpu.memory_space<vmem_shared>>) dst(%dma_wait3A_26 : memref<632x8xf32, #tpu.memory_space<hbm>>)
      tpu.yield
    }) : () -> ()
    return
  }
}

#map = affine_map<(d0, d1) -> (0, 0)>
#map1 = affine_map<(d0, d1) -> (0, 0, 0)>
module attributes {stable_mosaic.version = 14 : i64} {
  func.func @agg_kernel(%arg0: i32, %arg1: i32, %arg2: memref<10000x32xf32, #tpu.memory_space<hbm>>, %arg3: memref<32x10x1000xi32, #tpu.memory_space<hbm>>, %arg4: memref<32x10x1000xi32, #tpu.memory_space<hbm>>, %arg5: memref<632x32xf32, #tpu.memory_space<hbm>>, %arg6: memref<2x10112x32xf32, #tpu.memory_space<hbm>>, %arg7: memref<10x1000xi32, #tpu.memory_space<vmem>>, %arg8: memref<10x1000xi32, #tpu.memory_space<vmem>>, %arg9: memref<1000x32xf32, #tpu.memory_space<vmem>>, %arg10: memref<1000x32xf32, #tpu.memory_space<vmem>>, %arg11: memref<!tpu.dma_semaphore, #tpu.memory_space<semaphore_mem>>, %arg12: memref<!tpu.dma_semaphore, #tpu.memory_space<semaphore_mem>>, %arg13: memref<10112x32xf32, #tpu.memory_space<vmem_shared>>, %arg14: memref<10000x32xf32, #tpu.memory_space<vmem_shared>>) attributes {dimension_semantics = [#tpu.dimension_semantics<core_parallel>, #tpu.dimension_semantics<subcore_parallel>], iteration_bounds = array<i64: 2, 16>, scalar_prefetch = 0 : i64, scratch_operands = 8 : i64, tpu.core_type = #tpu.core_type<sc_vector_subcore>, window_params = [{transform_indices = #map}, {transform_indices = #map1}, {transform_indices = #map1}, {transform_indices = #map}, {transform_indices = #map1}]} {
    %mul3A = arith.constant 16 : i32
    %mul3A_0 = arith.muli %arg0, %mul3A : i32
    %add3A = arith.addi %mul3A_0, %arg1 : i32
    %mul3A_1 = arith.constant 632 : i32
    %mul3A_2 = arith.muli %arg1, %mul3A_1 : i32
    "tpu.region"() ({
      %run_scoped3A = tpu.sem_alloc : memref<!tpu.dma_semaphore, #tpu.memory_space<semaphore_mem>>
      %dma_start3A_25 = arith.constant 0 : i32
      %dma_start3A_26 = tpu.memref_slice %arg13[%mul3A_2, %dma_start3A_25] : memref<10112x32xf32, #tpu.memory_space<vmem_shared>> -> memref<632x32xf32, #tpu.memory_space<vmem_shared>>
      tpu.enqueue_dma source(%arg5 : memref<632x32xf32, #tpu.memory_space<hbm>>) target(%dma_start3A_26 : memref<632x32xf32, #tpu.memory_space<vmem_shared>>) target_semaphore(%run_scoped3A : memref<!tpu.dma_semaphore, #tpu.memory_space<semaphore_mem>>)
      %dma_wait3A_27 = arith.constant 0 : i32
      %dma_wait3A_28 = tpu.memref_slice %arg13[%mul3A_2, %dma_wait3A_27] : memref<10112x32xf32, #tpu.memory_space<vmem_shared>> -> memref<632x32xf32, #tpu.memory_space<vmem_shared>>
      tpu.wait_dma2 semaphore(%run_scoped3A : memref<!tpu.dma_semaphore, #tpu.memory_space<semaphore_mem>>) src(%arg5 : memref<632x32xf32, #tpu.memory_space<hbm>>) dst(%dma_wait3A_28 : memref<632x32xf32, #tpu.memory_space<vmem_shared>>)
      tpu.yield
    }) : () -> ()
    %mul3A_3 = arith.constant 625 : i32
    %mul3A_4 = arith.muli %arg1, %mul3A_3 : i32
    "tpu.region"() ({
      %run_scoped3A = tpu.sem_alloc : memref<!tpu.dma_semaphore, #tpu.memory_space<semaphore_mem>>
      %dma_start3A_25 = arith.constant 0 : i32
      %dma_start3A_26 = tpu.memref_slice %arg14[%mul3A_4, %dma_start3A_25] : memref<10000x32xf32, #tpu.memory_space<vmem_shared>> -> memref<625x32xf32, #tpu.memory_space<vmem_shared>>
      %dma_start3A_27 = arith.constant 0 : i32
      %dma_start3A_28 = tpu.memref_slice %arg2[%mul3A_4, %dma_start3A_27] : memref<10000x32xf32, #tpu.memory_space<hbm>> -> memref<625x32xf32, #tpu.memory_space<hbm>>
      tpu.enqueue_dma source(%dma_start3A_28 : memref<625x32xf32, #tpu.memory_space<hbm>>) target(%dma_start3A_26 : memref<625x32xf32, #tpu.memory_space<vmem_shared>>) target_semaphore(%run_scoped3A : memref<!tpu.dma_semaphore, #tpu.memory_space<semaphore_mem>>)
      %dma_wait3A_29 = arith.constant 0 : i32
      %dma_wait3A_30 = tpu.memref_slice %arg14[%mul3A_4, %dma_wait3A_29] : memref<10000x32xf32, #tpu.memory_space<vmem_shared>> -> memref<625x32xf32, #tpu.memory_space<vmem_shared>>
      %dma_wait3A_31 = arith.constant 0 : i32
      %dma_wait3A_32 = tpu.memref_slice %arg2[%mul3A_4, %dma_wait3A_31] : memref<10000x32xf32, #tpu.memory_space<hbm>> -> memref<625x32xf32, #tpu.memory_space<hbm>>
      tpu.wait_dma2 semaphore(%run_scoped3A : memref<!tpu.dma_semaphore, #tpu.memory_space<semaphore_mem>>) src(%dma_wait3A_32 : memref<625x32xf32, #tpu.memory_space<hbm>>) dst(%dma_wait3A_30 : memref<625x32xf32, #tpu.memory_space<vmem_shared>>)
      tpu.yield
    }) : () -> ()
    "tpu.region"() ({
      %run_scoped3A = tpu.sem_alloc : memref<!tpu.dma_semaphore, #tpu.memory_space<semaphore_mem>>
      %dma_start3A_25 = arith.constant 0 : i32
      %dma_start3A_26 = arith.constant 0 : i32
      %dma_start3A_27 = tpu.memref_slice %arg3[%add3A, %dma_start3A_25, %dma_start3A_26] : memref<32x10x1000xi32, #tpu.memory_space<hbm>> -> memref<1x10x1000xi32, #tpu.memory_space<hbm>>
      %dma_start3A_28 = tpu.memref_squeeze %dma_start3A_27 : memref<1x10x1000xi32, #tpu.memory_space<hbm>> -> memref<10x1000xi32, #tpu.memory_space<hbm>>
      %dma_start3A_29 = arith.constant 0 : i32
      %dma_start3A_30 = arith.constant 0 : i32
      %dma_start3A_31 = tpu.memref_slice %arg3[%add3A, %dma_start3A_29, %dma_start3A_30] : memref<32x10x1000xi32, #tpu.memory_space<hbm>> -> memref<1x10x1000xi32, #tpu.memory_space<hbm>>
      %dma_start3A_32 = tpu.memref_squeeze %dma_start3A_31 : memref<1x10x1000xi32, #tpu.memory_space<hbm>> -> memref<10x1000xi32, #tpu.memory_space<hbm>>
      tpu.enqueue_dma source(%dma_start3A_32 : memref<10x1000xi32, #tpu.memory_space<hbm>>) target(%arg7 : memref<10x1000xi32, #tpu.memory_space<vmem>>) target_semaphore(%run_scoped3A : memref<!tpu.dma_semaphore, #tpu.memory_space<semaphore_mem>>)
      %dma_wait3A_33 = arith.constant 0 : i32
      %dma_wait3A_34 = arith.constant 0 : i32
      %dma_wait3A_35 = tpu.memref_slice %arg3[%add3A, %dma_wait3A_33, %dma_wait3A_34] : memref<32x10x1000xi32, #tpu.memory_space<hbm>> -> memref<1x10x1000xi32, #tpu.memory_space<hbm>>
      %dma_wait3A_36 = tpu.memref_squeeze %dma_wait3A_35 : memref<1x10x1000xi32, #tpu.memory_space<hbm>> -> memref<10x1000xi32, #tpu.memory_space<hbm>>
      %dma_wait3A_37 = arith.constant 0 : i32
      %dma_wait3A_38 = arith.constant 0 : i32
      %dma_wait3A_39 = tpu.memref_slice %arg3[%add3A, %dma_wait3A_37, %dma_wait3A_38] : memref<32x10x1000xi32, #tpu.memory_space<hbm>> -> memref<1x10x1000xi32, #tpu.memory_space<hbm>>
      %dma_wait3A_40 = tpu.memref_squeeze %dma_wait3A_39 : memref<1x10x1000xi32, #tpu.memory_space<hbm>> -> memref<10x1000xi32, #tpu.memory_space<hbm>>
      tpu.wait_dma2 semaphore(%run_scoped3A : memref<!tpu.dma_semaphore, #tpu.memory_space<semaphore_mem>>) src(%dma_wait3A_40 : memref<10x1000xi32, #tpu.memory_space<hbm>>) dst(%arg7 : memref<10x1000xi32, #tpu.memory_space<vmem>>)
      tpu.yield
    }) : () -> ()
    "tpu.region"() ({
      %run_scoped3A = tpu.sem_alloc : memref<!tpu.dma_semaphore, #tpu.memory_space<semaphore_mem>>
      %dma_start3A_25 = arith.constant 0 : i32
      %dma_start3A_26 = arith.constant 0 : i32
      %dma_start3A_27 = tpu.memref_slice %arg4[%add3A, %dma_start3A_25, %dma_start3A_26] : memref<32x10x1000xi32, #tpu.memory_space<hbm>> -> memref<1x10x1000xi32, #tpu.memory_space<hbm>>
      %dma_start3A_28 = tpu.memref_squeeze %dma_start3A_27 : memref<1x10x1000xi32, #tpu.memory_space<hbm>> -> memref<10x1000xi32, #tpu.memory_space<hbm>>
      %dma_start3A_29 = arith.constant 0 : i32
      %dma_start3A_30 = arith.constant 0 : i32
      %dma_start3A_31 = tpu.memref_slice %arg4[%add3A, %dma_start3A_29, %dma_start3A_30] : memref<32x10x1000xi32, #tpu.memory_space<hbm>> -> memref<1x10x1000xi32, #tpu.memory_space<hbm>>
      %dma_start3A_32 = tpu.memref_squeeze %dma_start3A_31 : memref<1x10x1000xi32, #tpu.memory_space<hbm>> -> memref<10x1000xi32, #tpu.memory_space<hbm>>
      tpu.enqueue_dma source(%dma_start3A_32 : memref<10x1000xi32, #tpu.memory_space<hbm>>) target(%arg8 : memref<10x1000xi32, #tpu.memory_space<vmem>>) target_semaphore(%run_scoped3A : memref<!tpu.dma_semaphore, #tpu.memory_space<semaphore_mem>>)
      %dma_wait3A_33 = arith.constant 0 : i32
      %dma_wait3A_34 = arith.constant 0 : i32
      %dma_wait3A_35 = tpu.memref_slice %arg4[%add3A, %dma_wait3A_33, %dma_wait3A_34] : memref<32x10x1000xi32, #tpu.memory_space<hbm>> -> memref<1x10x1000xi32, #tpu.memory_space<hbm>>
      %dma_wait3A_36 = tpu.memref_squeeze %dma_wait3A_35 : memref<1x10x1000xi32, #tpu.memory_space<hbm>> -> memref<10x1000xi32, #tpu.memory_space<hbm>>
      %dma_wait3A_37 = arith.constant 0 : i32
      %dma_wait3A_38 = arith.constant 0 : i32
      %dma_wait3A_39 = tpu.memref_slice %arg4[%add3A, %dma_wait3A_37, %dma_wait3A_38] : memref<32x10x1000xi32, #tpu.memory_space<hbm>> -> memref<1x10x1000xi32, #tpu.memory_space<hbm>>
      %dma_wait3A_40 = tpu.memref_squeeze %dma_wait3A_39 : memref<1x10x1000xi32, #tpu.memory_space<hbm>> -> memref<10x1000xi32, #tpu.memory_space<hbm>>
      tpu.wait_dma2 semaphore(%run_scoped3A : memref<!tpu.dma_semaphore, #tpu.memory_space<semaphore_mem>>) src(%dma_wait3A_40 : memref<10x1000xi32, #tpu.memory_space<hbm>>) dst(%arg8 : memref<10x1000xi32, #tpu.memory_space<vmem>>)
      tpu.yield
    }) : () -> ()
    %barrier3A = arith.constant 0 : index
    tpu.barrier barrier_id(%barrier3A)
    %dma_start3A = arith.constant 0 : i32
    %dma_start3A_5 = arith.constant 0 : i32
    %dma_start3A_6 = tpu.memref_slice %arg7[%dma_start3A, %dma_start3A_5] : memref<10x1000xi32, #tpu.memory_space<vmem>> -> memref<1x1000xi32, #tpu.memory_space<vmem>>
    %dma_start3A_7 = tpu.memref_squeeze %dma_start3A_6 : memref<1x1000xi32, #tpu.memory_space<vmem>> -> memref<1000xi32, #tpu.memory_space<vmem>>
    %dma_start3A_8 = arith.constant 0 : i32
    %dma_start3A_9 = arith.constant 0 : i32
    %dma_start3A_10 = tpu.memref_slice %arg14[%dma_start3A_8, %dma_start3A_9] : memref<10000x32xf32, #tpu.memory_space<vmem_shared>> -> memref<10000x32xf32, #tpu.memory_space<vmem_shared>>
    tpu.enqueue_indirect_dma source(%dma_start3A_10 : memref<10000x32xf32, #tpu.memory_space<vmem_shared>>) target(%arg9 : memref<1000x32xf32, #tpu.memory_space<vmem>>) offsets(%dma_start3A_7 : memref<1000xi32, #tpu.memory_space<vmem>>) semaphore(%arg11 : memref<!tpu.dma_semaphore, #tpu.memory_space<semaphore_mem>>)
    %scan3A = arith.constant 0 : i32
    %scan3A_11 = arith.constant 0 : i32
    %scan3A_12 = arith.constant 5 : i32
    %scan3A_13 = arith.addi %scan3A_11, %scan3A_12 : i32
    %scan3A_14 = arith.constant 1 : i32
    scf.for %scan3A_25 = %scan3A_11 to %scan3A_13 step %scan3A_14  : i32 {
      %mul3A_26 = arith.constant 2 : i32
      %mul3A_27 = arith.muli %mul3A_26, %scan3A_25 : i32
      %add3A_28 = arith.constant 1 : i32
      %add3A_29 = arith.addi %mul3A_27, %add3A_28 : i32
      %dma_start3A_30 = arith.constant 0 : i32
      %dma_start3A_31 = tpu.memref_slice %arg7[%add3A_29, %dma_start3A_30] : memref<10x1000xi32, #tpu.memory_space<vmem>> -> memref<1x1000xi32, #tpu.memory_space<vmem>>
      %dma_start3A_32 = tpu.memref_squeeze %dma_start3A_31 : memref<1x1000xi32, #tpu.memory_space<vmem>> -> memref<1000xi32, #tpu.memory_space<vmem>>
      %dma_start3A_33 = arith.constant 0 : i32
      %dma_start3A_34 = arith.constant 0 : i32
      %dma_start3A_35 = tpu.memref_slice %arg14[%dma_start3A_33, %dma_start3A_34] : memref<10000x32xf32, #tpu.memory_space<vmem_shared>> -> memref<10000x32xf32, #tpu.memory_space<vmem_shared>>
      tpu.enqueue_indirect_dma source(%dma_start3A_35 : memref<10000x32xf32, #tpu.memory_space<vmem_shared>>) target(%arg10 : memref<1000x32xf32, #tpu.memory_space<vmem>>) offsets(%dma_start3A_32 : memref<1000xi32, #tpu.memory_space<vmem>>) semaphore(%arg12 : memref<!tpu.dma_semaphore, #tpu.memory_space<semaphore_mem>>)
      %dma_wait3A_36 = arith.constant 0 : i32
      %dma_wait3A_37 = tpu.memref_slice %arg7[%mul3A_27, %dma_wait3A_36] : memref<10x1000xi32, #tpu.memory_space<vmem>> -> memref<1x1000xi32, #tpu.memory_space<vmem>>
      %dma_wait3A_38 = tpu.memref_squeeze %dma_wait3A_37 : memref<1x1000xi32, #tpu.memory_space<vmem>> -> memref<1000xi32, #tpu.memory_space<vmem>>
      %dma_wait3A_39 = arith.constant 0 : i32
      %dma_wait3A_40 = arith.constant 0 : i32
      %dma_wait3A_41 = tpu.memref_slice %arg14[%dma_wait3A_39, %dma_wait3A_40] : memref<10000x32xf32, #tpu.memory_space<vmem_shared>> -> memref<10000x32xf32, #tpu.memory_space<vmem_shared>>
      tpu.wait_indirect_dma semaphore(%arg11 : memref<!tpu.dma_semaphore, #tpu.memory_space<semaphore_mem>>) src(%dma_wait3A_41 : memref<10000x32xf32, #tpu.memory_space<vmem_shared>>) dst(%arg9 : memref<1000x32xf32, #tpu.memory_space<vmem>>)
      "tpu.region"() ({
        %run_scoped3A = tpu.sem_alloc : memref<!tpu.dma_semaphore, #tpu.memory_space<semaphore_mem>>
        %dma_start3A_61 = arith.constant 0 : i32
        %dma_start3A_62 = tpu.memref_slice %arg8[%mul3A_27, %dma_start3A_61] : memref<10x1000xi32, #tpu.memory_space<vmem>> -> memref<1x1000xi32, #tpu.memory_space<vmem>>
        %dma_start3A_63 = tpu.memref_squeeze %dma_start3A_62 : memref<1x1000xi32, #tpu.memory_space<vmem>> -> memref<1000xi32, #tpu.memory_space<vmem>>
        %dma_start3A_64 = arith.constant 0 : i32
        %dma_start3A_65 = arith.constant 0 : i32
        %dma_start3A_66 = tpu.memref_slice %arg13[%dma_start3A_64, %dma_start3A_65] : memref<10112x32xf32, #tpu.memory_space<vmem_shared>> -> memref<10112x32xf32, #tpu.memory_space<vmem_shared>>
        tpu.enqueue_indirect_dma source(%arg9 : memref<1000x32xf32, #tpu.memory_space<vmem>>) target(%dma_start3A_66 : memref<10112x32xf32, #tpu.memory_space<vmem_shared>>) offsets(%dma_start3A_63 : memref<1000xi32, #tpu.memory_space<vmem>>) semaphore(%run_scoped3A : memref<!tpu.dma_semaphore, #tpu.memory_space<semaphore_mem>>) {add = true}
        %dma_wait3A_67 = arith.constant 0 : i32
        %dma_wait3A_68 = tpu.memref_slice %arg8[%mul3A_27, %dma_wait3A_67] : memref<10x1000xi32, #tpu.memory_space<vmem>> -> memref<1x1000xi32, #tpu.memory_space<vmem>>
        %dma_wait3A_69 = tpu.memref_squeeze %dma_wait3A_68 : memref<1x1000xi32, #tpu.memory_space<vmem>> -> memref<1000xi32, #tpu.memory_space<vmem>>
        %dma_wait3A_70 = arith.constant 0 : i32
        %dma_wait3A_71 = arith.constant 0 : i32
        %dma_wait3A_72 = tpu.memref_slice %arg13[%dma_wait3A_70, %dma_wait3A_71] : memref<10112x32xf32, #tpu.memory_space<vmem_shared>> -> memref<10112x32xf32, #tpu.memory_space<vmem_shared>>
        tpu.wait_indirect_dma semaphore(%run_scoped3A : memref<!tpu.dma_semaphore, #tpu.memory_space<semaphore_mem>>) src(%arg9 : memref<1000x32xf32, #tpu.memory_space<vmem>>) dst(%dma_wait3A_72 : memref<10112x32xf32, #tpu.memory_space<vmem_shared>>)
        tpu.yield
      }) : () -> ()
      %add3A_42 = arith.constant 2 : i32
      %add3A_43 = arith.addi %mul3A_27, %add3A_42 : i32
      %rem3A = arith.constant 10 : i32
      %rem3A_44 = arith.remsi %add3A_43, %rem3A : i32
      %dma_start3A_45 = arith.constant 0 : i32
      %dma_start3A_46 = tpu.memref_slice %arg7[%rem3A_44, %dma_start3A_45] : memref<10x1000xi32, #tpu.memory_space<vmem>> -> memref<1x1000xi32, #tpu.memory_space<vmem>>
      %dma_start3A_47 = tpu.memref_squeeze %dma_start3A_46 : memref<1x1000xi32, #tpu.memory_space<vmem>> -> memref<1000xi32, #tpu.memory_space<vmem>>
      %dma_start3A_48 = arith.constant 0 : i32
      %dma_start3A_49 = arith.constant 0 : i32
      %dma_start3A_50 = tpu.memref_slice %arg14[%dma_start3A_48, %dma_start3A_49] : memref<10000x32xf32, #tpu.memory_space<vmem_shared>> -> memref<10000x32xf32, #tpu.memory_space<vmem_shared>>
      tpu.enqueue_indirect_dma source(%dma_start3A_50 : memref<10000x32xf32, #tpu.memory_space<vmem_shared>>) target(%arg9 : memref<1000x32xf32, #tpu.memory_space<vmem>>) offsets(%dma_start3A_47 : memref<1000xi32, #tpu.memory_space<vmem>>) semaphore(%arg11 : memref<!tpu.dma_semaphore, #tpu.memory_space<semaphore_mem>>)
      %add3A_51 = arith.constant 1 : i32
      %add3A_52 = arith.addi %mul3A_27, %add3A_51 : i32
      %dma_wait3A_53 = arith.constant 0 : i32
      %dma_wait3A_54 = tpu.memref_slice %arg7[%add3A_52, %dma_wait3A_53] : memref<10x1000xi32, #tpu.memory_space<vmem>> -> memref<1x1000xi32, #tpu.memory_space<vmem>>
      %dma_wait3A_55 = tpu.memref_squeeze %dma_wait3A_54 : memref<1x1000xi32, #tpu.memory_space<vmem>> -> memref<1000xi32, #tpu.memory_space<vmem>>
      %dma_wait3A_56 = arith.constant 0 : i32
      %dma_wait3A_57 = arith.constant 0 : i32
      %dma_wait3A_58 = tpu.memref_slice %arg14[%dma_wait3A_56, %dma_wait3A_57] : memref<10000x32xf32, #tpu.memory_space<vmem_shared>> -> memref<10000x32xf32, #tpu.memory_space<vmem_shared>>
      tpu.wait_indirect_dma semaphore(%arg12 : memref<!tpu.dma_semaphore, #tpu.memory_space<semaphore_mem>>) src(%dma_wait3A_58 : memref<10000x32xf32, #tpu.memory_space<vmem_shared>>) dst(%arg10 : memref<1000x32xf32, #tpu.memory_space<vmem>>)
      %add3A_59 = arith.constant 1 : i32
      %add3A_60 = arith.addi %mul3A_27, %add3A_59 : i32
      "tpu.region"() ({
        %run_scoped3A = tpu.sem_alloc : memref<!tpu.dma_semaphore, #tpu.memory_space<semaphore_mem>>
        %dma_start3A_61 = arith.constant 0 : i32
        %dma_start3A_62 = tpu.memref_slice %arg8[%add3A_60, %dma_start3A_61] : memref<10x1000xi32, #tpu.memory_space<vmem>> -> memref<1x1000xi32, #tpu.memory_space<vmem>>
        %dma_start3A_63 = tpu.memref_squeeze %dma_start3A_62 : memref<1x1000xi32, #tpu.memory_space<vmem>> -> memref<1000xi32, #tpu.memory_space<vmem>>
        %dma_start3A_64 = arith.constant 0 : i32
        %dma_start3A_65 = arith.constant 0 : i32
        %dma_start3A_66 = tpu.memref_slice %arg13[%dma_start3A_64, %dma_start3A_65] : memref<10112x32xf32, #tpu.memory_space<vmem_shared>> -> memref<10112x32xf32, #tpu.memory_space<vmem_shared>>
        tpu.enqueue_indirect_dma source(%arg10 : memref<1000x32xf32, #tpu.memory_space<vmem>>) target(%dma_start3A_66 : memref<10112x32xf32, #tpu.memory_space<vmem_shared>>) offsets(%dma_start3A_63 : memref<1000xi32, #tpu.memory_space<vmem>>) semaphore(%run_scoped3A : memref<!tpu.dma_semaphore, #tpu.memory_space<semaphore_mem>>) {add = true}
        %dma_wait3A_67 = arith.constant 0 : i32
        %dma_wait3A_68 = tpu.memref_slice %arg8[%add3A_60, %dma_wait3A_67] : memref<10x1000xi32, #tpu.memory_space<vmem>> -> memref<1x1000xi32, #tpu.memory_space<vmem>>
        %dma_wait3A_69 = tpu.memref_squeeze %dma_wait3A_68 : memref<1x1000xi32, #tpu.memory_space<vmem>> -> memref<1000xi32, #tpu.memory_space<vmem>>
        %dma_wait3A_70 = arith.constant 0 : i32
        %dma_wait3A_71 = arith.constant 0 : i32
        %dma_wait3A_72 = tpu.memref_slice %arg13[%dma_wait3A_70, %dma_wait3A_71] : memref<10112x32xf32, #tpu.memory_space<vmem_shared>> -> memref<10112x32xf32, #tpu.memory_space<vmem_shared>>
        tpu.wait_indirect_dma semaphore(%run_scoped3A : memref<!tpu.dma_semaphore, #tpu.memory_space<semaphore_mem>>) src(%arg10 : memref<1000x32xf32, #tpu.memory_space<vmem>>) dst(%dma_wait3A_72 : memref<10112x32xf32, #tpu.memory_space<vmem_shared>>)
        tpu.yield
      }) : () -> ()
    }
    %scan3A_15 = arith.constant 5 : i32
    %dma_wait3A = arith.constant 0 : i32
    %dma_wait3A_16 = arith.constant 0 : i32
    %dma_wait3A_17 = tpu.memref_slice %arg7[%dma_wait3A, %dma_wait3A_16] : memref<10x1000xi32, #tpu.memory_space<vmem>> -> memref<1x1000xi32, #tpu.memory_space<vmem>>
    %dma_wait3A_18 = tpu.memref_squeeze %dma_wait3A_17 : memref<1x1000xi32, #tpu.memory_space<vmem>> -> memref<1000xi32, #tpu.memory_space<vmem>>
    %dma_wait3A_19 = arith.constant 0 : i32
    %dma_wait3A_20 = arith.constant 0 : i32
    %dma_wait3A_21 = tpu.memref_slice %arg14[%dma_wait3A_19, %dma_wait3A_20] : memref<10000x32xf32, #tpu.memory_space<vmem_shared>> -> memref<10000x32xf32, #tpu.memory_space<vmem_shared>>
    tpu.wait_indirect_dma semaphore(%arg11 : memref<!tpu.dma_semaphore, #tpu.memory_space<semaphore_mem>>) src(%dma_wait3A_21 : memref<10000x32xf32, #tpu.memory_space<vmem_shared>>) dst(%arg9 : memref<1000x32xf32, #tpu.memory_space<vmem>>)
    %barrier3A_22 = arith.constant 0 : index
    tpu.barrier barrier_id(%barrier3A_22)
    %mul3A_23 = arith.constant 632 : i32
    %mul3A_24 = arith.muli %arg1, %mul3A_23 : i32
    "tpu.region"() ({
      %run_scoped3A = tpu.sem_alloc : memref<!tpu.dma_semaphore, #tpu.memory_space<semaphore_mem>>
      %dma_start3A_25 = arith.constant 0 : i32
      %dma_start3A_26 = tpu.memref_slice %arg6[%arg0, %mul3A_24, %dma_start3A_25] : memref<2x10112x32xf32, #tpu.memory_space<hbm>> -> memref<1x632x32xf32, #tpu.memory_space<hbm>>
      %dma_start3A_27 = tpu.memref_squeeze %dma_start3A_26 : memref<1x632x32xf32, #tpu.memory_space<hbm>> -> memref<632x32xf32, #tpu.memory_space<hbm>>
      %dma_start3A_28 = arith.constant 0 : i32
      %dma_start3A_29 = tpu.memref_slice %arg13[%mul3A_24, %dma_start3A_28] : memref<10112x32xf32, #tpu.memory_space<vmem_shared>> -> memref<632x32xf32, #tpu.memory_space<vmem_shared>>
      tpu.enqueue_dma source(%dma_start3A_29 : memref<632x32xf32, #tpu.memory_space<vmem_shared>>) target(%dma_start3A_27 : memref<632x32xf32, #tpu.memory_space<hbm>>) target_semaphore(%run_scoped3A : memref<!tpu.dma_semaphore, #tpu.memory_space<semaphore_mem>>)
      %dma_wait3A_30 = arith.constant 0 : i32
      %dma_wait3A_31 = tpu.memref_slice %arg6[%arg0, %mul3A_24, %dma_wait3A_30] : memref<2x10112x32xf32, #tpu.memory_space<hbm>> -> memref<1x632x32xf32, #tpu.memory_space<hbm>>
      %dma_wait3A_32 = tpu.memref_squeeze %dma_wait3A_31 : memref<1x632x32xf32, #tpu.memory_space<hbm>> -> memref<632x32xf32, #tpu.memory_space<hbm>>
      %dma_wait3A_33 = arith.constant 0 : i32
      %dma_wait3A_34 = tpu.memref_slice %arg13[%mul3A_24, %dma_wait3A_33] : memref<10112x32xf32, #tpu.memory_space<vmem_shared>> -> memref<632x32xf32, #tpu.memory_space<vmem_shared>>
      tpu.wait_dma2 semaphore(%run_scoped3A : memref<!tpu.dma_semaphore, #tpu.memory_space<semaphore_mem>>) src(%dma_wait3A_34 : memref<632x32xf32, #tpu.memory_space<vmem_shared>>) dst(%dma_wait3A_32 : memref<632x32xf32, #tpu.memory_space<hbm>>)
      tpu.yield
    }) : () -> ()
    return
  }
}

#map = affine_map<(d0, d1) -> (0, 0)>
#map1 = affine_map<(d0, d1) -> (0, 0, 0)>
module attributes {stable_mosaic.version = 14 : i64} {
  func.func @agg_kernel(%arg0: i32, %arg1: i32, %arg2: memref<10000x32xf32, #tpu.memory_space<hbm>>, %arg3: memref<32x10x1000xi32, #tpu.memory_space<hbm>>, %arg4: memref<32x10x1000xi32, #tpu.memory_space<hbm>>, %arg5: memref<632x32xf32, #tpu.memory_space<hbm>>, %arg6: memref<2x10112x32xf32, #tpu.memory_space<hbm>>, %arg7: memref<10x1000xi32, #tpu.memory_space<vmem>>, %arg8: memref<10x1000xi32, #tpu.memory_space<vmem>>, %arg9: memref<1000x32xf32, #tpu.memory_space<vmem>>, %arg10: memref<1000x32xf32, #tpu.memory_space<vmem>>, %arg11: memref<!tpu.dma_semaphore, #tpu.memory_space<semaphore_mem>>, %arg12: memref<!tpu.dma_semaphore, #tpu.memory_space<semaphore_mem>>, %arg13: memref<10112x32xf32, #tpu.memory_space<vmem_shared>>, %arg14: memref<10000x32xf32, #tpu.memory_space<vmem_shared>>) attributes {dimension_semantics = [#tpu.dimension_semantics<core_parallel>, #tpu.dimension_semantics<subcore_parallel>], iteration_bounds = array<i64: 2, 16>, scalar_prefetch = 0 : i64, scratch_operands = 8 : i64, tpu.core_type = #tpu.core_type<sc_vector_subcore>, window_params = [{transform_indices = #map}, {transform_indices = #map1}, {transform_indices = #map1}, {transform_indices = #map}, {transform_indices = #map1}]} {
    %mul3A = arith.constant 16 : i32
    %mul3A_0 = arith.muli %arg0, %mul3A : i32
    %add3A = arith.addi %mul3A_0, %arg1 : i32
    %mul3A_1 = arith.constant 632 : i32
    %mul3A_2 = arith.muli %arg1, %mul3A_1 : i32
    "tpu.region"() ({
      %run_scoped3A = tpu.sem_alloc : memref<!tpu.dma_semaphore, #tpu.memory_space<semaphore_mem>>
      %dma_start3A_25 = arith.constant 0 : i32
      %dma_start3A_26 = tpu.memref_slice %arg13[%mul3A_2, %dma_start3A_25] : memref<10112x32xf32, #tpu.memory_space<vmem_shared>> -> memref<632x32xf32, #tpu.memory_space<vmem_shared>>
      tpu.enqueue_dma source(%arg5 : memref<632x32xf32, #tpu.memory_space<hbm>>) target(%dma_start3A_26 : memref<632x32xf32, #tpu.memory_space<vmem_shared>>) target_semaphore(%run_scoped3A : memref<!tpu.dma_semaphore, #tpu.memory_space<semaphore_mem>>)
      %dma_wait3A_27 = arith.constant 0 : i32
      %dma_wait3A_28 = tpu.memref_slice %arg13[%mul3A_2, %dma_wait3A_27] : memref<10112x32xf32, #tpu.memory_space<vmem_shared>> -> memref<632x32xf32, #tpu.memory_space<vmem_shared>>
      tpu.wait_dma2 semaphore(%run_scoped3A : memref<!tpu.dma_semaphore, #tpu.memory_space<semaphore_mem>>) src(%arg5 : memref<632x32xf32, #tpu.memory_space<hbm>>) dst(%dma_wait3A_28 : memref<632x32xf32, #tpu.memory_space<vmem_shared>>)
      tpu.yield
    }) : () -> ()
    %mul3A_3 = arith.constant 625 : i32
    %mul3A_4 = arith.muli %arg1, %mul3A_3 : i32
    "tpu.region"() ({
      %run_scoped3A = tpu.sem_alloc : memref<!tpu.dma_semaphore, #tpu.memory_space<semaphore_mem>>
      %dma_start3A_25 = arith.constant 0 : i32
      %dma_start3A_26 = tpu.memref_slice %arg14[%mul3A_4, %dma_start3A_25] : memref<10000x32xf32, #tpu.memory_space<vmem_shared>> -> memref<625x32xf32, #tpu.memory_space<vmem_shared>>
      %dma_start3A_27 = arith.constant 0 : i32
      %dma_start3A_28 = tpu.memref_slice %arg2[%mul3A_4, %dma_start3A_27] : memref<10000x32xf32, #tpu.memory_space<hbm>> -> memref<625x32xf32, #tpu.memory_space<hbm>>
      tpu.enqueue_dma source(%dma_start3A_28 : memref<625x32xf32, #tpu.memory_space<hbm>>) target(%dma_start3A_26 : memref<625x32xf32, #tpu.memory_space<vmem_shared>>) target_semaphore(%run_scoped3A : memref<!tpu.dma_semaphore, #tpu.memory_space<semaphore_mem>>)
      %dma_wait3A_29 = arith.constant 0 : i32
      %dma_wait3A_30 = tpu.memref_slice %arg14[%mul3A_4, %dma_wait3A_29] : memref<10000x32xf32, #tpu.memory_space<vmem_shared>> -> memref<625x32xf32, #tpu.memory_space<vmem_shared>>
      %dma_wait3A_31 = arith.constant 0 : i32
      %dma_wait3A_32 = tpu.memref_slice %arg2[%mul3A_4, %dma_wait3A_31] : memref<10000x32xf32, #tpu.memory_space<hbm>> -> memref<625x32xf32, #tpu.memory_space<hbm>>
      tpu.wait_dma2 semaphore(%run_scoped3A : memref<!tpu.dma_semaphore, #tpu.memory_space<semaphore_mem>>) src(%dma_wait3A_32 : memref<625x32xf32, #tpu.memory_space<hbm>>) dst(%dma_wait3A_30 : memref<625x32xf32, #tpu.memory_space<vmem_shared>>)
      tpu.yield
    }) : () -> ()
    "tpu.region"() ({
      %run_scoped3A = tpu.sem_alloc : memref<!tpu.dma_semaphore, #tpu.memory_space<semaphore_mem>>
      %dma_start3A_25 = arith.constant 0 : i32
      %dma_start3A_26 = arith.constant 0 : i32
      %dma_start3A_27 = tpu.memref_slice %arg3[%add3A, %dma_start3A_25, %dma_start3A_26] : memref<32x10x1000xi32, #tpu.memory_space<hbm>> -> memref<1x10x1000xi32, #tpu.memory_space<hbm>>
      %dma_start3A_28 = tpu.memref_squeeze %dma_start3A_27 : memref<1x10x1000xi32, #tpu.memory_space<hbm>> -> memref<10x1000xi32, #tpu.memory_space<hbm>>
      %dma_start3A_29 = arith.constant 0 : i32
      %dma_start3A_30 = arith.constant 0 : i32
      %dma_start3A_31 = tpu.memref_slice %arg3[%add3A, %dma_start3A_29, %dma_start3A_30] : memref<32x10x1000xi32, #tpu.memory_space<hbm>> -> memref<1x10x1000xi32, #tpu.memory_space<hbm>>
      %dma_start3A_32 = tpu.memref_squeeze %dma_start3A_31 : memref<1x10x1000xi32, #tpu.memory_space<hbm>> -> memref<10x1000xi32, #tpu.memory_space<hbm>>
      tpu.enqueue_dma source(%dma_start3A_32 : memref<10x1000xi32, #tpu.memory_space<hbm>>) target(%arg7 : memref<10x1000xi32, #tpu.memory_space<vmem>>) target_semaphore(%run_scoped3A : memref<!tpu.dma_semaphore, #tpu.memory_space<semaphore_mem>>)
      %dma_wait3A_33 = arith.constant 0 : i32
      %dma_wait3A_34 = arith.constant 0 : i32
      %dma_wait3A_35 = tpu.memref_slice %arg3[%add3A, %dma_wait3A_33, %dma_wait3A_34] : memref<32x10x1000xi32, #tpu.memory_space<hbm>> -> memref<1x10x1000xi32, #tpu.memory_space<hbm>>
      %dma_wait3A_36 = tpu.memref_squeeze %dma_wait3A_35 : memref<1x10x1000xi32, #tpu.memory_space<hbm>> -> memref<10x1000xi32, #tpu.memory_space<hbm>>
      %dma_wait3A_37 = arith.constant 0 : i32
      %dma_wait3A_38 = arith.constant 0 : i32
      %dma_wait3A_39 = tpu.memref_slice %arg3[%add3A, %dma_wait3A_37, %dma_wait3A_38] : memref<32x10x1000xi32, #tpu.memory_space<hbm>> -> memref<1x10x1000xi32, #tpu.memory_space<hbm>>
      %dma_wait3A_40 = tpu.memref_squeeze %dma_wait3A_39 : memref<1x10x1000xi32, #tpu.memory_space<hbm>> -> memref<10x1000xi32, #tpu.memory_space<hbm>>
      tpu.wait_dma2 semaphore(%run_scoped3A : memref<!tpu.dma_semaphore, #tpu.memory_space<semaphore_mem>>) src(%dma_wait3A_40 : memref<10x1000xi32, #tpu.memory_space<hbm>>) dst(%arg7 : memref<10x1000xi32, #tpu.memory_space<vmem>>)
      tpu.yield
    }) : () -> ()
    "tpu.region"() ({
      %run_scoped3A = tpu.sem_alloc : memref<!tpu.dma_semaphore, #tpu.memory_space<semaphore_mem>>
      %dma_start3A_25 = arith.constant 0 : i32
      %dma_start3A_26 = arith.constant 0 : i32
      %dma_start3A_27 = tpu.memref_slice %arg4[%add3A, %dma_start3A_25, %dma_start3A_26] : memref<32x10x1000xi32, #tpu.memory_space<hbm>> -> memref<1x10x1000xi32, #tpu.memory_space<hbm>>
      %dma_start3A_28 = tpu.memref_squeeze %dma_start3A_27 : memref<1x10x1000xi32, #tpu.memory_space<hbm>> -> memref<10x1000xi32, #tpu.memory_space<hbm>>
      %dma_start3A_29 = arith.constant 0 : i32
      %dma_start3A_30 = arith.constant 0 : i32
      %dma_start3A_31 = tpu.memref_slice %arg4[%add3A, %dma_start3A_29, %dma_start3A_30] : memref<32x10x1000xi32, #tpu.memory_space<hbm>> -> memref<1x10x1000xi32, #tpu.memory_space<hbm>>
      %dma_start3A_32 = tpu.memref_squeeze %dma_start3A_31 : memref<1x10x1000xi32, #tpu.memory_space<hbm>> -> memref<10x1000xi32, #tpu.memory_space<hbm>>
      tpu.enqueue_dma source(%dma_start3A_32 : memref<10x1000xi32, #tpu.memory_space<hbm>>) target(%arg8 : memref<10x1000xi32, #tpu.memory_space<vmem>>) target_semaphore(%run_scoped3A : memref<!tpu.dma_semaphore, #tpu.memory_space<semaphore_mem>>)
      %dma_wait3A_33 = arith.constant 0 : i32
      %dma_wait3A_34 = arith.constant 0 : i32
      %dma_wait3A_35 = tpu.memref_slice %arg4[%add3A, %dma_wait3A_33, %dma_wait3A_34] : memref<32x10x1000xi32, #tpu.memory_space<hbm>> -> memref<1x10x1000xi32, #tpu.memory_space<hbm>>
      %dma_wait3A_36 = tpu.memref_squeeze %dma_wait3A_35 : memref<1x10x1000xi32, #tpu.memory_space<hbm>> -> memref<10x1000xi32, #tpu.memory_space<hbm>>
      %dma_wait3A_37 = arith.constant 0 : i32
      %dma_wait3A_38 = arith.constant 0 : i32
      %dma_wait3A_39 = tpu.memref_slice %arg4[%add3A, %dma_wait3A_37, %dma_wait3A_38] : memref<32x10x1000xi32, #tpu.memory_space<hbm>> -> memref<1x10x1000xi32, #tpu.memory_space<hbm>>
      %dma_wait3A_40 = tpu.memref_squeeze %dma_wait3A_39 : memref<1x10x1000xi32, #tpu.memory_space<hbm>> -> memref<10x1000xi32, #tpu.memory_space<hbm>>
      tpu.wait_dma2 semaphore(%run_scoped3A : memref<!tpu.dma_semaphore, #tpu.memory_space<semaphore_mem>>) src(%dma_wait3A_40 : memref<10x1000xi32, #tpu.memory_space<hbm>>) dst(%arg8 : memref<10x1000xi32, #tpu.memory_space<vmem>>)
      tpu.yield
    }) : () -> ()
    %barrier3A = arith.constant 0 : index
    tpu.barrier barrier_id(%barrier3A)
    %dma_start3A = arith.constant 0 : i32
    %dma_start3A_5 = arith.constant 0 : i32
    %dma_start3A_6 = tpu.memref_slice %arg7[%dma_start3A, %dma_start3A_5] : memref<10x1000xi32, #tpu.memory_space<vmem>> -> memref<1x1000xi32, #tpu.memory_space<vmem>>
    %dma_start3A_7 = tpu.memref_squeeze %dma_start3A_6 : memref<1x1000xi32, #tpu.memory_space<vmem>> -> memref<1000xi32, #tpu.memory_space<vmem>>
    %dma_start3A_8 = arith.constant 0 : i32
    %dma_start3A_9 = arith.constant 0 : i32
    %dma_start3A_10 = tpu.memref_slice %arg14[%dma_start3A_8, %dma_start3A_9] : memref<10000x32xf32, #tpu.memory_space<vmem_shared>> -> memref<10000x32xf32, #tpu.memory_space<vmem_shared>>
    tpu.enqueue_indirect_dma source(%dma_start3A_10 : memref<10000x32xf32, #tpu.memory_space<vmem_shared>>) target(%arg9 : memref<1000x32xf32, #tpu.memory_space<vmem>>) offsets(%dma_start3A_7 : memref<1000xi32, #tpu.memory_space<vmem>>) semaphore(%arg11 : memref<!tpu.dma_semaphore, #tpu.memory_space<semaphore_mem>>)
    %scan3A = arith.constant 0 : i32
    %scan3A_11 = arith.constant 0 : i32
    %scan3A_12 = arith.constant 5 : i32
    %scan3A_13 = arith.addi %scan3A_11, %scan3A_12 : i32
    %scan3A_14 = arith.constant 1 : i32
    scf.for %scan3A_25 = %scan3A_11 to %scan3A_13 step %scan3A_14  : i32 {
      %mul3A_26 = arith.constant 2 : i32
      %mul3A_27 = arith.muli %mul3A_26, %scan3A_25 : i32
      %add3A_28 = arith.constant 1 : i32
      %add3A_29 = arith.addi %mul3A_27, %add3A_28 : i32
      %dma_start3A_30 = arith.constant 0 : i32
      %dma_start3A_31 = tpu.memref_slice %arg7[%add3A_29, %dma_start3A_30] : memref<10x1000xi32, #tpu.memory_space<vmem>> -> memref<1x1000xi32, #tpu.memory_space<vmem>>
      %dma_start3A_32 = tpu.memref_squeeze %dma_start3A_31 : memref<1x1000xi32, #tpu.memory_space<vmem>> -> memref<1000xi32, #tpu.memory_space<vmem>>
      %dma_start3A_33 = arith.constant 0 : i32
      %dma_start3A_34 = arith.constant 0 : i32
      %dma_start3A_35 = tpu.memref_slice %arg14[%dma_start3A_33, %dma_start3A_34] : memref<10000x32xf32, #tpu.memory_space<vmem_shared>> -> memref<10000x32xf32, #tpu.memory_space<vmem_shared>>
      tpu.enqueue_indirect_dma source(%dma_start3A_35 : memref<10000x32xf32, #tpu.memory_space<vmem_shared>>) target(%arg10 : memref<1000x32xf32, #tpu.memory_space<vmem>>) offsets(%dma_start3A_32 : memref<1000xi32, #tpu.memory_space<vmem>>) semaphore(%arg12 : memref<!tpu.dma_semaphore, #tpu.memory_space<semaphore_mem>>)
      %dma_wait3A_36 = arith.constant 0 : i32
      %dma_wait3A_37 = tpu.memref_slice %arg7[%mul3A_27, %dma_wait3A_36] : memref<10x1000xi32, #tpu.memory_space<vmem>> -> memref<1x1000xi32, #tpu.memory_space<vmem>>
      %dma_wait3A_38 = tpu.memref_squeeze %dma_wait3A_37 : memref<1x1000xi32, #tpu.memory_space<vmem>> -> memref<1000xi32, #tpu.memory_space<vmem>>
      %dma_wait3A_39 = arith.constant 0 : i32
      %dma_wait3A_40 = arith.constant 0 : i32
      %dma_wait3A_41 = tpu.memref_slice %arg14[%dma_wait3A_39, %dma_wait3A_40] : memref<10000x32xf32, #tpu.memory_space<vmem_shared>> -> memref<10000x32xf32, #tpu.memory_space<vmem_shared>>
      tpu.wait_indirect_dma semaphore(%arg11 : memref<!tpu.dma_semaphore, #tpu.memory_space<semaphore_mem>>) src(%dma_wait3A_41 : memref<10000x32xf32, #tpu.memory_space<vmem_shared>>) dst(%arg9 : memref<1000x32xf32, #tpu.memory_space<vmem>>)
      "tpu.region"() ({
        %run_scoped3A = tpu.sem_alloc : memref<!tpu.dma_semaphore, #tpu.memory_space<semaphore_mem>>
        %dma_start3A_61 = arith.constant 0 : i32
        %dma_start3A_62 = tpu.memref_slice %arg8[%mul3A_27, %dma_start3A_61] : memref<10x1000xi32, #tpu.memory_space<vmem>> -> memref<1x1000xi32, #tpu.memory_space<vmem>>
        %dma_start3A_63 = tpu.memref_squeeze %dma_start3A_62 : memref<1x1000xi32, #tpu.memory_space<vmem>> -> memref<1000xi32, #tpu.memory_space<vmem>>
        %dma_start3A_64 = arith.constant 0 : i32
        %dma_start3A_65 = arith.constant 0 : i32
        %dma_start3A_66 = tpu.memref_slice %arg13[%dma_start3A_64, %dma_start3A_65] : memref<10112x32xf32, #tpu.memory_space<vmem_shared>> -> memref<10112x32xf32, #tpu.memory_space<vmem_shared>>
        tpu.enqueue_indirect_dma source(%arg9 : memref<1000x32xf32, #tpu.memory_space<vmem>>) target(%dma_start3A_66 : memref<10112x32xf32, #tpu.memory_space<vmem_shared>>) offsets(%dma_start3A_63 : memref<1000xi32, #tpu.memory_space<vmem>>) semaphore(%run_scoped3A : memref<!tpu.dma_semaphore, #tpu.memory_space<semaphore_mem>>) {add = true}
        %dma_wait3A_67 = arith.constant 0 : i32
        %dma_wait3A_68 = tpu.memref_slice %arg8[%mul3A_27, %dma_wait3A_67] : memref<10x1000xi32, #tpu.memory_space<vmem>> -> memref<1x1000xi32, #tpu.memory_space<vmem>>
        %dma_wait3A_69 = tpu.memref_squeeze %dma_wait3A_68 : memref<1x1000xi32, #tpu.memory_space<vmem>> -> memref<1000xi32, #tpu.memory_space<vmem>>
        %dma_wait3A_70 = arith.constant 0 : i32
        %dma_wait3A_71 = arith.constant 0 : i32
        %dma_wait3A_72 = tpu.memref_slice %arg13[%dma_wait3A_70, %dma_wait3A_71] : memref<10112x32xf32, #tpu.memory_space<vmem_shared>> -> memref<10112x32xf32, #tpu.memory_space<vmem_shared>>
        tpu.wait_indirect_dma semaphore(%run_scoped3A : memref<!tpu.dma_semaphore, #tpu.memory_space<semaphore_mem>>) src(%arg9 : memref<1000x32xf32, #tpu.memory_space<vmem>>) dst(%dma_wait3A_72 : memref<10112x32xf32, #tpu.memory_space<vmem_shared>>)
        tpu.yield
      }) : () -> ()
      %add3A_42 = arith.constant 2 : i32
      %add3A_43 = arith.addi %mul3A_27, %add3A_42 : i32
      %rem3A = arith.constant 10 : i32
      %rem3A_44 = arith.remsi %add3A_43, %rem3A : i32
      %dma_start3A_45 = arith.constant 0 : i32
      %dma_start3A_46 = tpu.memref_slice %arg7[%rem3A_44, %dma_start3A_45] : memref<10x1000xi32, #tpu.memory_space<vmem>> -> memref<1x1000xi32, #tpu.memory_space<vmem>>
      %dma_start3A_47 = tpu.memref_squeeze %dma_start3A_46 : memref<1x1000xi32, #tpu.memory_space<vmem>> -> memref<1000xi32, #tpu.memory_space<vmem>>
      %dma_start3A_48 = arith.constant 0 : i32
      %dma_start3A_49 = arith.constant 0 : i32
      %dma_start3A_50 = tpu.memref_slice %arg14[%dma_start3A_48, %dma_start3A_49] : memref<10000x32xf32, #tpu.memory_space<vmem_shared>> -> memref<10000x32xf32, #tpu.memory_space<vmem_shared>>
      tpu.enqueue_indirect_dma source(%dma_start3A_50 : memref<10000x32xf32, #tpu.memory_space<vmem_shared>>) target(%arg9 : memref<1000x32xf32, #tpu.memory_space<vmem>>) offsets(%dma_start3A_47 : memref<1000xi32, #tpu.memory_space<vmem>>) semaphore(%arg11 : memref<!tpu.dma_semaphore, #tpu.memory_space<semaphore_mem>>)
      %add3A_51 = arith.constant 1 : i32
      %add3A_52 = arith.addi %mul3A_27, %add3A_51 : i32
      %dma_wait3A_53 = arith.constant 0 : i32
      %dma_wait3A_54 = tpu.memref_slice %arg7[%add3A_52, %dma_wait3A_53] : memref<10x1000xi32, #tpu.memory_space<vmem>> -> memref<1x1000xi32, #tpu.memory_space<vmem>>
      %dma_wait3A_55 = tpu.memref_squeeze %dma_wait3A_54 : memref<1x1000xi32, #tpu.memory_space<vmem>> -> memref<1000xi32, #tpu.memory_space<vmem>>
      %dma_wait3A_56 = arith.constant 0 : i32
      %dma_wait3A_57 = arith.constant 0 : i32
      %dma_wait3A_58 = tpu.memref_slice %arg14[%dma_wait3A_56, %dma_wait3A_57] : memref<10000x32xf32, #tpu.memory_space<vmem_shared>> -> memref<10000x32xf32, #tpu.memory_space<vmem_shared>>
      tpu.wait_indirect_dma semaphore(%arg12 : memref<!tpu.dma_semaphore, #tpu.memory_space<semaphore_mem>>) src(%dma_wait3A_58 : memref<10000x32xf32, #tpu.memory_space<vmem_shared>>) dst(%arg10 : memref<1000x32xf32, #tpu.memory_space<vmem>>)
      %add3A_59 = arith.constant 1 : i32
      %add3A_60 = arith.addi %mul3A_27, %add3A_59 : i32
      "tpu.region"() ({
        %run_scoped3A = tpu.sem_alloc : memref<!tpu.dma_semaphore, #tpu.memory_space<semaphore_mem>>
        %dma_start3A_61 = arith.constant 0 : i32
        %dma_start3A_62 = tpu.memref_slice %arg8[%add3A_60, %dma_start3A_61] : memref<10x1000xi32, #tpu.memory_space<vmem>> -> memref<1x1000xi32, #tpu.memory_space<vmem>>
        %dma_start3A_63 = tpu.memref_squeeze %dma_start3A_62 : memref<1x1000xi32, #tpu.memory_space<vmem>> -> memref<1000xi32, #tpu.memory_space<vmem>>
        %dma_start3A_64 = arith.constant 0 : i32
        %dma_start3A_65 = arith.constant 0 : i32
        %dma_start3A_66 = tpu.memref_slice %arg13[%dma_start3A_64, %dma_start3A_65] : memref<10112x32xf32, #tpu.memory_space<vmem_shared>> -> memref<10112x32xf32, #tpu.memory_space<vmem_shared>>
        tpu.enqueue_indirect_dma source(%arg10 : memref<1000x32xf32, #tpu.memory_space<vmem>>) target(%dma_start3A_66 : memref<10112x32xf32, #tpu.memory_space<vmem_shared>>) offsets(%dma_start3A_63 : memref<1000xi32, #tpu.memory_space<vmem>>) semaphore(%run_scoped3A : memref<!tpu.dma_semaphore, #tpu.memory_space<semaphore_mem>>) {add = true}
        %dma_wait3A_67 = arith.constant 0 : i32
        %dma_wait3A_68 = tpu.memref_slice %arg8[%add3A_60, %dma_wait3A_67] : memref<10x1000xi32, #tpu.memory_space<vmem>> -> memref<1x1000xi32, #tpu.memory_space<vmem>>
        %dma_wait3A_69 = tpu.memref_squeeze %dma_wait3A_68 : memref<1x1000xi32, #tpu.memory_space<vmem>> -> memref<1000xi32, #tpu.memory_space<vmem>>
        %dma_wait3A_70 = arith.constant 0 : i32
        %dma_wait3A_71 = arith.constant 0 : i32
        %dma_wait3A_72 = tpu.memref_slice %arg13[%dma_wait3A_70, %dma_wait3A_71] : memref<10112x32xf32, #tpu.memory_space<vmem_shared>> -> memref<10112x32xf32, #tpu.memory_space<vmem_shared>>
        tpu.wait_indirect_dma semaphore(%run_scoped3A : memref<!tpu.dma_semaphore, #tpu.memory_space<semaphore_mem>>) src(%arg10 : memref<1000x32xf32, #tpu.memory_space<vmem>>) dst(%dma_wait3A_72 : memref<10112x32xf32, #tpu.memory_space<vmem_shared>>)
        tpu.yield
      }) : () -> ()
    }
    %scan3A_15 = arith.constant 5 : i32
    %dma_wait3A = arith.constant 0 : i32
    %dma_wait3A_16 = arith.constant 0 : i32
    %dma_wait3A_17 = tpu.memref_slice %arg7[%dma_wait3A, %dma_wait3A_16] : memref<10x1000xi32, #tpu.memory_space<vmem>> -> memref<1x1000xi32, #tpu.memory_space<vmem>>
    %dma_wait3A_18 = tpu.memref_squeeze %dma_wait3A_17 : memref<1x1000xi32, #tpu.memory_space<vmem>> -> memref<1000xi32, #tpu.memory_space<vmem>>
    %dma_wait3A_19 = arith.constant 0 : i32
    %dma_wait3A_20 = arith.constant 0 : i32
    %dma_wait3A_21 = tpu.memref_slice %arg14[%dma_wait3A_19, %dma_wait3A_20] : memref<10000x32xf32, #tpu.memory_space<vmem_shared>> -> memref<10000x32xf32, #tpu.memory_space<vmem_shared>>
    tpu.wait_indirect_dma semaphore(%arg11 : memref<!tpu.dma_semaphore, #tpu.memory_space<semaphore_mem>>) src(%dma_wait3A_21 : memref<10000x32xf32, #tpu.memory_space<vmem_shared>>) dst(%arg9 : memref<1000x32xf32, #tpu.memory_space<vmem>>)
    %barrier3A_22 = arith.constant 0 : index
    tpu.barrier barrier_id(%barrier3A_22)
    %mul3A_23 = arith.constant 632 : i32
    %mul3A_24 = arith.muli %arg1, %mul3A_23 : i32
    "tpu.region"() ({
      %run_scoped3A = tpu.sem_alloc : memref<!tpu.dma_semaphore, #tpu.memory_space<semaphore_mem>>
      %dma_start3A_25 = arith.constant 0 : i32
      %dma_start3A_26 = tpu.memref_slice %arg6[%arg0, %mul3A_24, %dma_start3A_25] : memref<2x10112x32xf32, #tpu.memory_space<hbm>> -> memref<1x632x32xf32, #tpu.memory_space<hbm>>
      %dma_start3A_27 = tpu.memref_squeeze %dma_start3A_26 : memref<1x632x32xf32, #tpu.memory_space<hbm>> -> memref<632x32xf32, #tpu.memory_space<hbm>>
      %dma_start3A_28 = arith.constant 0 : i32
      %dma_start3A_29 = tpu.memref_slice %arg13[%mul3A_24, %dma_start3A_28] : memref<10112x32xf32, #tpu.memory_space<vmem_shared>> -> memref<632x32xf32, #tpu.memory_space<vmem_shared>>
      tpu.enqueue_dma source(%dma_start3A_29 : memref<632x32xf32, #tpu.memory_space<vmem_shared>>) target(%dma_start3A_27 : memref<632x32xf32, #tpu.memory_space<hbm>>) target_semaphore(%run_scoped3A : memref<!tpu.dma_semaphore, #tpu.memory_space<semaphore_mem>>)
      %dma_wait3A_30 = arith.constant 0 : i32
      %dma_wait3A_31 = tpu.memref_slice %arg6[%arg0, %mul3A_24, %dma_wait3A_30] : memref<2x10112x32xf32, #tpu.memory_space<hbm>> -> memref<1x632x32xf32, #tpu.memory_space<hbm>>
      %dma_wait3A_32 = tpu.memref_squeeze %dma_wait3A_31 : memref<1x632x32xf32, #tpu.memory_space<hbm>> -> memref<632x32xf32, #tpu.memory_space<hbm>>
      %dma_wait3A_33 = arith.constant 0 : i32
      %dma_wait3A_34 = tpu.memref_slice %arg13[%mul3A_24, %dma_wait3A_33] : memref<10112x32xf32, #tpu.memory_space<vmem_shared>> -> memref<632x32xf32, #tpu.memory_space<vmem_shared>>
      tpu.wait_dma2 semaphore(%run_scoped3A : memref<!tpu.dma_semaphore, #tpu.memory_space<semaphore_mem>>) src(%dma_wait3A_34 : memref<632x32xf32, #tpu.memory_space<vmem_shared>>) dst(%dma_wait3A_32 : memref<632x32xf32, #tpu.memory_space<hbm>>)
      tpu.yield
    }) : () -> ()
    return
  }
}

module attributes {stable_mosaic.version = 14 : i64} {
  func.func @_tc_pre_body(%arg0: i32, %arg1: memref<1000x128xf32, #tpu.memory_space<vmem>>, %arg2: memref<128x64xf32, #tpu.memory_space<vmem>>, %arg3: memref<2x2x1000x8xf32, #tpu.memory_space<vmem>>, %arg4: memref<1000x32xf32, #tpu.memory_space<vmem>>, %arg5: memref<1000x32xf32, #tpu.memory_space<vmem>>, %arg6: memref<1000x1xf32, #tpu.memory_space<vmem>>, %arg7: memref<1000x1xf32, #tpu.memory_space<vmem>>) attributes {dimension_semantics = [#tpu.dimension_semantics<arbitrary>], iteration_bounds = array<i64: 10>, scalar_prefetch = 0 : i64, scratch_operands = 0 : i64, tpu.core_type = #tpu.core_type<tc>, window_params = [{transform_indices = @transform_0, window_bounds = array<i64: 1000, 128>}, {pipeline_mode = #tpu.pipeline_mode<synchronous>, transform_indices = @transform_1, window_bounds = array<i64: 128, 64>}, {transform_indices = @transform_2, window_bounds = array<i64: 2, 2, 1000, 8>}, {transform_indices = @transform_3, window_bounds = array<i64: 1000, 32>}, {transform_indices = @transform_4, window_bounds = array<i64: 1000, 32>}, {transform_indices = @transform_5, window_bounds = array<i64: 1000, 1>}, {transform_indices = @transform_6, window_bounds = array<i64: 1000, 1>}]} {
    %get3A = arith.constant 0 : index
    %get3A_0 = arith.constant 0 : index
    %get3A_1 = arith.constant 0 : index
    %get3A_2 = arith.constant 0 : index
    %get3A_3 = vector.load %arg3[%get3A, %get3A_0, %get3A_1, %get3A_2] : memref<2x2x1000x8xf32, #tpu.memory_space<vmem>>, vector<1x1x1000x8xf32>
    %get3A_4 = vector.shape_cast %get3A_3 : vector<1x1x1000x8xf32> to vector<1000x8xf32>
    %get3A_5 = arith.constant 1 : index
    %get3A_6 = arith.constant 0 : index
    %get3A_7 = arith.constant 0 : index
    %get3A_8 = arith.constant 0 : index
    %get3A_9 = vector.load %arg3[%get3A_5, %get3A_6, %get3A_7, %get3A_8] : memref<2x2x1000x8xf32, #tpu.memory_space<vmem>>, vector<1x1x1000x8xf32>
    %get3A_10 = vector.shape_cast %get3A_9 : vector<1x1x1000x8xf32> to vector<1000x8xf32>
    %add3A = arith.addf %get3A_4, %get3A_10 : vector<1000x8xf32>
    %get3A_11 = arith.constant 0 : index
    %get3A_12 = arith.constant 1 : index
    %get3A_13 = arith.constant 0 : index
    %get3A_14 = arith.constant 0 : index
    %get3A_15 = vector.load %arg3[%get3A_11, %get3A_12, %get3A_13, %get3A_14] : memref<2x2x1000x8xf32, #tpu.memory_space<vmem>>, vector<1x1x1000x8xf32>
    %get3A_16 = vector.shape_cast %get3A_15 : vector<1x1x1000x8xf32> to vector<1000x8xf32>
    %get3A_17 = arith.constant 1 : index
    %get3A_18 = arith.constant 1 : index
    %get3A_19 = arith.constant 0 : index
    %get3A_20 = arith.constant 0 : index
    %get3A_21 = vector.load %arg3[%get3A_17, %get3A_18, %get3A_19, %get3A_20] : memref<2x2x1000x8xf32, #tpu.memory_space<vmem>>, vector<1x1x1000x8xf32>
    %get3A_22 = vector.shape_cast %get3A_21 : vector<1x1x1000x8xf32> to vector<1000x8xf32>
    %add3A_23 = arith.addf %get3A_16, %get3A_22 : vector<1000x8xf32>
    %slice3A = vector.extract_strided_slice %add3A {offsets = [0, 0], sizes = [1000, 1], strides = [1, 1]} : vector<1000x8xf32> to vector<1000x1xf32>
    %add3A_24 = arith.constant 1.000000e+00 : f32
    %add3A_25 = vector.broadcast %add3A_24 : f32 to vector<1000x1xf32>
    %add3A_26 = arith.addf %add3A_25, %slice3A : vector<1000x1xf32>
    %rsqrt3A = math.rsqrt %add3A_26 : vector<1000x1xf32>
    %slice3A_27 = vector.extract_strided_slice %add3A_23 {offsets = [0, 0], sizes = [1000, 1], strides = [1, 1]} : vector<1000x8xf32> to vector<1000x1xf32>
    %add3A_28 = arith.constant 1.000000e+00 : f32
    %add3A_29 = vector.broadcast %add3A_28 : f32 to vector<1000x1xf32>
    %add3A_30 = arith.addf %add3A_29, %slice3A_27 : vector<1000x1xf32>
    %rsqrt3A_31 = math.rsqrt %add3A_30 : vector<1000x1xf32>
    %get3A_32 = arith.constant 0 : index
    %get3A_33 = arith.constant 0 : index
    %get3A_34 = vector.load %arg1[%get3A_32, %get3A_33] : memref<1000x128xf32, #tpu.memory_space<vmem>>, vector<1000x128xf32>
    %get3A_35 = arith.constant 0 : index
    %get3A_36 = arith.constant 0 : index
    %get3A_37 = vector.load %arg2[%get3A_35, %get3A_36] : memref<128x64xf32, #tpu.memory_space<vmem>>, vector<128x64xf32>
    %dot_general3A = arith.constant dense<0.000000e+00> : vector<1000x64xf32>
    %dot_general3A_38 = tpu.matmul %get3A_34, %get3A_37, %dot_general3A {dimension_numbers = #tpu.dot_dimension_numbers<[1], [0], [0], [1], [0, 0, 1, 1], [], []>, precision = #tpu.contract_precision<fp32>, transpose_lhs_hint = false} : vector<1000x128xf32>, vector<128x64xf32>, vector<1000x64xf32> -> vector<1000x64xf32>
    %slice3A_39 = vector.extract_strided_slice %dot_general3A_38 {offsets = [0, 0], sizes = [1000, 32], strides = [1, 1]} : vector<1000x64xf32> to vector<1000x32xf32>
    %mul3A = vector.broadcast %rsqrt3A : vector<1000x1xf32> to vector<1000x32xf32>
    %mul3A_40 = arith.mulf %slice3A_39, %mul3A : vector<1000x32xf32>
    %swap3A = arith.constant 0 : index
    %swap3A_41 = arith.constant 0 : index
    %swap3A_42 = vector.load %arg4[%swap3A, %swap3A_41] : memref<1000x32xf32, #tpu.memory_space<vmem>>, vector<1000x32xf32>
    tpu.vector_store %arg4[%swap3A, %swap3A_41], %mul3A_40 {strides = array<i32>} : memref<1000x32xf32, #tpu.memory_space<vmem>>, vector<1000x32xf32>,
    %slice3A_43 = vector.extract_strided_slice %dot_general3A_38 {offsets = [0, 32], sizes = [1000, 32], strides = [1, 1]} : vector<1000x64xf32> to vector<1000x32xf32>
    %mul3A_44 = vector.broadcast %rsqrt3A_31 : vector<1000x1xf32> to vector<1000x32xf32>
    %mul3A_45 = arith.mulf %slice3A_43, %mul3A_44 : vector<1000x32xf32>
    %swap3A_46 = arith.constant 0 : index
    %swap3A_47 = arith.constant 0 : index
    %swap3A_48 = vector.load %arg5[%swap3A_46, %swap3A_47] : memref<1000x32xf32, #tpu.memory_space<vmem>>, vector<1000x32xf32>
    tpu.vector_store %arg5[%swap3A_46, %swap3A_47], %mul3A_45 {strides = array<i32>} : memref<1000x32xf32, #tpu.memory_space<vmem>>, vector<1000x32xf32>,
    %swap3A_49 = arith.constant 0 : index
    %swap3A_50 = arith.constant 0 : index
    %swap3A_51 = vector.load %arg6[%swap3A_49, %swap3A_50] : memref<1000x1xf32, #tpu.memory_space<vmem>>, vector<1000x1xf32>
    tpu.vector_store %arg6[%swap3A_49, %swap3A_50], %rsqrt3A {strides = array<i32>} : memref<1000x1xf32, #tpu.memory_space<vmem>>, vector<1000x1xf32>,
    %swap3A_52 = arith.constant 0 : index
    %swap3A_53 = arith.constant 0 : index
    %swap3A_54 = vector.load %arg7[%swap3A_52, %swap3A_53] : memref<1000x1xf32, #tpu.memory_space<vmem>>, vector<1000x1xf32>
    tpu.vector_store %arg7[%swap3A_52, %swap3A_53], %rsqrt3A_31 {strides = array<i32>} : memref<1000x1xf32, #tpu.memory_space<vmem>>, vector<1000x1xf32>,
    return
  }
  func.func @transform_0(%arg0: i32) -> (i32, i32) {
    %c0_i32 = arith.constant 0 : i32
    %c0_i32_0 = arith.constant 0 : i32
    return %arg0, %c0_i32 : i32, i32
  }
  func.func @transform_1(%arg0: i32) -> (i32, i32) {
    %c0_i32 = arith.constant 0 : i32
    %c0_i32_0 = arith.constant 0 : i32
    %c0_i32_1 = arith.constant 0 : i32
    return %c0_i32, %c0_i32_0 : i32, i32
  }
  func.func @transform_2(%arg0: i32) -> (i32, i32, i32, i32) {
    %c0_i32 = arith.constant 0 : i32
    %c0_i32_0 = arith.constant 0 : i32
    %c0_i32_1 = arith.constant 0 : i32
    %c0_i32_2 = arith.constant 0 : i32
    return %c0_i32, %c0_i32_0, %arg0, %c0_i32_1 : i32, i32, i32, i32
  }
  func.func @transform_3(%arg0: i32) -> (i32, i32) {
    %c0_i32 = arith.constant 0 : i32
    %c0_i32_0 = arith.constant 0 : i32
    return %arg0, %c0_i32 : i32, i32
  }
  func.func @transform_4(%arg0: i32) -> (i32, i32) {
    %c0_i32 = arith.constant 0 : i32
    %c0_i32_0 = arith.constant 0 : i32
    return %arg0, %c0_i32 : i32, i32
  }
  func.func @transform_5(%arg0: i32) -> (i32, i32) {
    %c0_i32 = arith.constant 0 : i32
    %c0_i32_0 = arith.constant 0 : i32
    return %arg0, %c0_i32 : i32, i32
  }
  func.func @transform_6(%arg0: i32) -> (i32, i32) {
    %c0_i32 = arith.constant 0 : i32
    %c0_i32_0 = arith.constant 0 : i32
    return %arg0, %c0_i32 : i32, i32
  }
}

module attributes {stable_mosaic.version = 14 : i64} {
  func.func @_tc_mid_body(%arg0: i32, %arg1: memref<2x1000x32xf32, #tpu.memory_space<vmem>>, %arg2: memref<2x1000x32xf32, #tpu.memory_space<vmem>>, %arg3: memref<1000x32xf32, #tpu.memory_space<vmem>>, %arg4: memref<1000x32xf32, #tpu.memory_space<vmem>>, %arg5: memref<1000x1xf32, #tpu.memory_space<vmem>>, %arg6: memref<1000x1xf32, #tpu.memory_space<vmem>>, %arg7: memref<32xf32, #tpu.memory_space<vmem>>, %arg8: memref<32xf32, #tpu.memory_space<vmem>>, %arg9: memref<32x64xf32, #tpu.memory_space<vmem>>, %arg10: memref<1000x32xf32, #tpu.memory_space<vmem>>, %arg11: memref<1000x32xf32, #tpu.memory_space<vmem>>) attributes {dimension_semantics = [#tpu.dimension_semantics<arbitrary>], iteration_bounds = array<i64: 10>, scalar_prefetch = 0 : i64, scratch_operands = 0 : i64, tpu.core_type = #tpu.core_type<tc>, window_params = [{transform_indices = @transform_0, window_bounds = array<i64: 2, 1000, 32>}, {transform_indices = @transform_1, window_bounds = array<i64: 2, 1000, 32>}, {transform_indices = @transform_2, window_bounds = array<i64: 1000, 32>}, {transform_indices = @transform_3, window_bounds = array<i64: 1000, 32>}, {transform_indices = @transform_4, window_bounds = array<i64: 1000, 1>}, {transform_indices = @transform_5, window_bounds = array<i64: 1000, 1>}, {pipeline_mode = #tpu.pipeline_mode<synchronous>, transform_indices = @transform_6, window_bounds = array<i64: 32>}, {pipeline_mode = #tpu.pipeline_mode<synchronous>, transform_indices = @transform_7, window_bounds = array<i64: 32>}, {pipeline_mode = #tpu.pipeline_mode<synchronous>, transform_indices = @transform_8, window_bounds = array<i64: 32, 64>}, {transform_indices = @transform_9, window_bounds = array<i64: 1000, 32>}, {transform_indices = @transform_10, window_bounds = array<i64: 1000, 32>}]} {
    %get3A = arith.constant 0 : index
    %get3A_0 = arith.constant 0 : index
    %get3A_1 = vector.load %arg5[%get3A, %get3A_0] : memref<1000x1xf32, #tpu.memory_space<vmem>>, vector<1000x1xf32>
    %get3A_2 = arith.constant 0 : index
    %get3A_3 = arith.constant 0 : index
    %get3A_4 = vector.load %arg6[%get3A_2, %get3A_3] : memref<1000x1xf32, #tpu.memory_space<vmem>>, vector<1000x1xf32>
    %get3A_5 = arith.constant 0 : index
    %get3A_6 = arith.constant 0 : index
    %get3A_7 = arith.constant 0 : index
    %get3A_8 = vector.load %arg1[%get3A_5, %get3A_6, %get3A_7] : memref<2x1000x32xf32, #tpu.memory_space<vmem>>, vector<1x1000x32xf32>
    %get3A_9 = vector.shape_cast %get3A_8 : vector<1x1000x32xf32> to vector<1000x32xf32>
    %get3A_10 = arith.constant 1 : index
    %get3A_11 = arith.constant 0 : index
    %get3A_12 = arith.constant 0 : index
    %get3A_13 = vector.load %arg1[%get3A_10, %get3A_11, %get3A_12] : memref<2x1000x32xf32, #tpu.memory_space<vmem>>, vector<1x1000x32xf32>
    %get3A_14 = vector.shape_cast %get3A_13 : vector<1x1000x32xf32> to vector<1000x32xf32>
    %add3A = arith.addf %get3A_9, %get3A_14 : vector<1000x32xf32>
    %get3A_15 = arith.constant 0 : index
    %get3A_16 = arith.constant 0 : index
    %get3A_17 = arith.constant 0 : index
    %get3A_18 = vector.load %arg2[%get3A_15, %get3A_16, %get3A_17] : memref<2x1000x32xf32, #tpu.memory_space<vmem>>, vector<1x1000x32xf32>
    %get3A_19 = vector.shape_cast %get3A_18 : vector<1x1000x32xf32> to vector<1000x32xf32>
    %get3A_20 = arith.constant 1 : index
    %get3A_21 = arith.constant 0 : index
    %get3A_22 = arith.constant 0 : index
    %get3A_23 = vector.load %arg2[%get3A_20, %get3A_21, %get3A_22] : memref<2x1000x32xf32, #tpu.memory_space<vmem>>, vector<1x1000x32xf32>
    %get3A_24 = vector.shape_cast %get3A_23 : vector<1x1000x32xf32> to vector<1000x32xf32>
    %add3A_25 = arith.addf %get3A_19, %get3A_24 : vector<1000x32xf32>
    %get3A_26 = arith.constant 0 : index
    %get3A_27 = arith.constant 0 : index
    %get3A_28 = vector.load %arg3[%get3A_26, %get3A_27] : memref<1000x32xf32, #tpu.memory_space<vmem>>, vector<1000x32xf32>
    %add3A_29 = arith.addf %add3A, %get3A_28 : vector<1000x32xf32>
    %mul3A = vector.broadcast %get3A_1 : vector<1000x1xf32> to vector<1000x32xf32>
    %mul3A_30 = arith.mulf %mul3A, %add3A_29 : vector<1000x32xf32>
    %get3A_31 = arith.constant 0 : index
    %get3A_32 = vector.load %arg7[%get3A_31] : memref<32xf32, #tpu.memory_space<vmem>>, vector<32xf32>
    %broadcast_in_dim3A = vector.shape_cast %get3A_32 : vector<32xf32> to vector<1x32xf32>
    %add3A_33 = vector.broadcast %broadcast_in_dim3A : vector<1x32xf32> to vector<1000x32xf32>
    %add3A_34 = arith.addf %mul3A_30, %add3A_33 : vector<1000x32xf32>
    %get3A_35 = arith.constant 0 : index
    %get3A_36 = arith.constant 0 : index
    %get3A_37 = vector.load %arg4[%get3A_35, %get3A_36] : memref<1000x32xf32, #tpu.memory_space<vmem>>, vector<1000x32xf32>
    %add3A_38 = arith.addf %add3A_25, %get3A_37 : vector<1000x32xf32>
    %mul3A_39 = vector.broadcast %get3A_4 : vector<1000x1xf32> to vector<1000x32xf32>
    %mul3A_40 = arith.mulf %mul3A_39, %add3A_38 : vector<1000x32xf32>
    %get3A_41 = arith.constant 0 : index
    %get3A_42 = vector.load %arg8[%get3A_41] : memref<32xf32, #tpu.memory_space<vmem>>, vector<32xf32>
    %broadcast_in_dim3A_43 = vector.shape_cast %get3A_42 : vector<32xf32> to vector<1x32xf32>
    %add3A_44 = vector.broadcast %broadcast_in_dim3A_43 : vector<1x32xf32> to vector<1000x32xf32>
    %add3A_45 = arith.addf %mul3A_40, %add3A_44 : vector<1000x32xf32>
    %add3A_46 = arith.addf %add3A_34, %add3A_45 : vector<1000x32xf32>
    %mul3A_47 = arith.constant 5.000000e-01 : f32
    %mul3A_48 = vector.broadcast %mul3A_47 : f32 to vector<1000x32xf32>
    %mul3A_49 = arith.mulf %mul3A_48, %add3A_46 : vector<1000x32xf32>
    %max3A = arith.constant 0.000000e+00 : f32
    %max3A_50 = vector.broadcast %max3A : f32 to vector<1000x32xf32>
    %max3A_51 = arith.maximumf %mul3A_49, %max3A_50 : vector<1000x32xf32>
    %get3A_52 = arith.constant 0 : index
    %get3A_53 = arith.constant 0 : index
    %get3A_54 = vector.load %arg9[%get3A_52, %get3A_53] : memref<32x64xf32, #tpu.memory_space<vmem>>, vector<32x64xf32>
    %dot_general3A = arith.constant dense<0.000000e+00> : vector<1000x64xf32>
    %dot_general3A_55 = tpu.matmul %max3A_51, %get3A_54, %dot_general3A {dimension_numbers = #tpu.dot_dimension_numbers<[1], [0], [0], [1], [0, 0, 1, 1], [], []>, precision = #tpu.contract_precision<fp32>, transpose_lhs_hint = false} : vector<1000x32xf32>, vector<32x64xf32>, vector<1000x64xf32> -> vector<1000x64xf32>
    %slice3A = vector.extract_strided_slice %dot_general3A_55 {offsets = [0, 0], sizes = [1000, 32], strides = [1, 1]} : vector<1000x64xf32> to vector<1000x32xf32>
    %mul3A_56 = vector.broadcast %get3A_1 : vector<1000x1xf32> to vector<1000x32xf32>
    %mul3A_57 = arith.mulf %slice3A, %mul3A_56 : vector<1000x32xf32>
    %swap3A = arith.constant 0 : index
    %swap3A_58 = arith.constant 0 : index
    %swap3A_59 = vector.load %arg10[%swap3A, %swap3A_58] : memref<1000x32xf32, #tpu.memory_space<vmem>>, vector<1000x32xf32>
    tpu.vector_store %arg10[%swap3A, %swap3A_58], %mul3A_57 {strides = array<i32>} : memref<1000x32xf32, #tpu.memory_space<vmem>>, vector<1000x32xf32>,
    %slice3A_60 = vector.extract_strided_slice %dot_general3A_55 {offsets = [0, 32], sizes = [1000, 32], strides = [1, 1]} : vector<1000x64xf32> to vector<1000x32xf32>
    %mul3A_61 = vector.broadcast %get3A_4 : vector<1000x1xf32> to vector<1000x32xf32>
    %mul3A_62 = arith.mulf %slice3A_60, %mul3A_61 : vector<1000x32xf32>
    %swap3A_63 = arith.constant 0 : index
    %swap3A_64 = arith.constant 0 : index
    %swap3A_65 = vector.load %arg11[%swap3A_63, %swap3A_64] : memref<1000x32xf32, #tpu.memory_space<vmem>>, vector<1000x32xf32>
    tpu.vector_store %arg11[%swap3A_63, %swap3A_64], %mul3A_62 {strides = array<i32>} : memref<1000x32xf32, #tpu.memory_space<vmem>>, vector<1000x32xf32>,
    return
  }
  func.func @transform_0(%arg0: i32) -> (i32, i32, i32) {
    %c0_i32 = arith.constant 0 : i32
    %c0_i32_0 = arith.constant 0 : i32
    %c0_i32_1 = arith.constant 0 : i32
    return %c0_i32, %arg0, %c0_i32_0 : i32, i32, i32
  }
  func.func @transform_1(%arg0: i32) -> (i32, i32, i32) {
    %c0_i32 = arith.constant 0 : i32
    %c0_i32_0 = arith.constant 0 : i32
    %c0_i32_1 = arith.constant 0 : i32
    return %c0_i32, %arg0, %c0_i32_0 : i32, i32, i32
  }
  func.func @transform_2(%arg0: i32) -> (i32, i32) {
    %c0_i32 = arith.constant 0 : i32
    %c0_i32_0 = arith.constant 0 : i32
    return %arg0, %c0_i32 : i32, i32
  }
  func.func @transform_3(%arg0: i32) -> (i32, i32) {
    %c0_i32 = arith.constant 0 : i32
    %c0_i32_0 = arith.constant 0 : i32
    return %arg0, %c0_i32 : i32, i32
  }
  func.func @transform_4(%arg0: i32) -> (i32, i32) {
    %c0_i32 = arith.constant 0 : i32
    %c0_i32_0 = arith.constant 0 : i32
    return %arg0, %c0_i32 : i32, i32
  }
  func.func @transform_5(%arg0: i32) -> (i32, i32) {
    %c0_i32 = arith.constant 0 : i32
    %c0_i32_0 = arith.constant 0 : i32
    return %arg0, %c0_i32 : i32, i32
  }
  func.func @transform_6(%arg0: i32) -> i32 {
    %c0_i32 = arith.constant 0 : i32
    %c0_i32_0 = arith.constant 0 : i32
    return %c0_i32 : i32
  }
  func.func @transform_7(%arg0: i32) -> i32 {
    %c0_i32 = arith.constant 0 : i32
    %c0_i32_0 = arith.constant 0 : i32
    return %c0_i32 : i32
  }
  func.func @transform_8(%arg0: i32) -> (i32, i32) {
    %c0_i32 = arith.constant 0 : i32
    %c0_i32_0 = arith.constant 0 : i32
    %c0_i32_1 = arith.constant 0 : i32
    return %c0_i32, %c0_i32_0 : i32, i32
  }
  func.func @transform_9(%arg0: i32) -> (i32, i32) {
    %c0_i32 = arith.constant 0 : i32
    %c0_i32_0 = arith.constant 0 : i32
    return %arg0, %c0_i32 : i32, i32
  }
  func.func @transform_10(%arg0: i32) -> (i32, i32) {
    %c0_i32 = arith.constant 0 : i32
    %c0_i32_0 = arith.constant 0 : i32
    return %arg0, %c0_i32 : i32, i32
  }
}

module attributes {stable_mosaic.version = 14 : i64} {
  func.func @_tc_post_body(%arg0: i32, %arg1: memref<2x1000x32xf32, #tpu.memory_space<vmem>>, %arg2: memref<2x1000x32xf32, #tpu.memory_space<vmem>>, %arg3: memref<1000x32xf32, #tpu.memory_space<vmem>>, %arg4: memref<1000x32xf32, #tpu.memory_space<vmem>>, %arg5: memref<1000x1xf32, #tpu.memory_space<vmem>>, %arg6: memref<1000x1xf32, #tpu.memory_space<vmem>>, %arg7: memref<32xf32, #tpu.memory_space<vmem>>, %arg8: memref<32xf32, #tpu.memory_space<vmem>>, %arg9: memref<1000x32xf32, #tpu.memory_space<vmem>>) attributes {dimension_semantics = [#tpu.dimension_semantics<arbitrary>], iteration_bounds = array<i64: 10>, scalar_prefetch = 0 : i64, scratch_operands = 0 : i64, tpu.core_type = #tpu.core_type<tc>, window_params = [{transform_indices = @transform_0, window_bounds = array<i64: 2, 1000, 32>}, {transform_indices = @transform_1, window_bounds = array<i64: 2, 1000, 32>}, {transform_indices = @transform_2, window_bounds = array<i64: 1000, 32>}, {transform_indices = @transform_3, window_bounds = array<i64: 1000, 32>}, {transform_indices = @transform_4, window_bounds = array<i64: 1000, 1>}, {transform_indices = @transform_5, window_bounds = array<i64: 1000, 1>}, {pipeline_mode = #tpu.pipeline_mode<synchronous>, transform_indices = @transform_6, window_bounds = array<i64: 32>}, {pipeline_mode = #tpu.pipeline_mode<synchronous>, transform_indices = @transform_7, window_bounds = array<i64: 32>}, {transform_indices = @transform_8, window_bounds = array<i64: 1000, 32>}]} {
    %get3A = arith.constant 0 : index
    %get3A_0 = arith.constant 0 : index
    %get3A_1 = vector.load %arg5[%get3A, %get3A_0] : memref<1000x1xf32, #tpu.memory_space<vmem>>, vector<1000x1xf32>
    %get3A_2 = arith.constant 0 : index
    %get3A_3 = arith.constant 0 : index
    %get3A_4 = vector.load %arg6[%get3A_2, %get3A_3] : memref<1000x1xf32, #tpu.memory_space<vmem>>, vector<1000x1xf32>
    %get3A_5 = arith.constant 0 : index
    %get3A_6 = arith.constant 0 : index
    %get3A_7 = arith.constant 0 : index
    %get3A_8 = vector.load %arg1[%get3A_5, %get3A_6, %get3A_7] : memref<2x1000x32xf32, #tpu.memory_space<vmem>>, vector<1x1000x32xf32>
    %get3A_9 = vector.shape_cast %get3A_8 : vector<1x1000x32xf32> to vector<1000x32xf32>
    %get3A_10 = arith.constant 1 : index
    %get3A_11 = arith.constant 0 : index
    %get3A_12 = arith.constant 0 : index
    %get3A_13 = vector.load %arg1[%get3A_10, %get3A_11, %get3A_12] : memref<2x1000x32xf32, #tpu.memory_space<vmem>>, vector<1x1000x32xf32>
    %get3A_14 = vector.shape_cast %get3A_13 : vector<1x1000x32xf32> to vector<1000x32xf32>
    %add3A = arith.addf %get3A_9, %get3A_14 : vector<1000x32xf32>
    %get3A_15 = arith.constant 0 : index
    %get3A_16 = arith.constant 0 : index
    %get3A_17 = arith.constant 0 : index
    %get3A_18 = vector.load %arg2[%get3A_15, %get3A_16, %get3A_17] : memref<2x1000x32xf32, #tpu.memory_space<vmem>>, vector<1x1000x32xf32>
    %get3A_19 = vector.shape_cast %get3A_18 : vector<1x1000x32xf32> to vector<1000x32xf32>
    %get3A_20 = arith.constant 1 : index
    %get3A_21 = arith.constant 0 : index
    %get3A_22 = arith.constant 0 : index
    %get3A_23 = vector.load %arg2[%get3A_20, %get3A_21, %get3A_22] : memref<2x1000x32xf32, #tpu.memory_space<vmem>>, vector<1x1000x32xf32>
    %get3A_24 = vector.shape_cast %get3A_23 : vector<1x1000x32xf32> to vector<1000x32xf32>
    %add3A_25 = arith.addf %get3A_19, %get3A_24 : vector<1000x32xf32>
    %get3A_26 = arith.constant 0 : index
    %get3A_27 = arith.constant 0 : index
    %get3A_28 = vector.load %arg3[%get3A_26, %get3A_27] : memref<1000x32xf32, #tpu.memory_space<vmem>>, vector<1000x32xf32>
    %add3A_29 = arith.addf %add3A, %get3A_28 : vector<1000x32xf32>
    %mul3A = vector.broadcast %get3A_1 : vector<1000x1xf32> to vector<1000x32xf32>
    %mul3A_30 = arith.mulf %mul3A, %add3A_29 : vector<1000x32xf32>
    %get3A_31 = arith.constant 0 : index
    %get3A_32 = vector.load %arg7[%get3A_31] : memref<32xf32, #tpu.memory_space<vmem>>, vector<32xf32>
    %broadcast_in_dim3A = vector.shape_cast %get3A_32 : vector<32xf32> to vector<1x32xf32>
    %add3A_33 = vector.broadcast %broadcast_in_dim3A : vector<1x32xf32> to vector<1000x32xf32>
    %add3A_34 = arith.addf %mul3A_30, %add3A_33 : vector<1000x32xf32>
    %get3A_35 = arith.constant 0 : index
    %get3A_36 = arith.constant 0 : index
    %get3A_37 = vector.load %arg4[%get3A_35, %get3A_36] : memref<1000x32xf32, #tpu.memory_space<vmem>>, vector<1000x32xf32>
    %add3A_38 = arith.addf %add3A_25, %get3A_37 : vector<1000x32xf32>
    %mul3A_39 = vector.broadcast %get3A_4 : vector<1000x1xf32> to vector<1000x32xf32>
    %mul3A_40 = arith.mulf %mul3A_39, %add3A_38 : vector<1000x32xf32>
    %get3A_41 = arith.constant 0 : index
    %get3A_42 = vector.load %arg8[%get3A_41] : memref<32xf32, #tpu.memory_space<vmem>>, vector<32xf32>
    %broadcast_in_dim3A_43 = vector.shape_cast %get3A_42 : vector<32xf32> to vector<1x32xf32>
    %add3A_44 = vector.broadcast %broadcast_in_dim3A_43 : vector<1x32xf32> to vector<1000x32xf32>
    %add3A_45 = arith.addf %mul3A_40, %add3A_44 : vector<1000x32xf32>
    %add3A_46 = arith.addf %add3A_34, %add3A_45 : vector<1000x32xf32>
    %mul3A_47 = arith.constant 5.000000e-01 : f32
    %mul3A_48 = vector.broadcast %mul3A_47 : f32 to vector<1000x32xf32>
    %mul3A_49 = arith.mulf %mul3A_48, %add3A_46 : vector<1000x32xf32>
    %swap3A = arith.constant 0 : index
    %swap3A_50 = arith.constant 0 : index
    %swap3A_51 = vector.load %arg9[%swap3A, %swap3A_50] : memref<1000x32xf32, #tpu.memory_space<vmem>>, vector<1000x32xf32>
    tpu.vector_store %arg9[%swap3A, %swap3A_50], %mul3A_49 {strides = array<i32>} : memref<1000x32xf32, #tpu.memory_space<vmem>>, vector<1000x32xf32>,
    return
  }
  func.func @transform_0(%arg0: i32) -> (i32, i32, i32) {
    %c0_i32 = arith.constant 0 : i32
    %c0_i32_0 = arith.constant 0 : i32
    %c0_i32_1 = arith.constant 0 : i32
    return %c0_i32, %arg0, %c0_i32_0 : i32, i32, i32
  }
  func.func @transform_1(%arg0: i32) -> (i32, i32, i32) {
    %c0_i32 = arith.constant 0 : i32
    %c0_i32_0 = arith.constant 0 : i32
    %c0_i32_1 = arith.constant 0 : i32
    return %c0_i32, %arg0, %c0_i32_0 : i32, i32, i32
  }
  func.func @transform_2(%arg0: i32) -> (i32, i32) {
    %c0_i32 = arith.constant 0 : i32
    %c0_i32_0 = arith.constant 0 : i32
    return %arg0, %c0_i32 : i32, i32
  }
  func.func @transform_3(%arg0: i32) -> (i32, i32) {
    %c0_i32 = arith.constant 0 : i32
    %c0_i32_0 = arith.constant 0 : i32
    return %arg0, %c0_i32 : i32, i32
  }
  func.func @transform_4(%arg0: i32) -> (i32, i32) {
    %c0_i32 = arith.constant 0 : i32
    %c0_i32_0 = arith.constant 0 : i32
    return %arg0, %c0_i32 : i32, i32
  }
  func.func @transform_5(%arg0: i32) -> (i32, i32) {
    %c0_i32 = arith.constant 0 : i32
    %c0_i32_0 = arith.constant 0 : i32
    return %arg0, %c0_i32 : i32, i32
  }
  func.func @transform_6(%arg0: i32) -> i32 {
    %c0_i32 = arith.constant 0 : i32
    %c0_i32_0 = arith.constant 0 : i32
    return %c0_i32 : i32
  }
  func.func @transform_7(%arg0: i32) -> i32 {
    %c0_i32 = arith.constant 0 : i32
    %c0_i32_0 = arith.constant 0 : i32
    return %c0_i32 : i32
  }
  func.func @transform_8(%arg0: i32) -> (i32, i32) {
    %c0_i32 = arith.constant 0 : i32
    %c0_i32_0 = arith.constant 0 : i32
    return %arg0, %c0_i32 : i32, i32
  }
}

</mosaic_0001>

<sc_bundles>
// kernel: kernel.10.cloned.1.call-start
scs
__scs_entry_jumppad:
0x0: {  	(pc) =	sbr.rel $0x88, $3  }
0x1: {  	(tag) =	ssettag $0x0;
	lr =	simm.s32 $0x1  }
0x2: {  	[smem:$0x3F96] =	sst lr;
	_ =	strace $0xD0000000  }
0x3: {  	_ = 	snop  }
0x4: {  	_ = 	snop  }
0x5: {  	_ = 	snop  }
0x6: {  	_ = 	snop  }
0x7: {  	_ = 	snop  }
__scs_overlays_trampoline_lowered:
0x8: {  	[smem:$0x3FA5] =	sst s0  }
0x9: {  	[smem:$0x3FA6] =	sst s1  }
0xa: {  	[smem:$0x3FA7] =	sst s2  }
0xb: {  	[smem:$0x3FA8] =	sst s3  }
0xc: {  	[smem:$0x3FA9] =	sst s4  }
0xd: {  	[smem:$0x3FAA] =	sst s5  }
0xe: {  	[smem:$0x3FAB] =	sst s6  }
0xf: {  	[smem:$0x3FAC] =	sst s7  }
0x10: {  	[smem:$0x3FAD] =	sst s8  }
0x11: {  	[smem:$0x3FAE] =	sst s9;
	s0 =	simm.s32 @!p0 $0x0  }
0x12: {  	s1 =	sld [smem:$0x3F94];
	s0 =	simm.s32 @p0 $0x1  }
0x13: {  	[smem:$0x3FAF] =	sst s0;
	s0 =	simm.s32 @!p1 $0x0  }
0x14: {  	s2 =	sld [smem:$0x3F93];
	s0 =	simm.s32 @p1 $0x1  }
0x15: {  	[smem:$0x3FB0] =	sst s0;
	s0 =	simm.s32 @!p2 $0x0  }
0x16: {  	s3 =	sld [smem:$0x3FDB];
	s0 =	simm.s32 @p2 $0x1  }
0x17: {  	s4 =	simm.s32 $0x1BF5;
	[smem:$0x3FB2] =	sst s0  }
0x18: {  	s0 =	sld [smem:$0x3F95];
	_ =	swait.ge [sflag:s4], $0x0  }
0x19: {  	s7 =	sld [smem:$0x3F96]  }
0x1a: {  	s8 =	sadd.s32 $0xFFFFE003, lr  }
0x1b: {  	s9 =	sadd.s32 $0xFFFFFEF7, lr;
	s5 =	simm.s32 $0xFFFFFFFF;
	p2 =	slt.u32 s8, $0xFFFFF086  }
0x1c: {  	p1 =	slt.u32 s9, $0xF7A;
	s5 =	simm.s32 @!p2 $0x0  }
0x1d: {  	s5 =	simm.s32 @p1 $0x1;
	p0 =	seq.s32 s7, s2  }
0x1e: {  	s7 =	smul.u32 @!p0 $0xF7A, s2;
	p2 =	seq.s32 @!p0 s5, $0x0  }
0x1f: {  	s9 =	smul.u32 $0xF7A, s1;
	s8 =	simm.s32 @!p0 $0x1BF5;
	p2 =	por !p2, p0  }
0x20: {  	[sflag:s8] =	ssyncset.s32 @!p0 $0xFFFFF086;
	s6 =	sadd.s32 @!p0 s3, s7;
	s7 =	simm.s32 @!p0 $0x108  }
0x21: {  	s3 =	sadd.s32 s3, s9;
	s6 =	sadd.s32 @!p0 $0x88, s6;
	s7 =	simm.s32 @p2 $0x1082  }
0x22: {  	[simem:s7], [sflag:s8] =	dma.local @!p0 [hbm:s6], $0xF7A  }
0x23: {  	s9 =	sor.u32 $0xD0000000, s2;
	s6 =	simm.s32 $0x108;
	_ =	swait.ge @!p0 [sflag:s8], $0x0  }
0x24: {  	s3 =	sadd.s32 $0x88, s3;
	s6 =	simm.s32 @!p1 $0x1082;
	[sflag:s4] =	ssyncset.s32 $0xFFFFF086  }
0x25: {  	[simem:s6], [sflag:s4] =	dma.local [hbm:s3], $0xF7A  }
0x26: {  	[smem:$0x3F96] =	sst s1;
	(tag) =	ssettag s2;
	_ =	strace s9  }
0x27: {  	s1 =	sld [smem:$0x3FA6]  }
0x28: {  	s2 =	sld [smem:$0x3FA7]  }
0x29: {  	s4 =	sld [smem:$0x3FA9]  }
0x2a: {  	p0 =	seq.s32 s5, $0x0;
	s5 =	sld [smem:$0x3FAA]  }
0x2b: {  	s6 =	sld [smem:$0x3FAB]  }
0x2c: {  	s7 =	sld [smem:$0x3FAC]  }
0x2d: {  	s3 =	simm.s32 $0x108;
	s8 =	sld [smem:$0x3FAD]  }
0x2e: {  	s3 =	simm.s32 @!p0 $0x1082;
	s9 =	sld [smem:$0x3FAE]  }
0x2f: {  	lr =	sadd.s32 s0, s3;
	s0 =	sld [smem:$0x3FA5]  }
0x30: {  	s3 =	sld [smem:$0x3FA8]  }
0x31: {  	[smem:$0x3FB1] =	sst s10  }
0x32: {  	s10 =	sld [smem:$0x3FAF];
	_ =	sdelay $0x3  }
0x33: {  	p0 =	seq.s32 s10, $0x1;
	s10 =	sld [smem:$0x3FB1];
	_ =	sdelay $0x3  }
0x34: {  	[smem:$0x3FB1] =	sst s10  }
0x35: {  	s10 =	sld [smem:$0x3FB0];
	_ =	sdelay $0x3  }
0x36: {  	p1 =	seq.s32 s10, $0x1;
	s10 =	sld [smem:$0x3FB1];
	_ =	sdelay $0x3  }
0x37: {  	[smem:$0x3FB1] =	sst s10  }
0x38: {  	s10 =	sld [smem:$0x3FB2]  }
0x39: {  	_ = 	snop;
	(pc) =	sbr.ind lr, $3  }
0x3a: {  	_ = 	snop  }
0x3b: {  	_ = 	snop  }
0x3c: {  	p2 =	seq.s32 s10, $0x1;
	s10 =	sld [smem:$0x3FB1]  }
0x3d: {  	_ =	shalt  }
0x3e: {  	_ =	shalt  }
0x3f: {  	_ =	shalt  }
0x40: {  	_ =	shalt  }
0x41: {  	_ =	shalt  }
0x42: {  	_ =	shalt  }
0x43: {  	_ =	shalt  }
0x44: {  	_ =	shalt  }
0x45: {  	_ =	shalt  }
0x46: {  	_ =	shalt  }
0x47: {  	_ =	shalt  }
0x48: {  	_ =	shalt  }
0x49: {  	_ =	shalt  }
0x4a: {  	_ =	shalt  }
0x4b: {  	_ =	shalt  }
0x4c: {  	_ =	shalt  }
0x4d: {  	_ =	shalt  }
0x4e: {  	_ =	shalt  }
0x4f: {  	_ =	shalt  }
0x50: {  	_ =	shalt  }
0x51: {  	_ =	shalt  }
0x52: {  	_ =	shalt  }
0x53: {  	_ =	shalt  }
0x54: {  	_ =	shalt  }
0x55: {  	_ =	shalt  }
0x56: {  	_ =	shalt  }
0x57: {  	_ =	shalt  }
0x58: {  	_ =	shalt  }
0x59: {  	_ =	shalt  }
0x5a: {  	_ =	shalt  }
0x5b: {  	_ =	shalt  }
0x5c: {  	_ =	shalt  }
0x5d: {  	_ =	shalt  }
0x5e: {  	_ =	shalt  }
0x5f: {  	_ =	shalt  }
0x60: {  	_ =	shalt  }
0x61: {  	_ =	shalt  }
0x62: {  	_ =	shalt  }
0x63: {  	_ =	shalt  }
0x64: {  	_ =	shalt  }
0x65: {  	_ =	shalt  }
0x66: {  	_ =	shalt  }
0x67: {  	_ =	shalt  }
0x68: {  	_ =	shalt  }
0x69: {  	_ =	shalt  }
0x6a: {  	_ =	shalt  }
0x6b: {  	_ =	shalt  }
0x6c: {  	_ =	shalt  }
0x6d: {  	_ =	shalt  }
0x6e: {  	_ =	shalt  }
0x6f: {  	_ =	shalt  }
0x70: {  	_ =	shalt  }
0x71: {  	_ =	shalt  }
0x72: {  	_ =	shalt  }
0x73: {  	_ =	shalt  }
0x74: {  	_ =	shalt  }
0x75: {  	_ =	shalt  }
0x76: {  	_ =	shalt  }
0x77: {  	_ =	shalt  }
0x78: {  	_ =	shalt  }
0x79: {  	_ =	shalt  }
0x7a: {  	_ =	shalt  }
0x7b: {  	_ =	shalt  }
0x7c: {  	_ =	shalt  }
0x7d: {  	_ =	shalt  }
0x7e: {  	_ =	shalt  }
0x7f: {  	_ =	shalt  }
0x80: {  	_ =	shalt  }
0x81: {  	_ =	shalt  }
0x82: {  	_ =	shalt  }
0x83: {  	_ =	shalt  }
0x84: {  	_ =	shalt  }
0x85: {  	_ =	shalt  }
0x86: {  	_ =	shalt  }
0x87: {  	_ =	shalt  }
.Lfunc_end0:
.L_simem_size_0:
called_computation_lowered:
.L_overlay_start_0:
0x88: {  	s2 =	sld [smem:$0x3FD9]  }
0x89: {  	s3 =	sld [smem:$0x3FFE];
	_ =	sdelay $0x1  }
0x8a: {  	s1 =	srdreg.scid  }
0x8b: {  	s0 =	sand.u32 $0x1, s1  }
0x8c: {  	s17 =	sshll.u32 s0, $0xA;
	s2 =	sadd.s32 s3, s2  }
0x8d: {  	s2 =	sadd.s32 s2, s17  }
0x8e: {  	[smem:$0x3FBD] =	sst s2  }
0x8f: {  	_ = 	snop  }
0x90: {  	s2 =	sld [smem:$0x3FD0];
	(tm) =	ssettm $0x1  }
0x91: {  	s18 =	sld [smem:$0x3FFB];
	_ =	sdelay $0x3  }
0x92: {  	_ =	strace s18  }
0x93: {  	s3 =	sld [smem:$0x3FFC];
	_ =	sdelay $0x3  }
0x94: {  	_ =	strace s3  }
0x95: {  	s3 =	sld [smem:$0x3FFD];
	_ =	sdelay $0x3  }
0x96: {  	_ =	strace s3  }
0x97: {  	_ =	strace $0x8FFFFFFF  }
0x98: {  	s19 =	sld [smem:$0x3FDB];
	_ =	sdelay $0x1  }
0x99: {  	s4 =	simm.s32 $_scs_section_size  }
0x9a: {  	s5 =	simm.s32 $_size__tile_overlayer_lowered;
	s6 =	simm.s32 $_tile_overlayer_lowered  }
0x9b: {  	s22 =	simm.s32 $0x1BFF;
	s21 =	sshll.u32 s6, $0x1;
	s3 =	sadd.s32 s4, s19  }
0x9c: {  	s7 =	simm.s32 $0x0;
	s20 =	sshll.u32 s5, $0x1;
	s5 =	sadd.s32 s21, s3  }
0x9d: {  	[timem:s7], [sflag:s22] =	dma.local [hbm:s5], s20  }
0x9e: {  	_ =	swait.ge [sflag:s22], s20  }
0x9f: {  	s4 =	ssub.s32 $0x0, s20;
	[sflag:s22] =	ssyncset.done $0x0  }
0xa0: {  	[sflag:s22] =	ssyncadd.s32 s4;
	_ =	sdelay $0x1  }
0xa1: {  	s23 =	simm.s32 $0x1B8B  }
0xa2: {  	_ =	swait.ge [sflag:s23], $0x1  }
0xa3: {  	[sflag:s23] =	ssyncset.done $0x0  }
0xa4: {  	s25 =	simm.s32 $0x1B8E;
	s24 =	sld [smem:$0x3FFE];
	[sflag:s23] =	ssyncadd.s32 $0xFFFFFFFF  }
0xa5: {  	s26 =	simm.s32 $execute0_lowered;
	[smem:$0x3FD2] =	sst s25  }
0xa6: {  	s5 =	sshll.u32 s26, $0x1;
	_ =	strace $0x80000046;
	[dreg:$0x1] =	wrdreg $0xFFFFFFFF  }
0xa7: {  	s28 =	simm.s32 $_size_execute0_lowered;
	s3 =	sadd.s32 s3, s5;
	[dreg:$0x0] =	wrdreg $0x0  }
0xa8: {  	s5 =	sshll.u32 s28, $0x1;
	[dreg:$0x2] =	wrdreg s3  }
0xa9: {  	[dreg:$0x3] =	wrdreg s5  }
0xaa: {  	[dreg:$0x4] =	wrdreg $0xC0  }
0xab: {  	_ =	task [dreg:s7], $0x5FFFF  }
0xac: {  	[dreg:$0x1] =	wrdreg $0xFFFFFFFF  }
0xad: {  	[dreg:$0x0] =	wrdreg $0x60  }
0xae: {  	[dreg:$0x2] =	wrdreg s24  }
0xaf: {  	[dreg:$0x3] =	wrdreg s2  }
0xb0: {  	[dreg:$0x4] =	wrdreg $0x46500  }
0xb1: {  	[dreg:$0x5] =	wrdreg $0x5A100  }
0xb2: {  	[dreg:$0x6] =	wrdreg $0x9  }
0xb3: {  	_ =	task.clear_ibuf [dreg:s7], $0x7FFFF;
	_ =	strace $0x90000046  }
0xb4: {  	s29 =	simm.s32 $0x9;
	_ =	strace $0x80000048  }
0xb5: {  	_ =	swait.ge [sflag:s29], $0x1  }
0xb6: {  	[sflag:s29] =	ssyncadd.s32 $0xFFFFFFFF  }
0xb7: {  	_ =	strace $0x90000048  }
0xb8: {  	_ =	sfence  }
0xb9: {  	s30 =	sld [smem:$0x0];
	_ =	sdelay $0x2  }
0xba: {  	s31 =	sshll.u32 s1, $0xD;
	s1 =	sshrl.u32 s1, $0x2  }
0xbb: {  	s3 =	sand.u32 $0x4000, s31;
	s1 =	sadd.s32 s1, s30  }
0xbc: {  	s0 =	sor.u32 s3, s0;
	s1 =	sshll.u32 s1, $0x11  }
0xbd: {  	s0 =	sor.u32 s1, s0  }
0xbe: {  	s0 =	sadd.s32 $0x8F2B, s0  }
0xbf: {  	[sflag:s0] =	ssyncadd.remote.s32 $0x1  }
0xc0: {  	_ =	sfence.sel $0xFFFF  }
0xc1: {  	[dreg:$0x0] =	wrdreg $0xFFFFFFFF;
	(pc) =	sbr.abs _section_cstart, $3  }
0xc2: {  	[dreg:$0x1] =	wrdreg $0xFFFFFFFF  }
0xc3: {  	_ =	task.clear_ibuf [dreg:s7], $0x2FFFF;
	_ =	strace $0x9FFFFFFF  }
0xc4: {  	(tm) =	ssettm $0x7FFFFFFF  }
0xc5: {  	_ =	shalt  }
tec
execute0_lowered:
.L_overlay_start_1:
0x0: {  	(tag) =	ssettag $0x1  }
0x1: {  	s12 =	rddreg [dreg:$0x0]  }
0x2: {  	s23 =	rddreg [dreg:$0x1]  }
0x3: {  	s2 =	rddreg [dreg:$0x2]  }
0x4: {  	s3 =	rddreg [dreg:$0x3];
	s1 =	stileid.u32  }
0x5: {  	s0 =	rddreg [dreg:$0x4];
	s4 =	simm.s32 $0x0;
	s24 =	smul.u32 $0x13C0, s1  }
0x6: {  	[smem:$0x7FF] =	sst s4;
	s5 =	sadd.s32 $0x2B000, s12  }
0x7: {  	s6 =	sshll.u32 s1, $0x6;
	_ =	strace $0x80000047;
	s7 =	sadd.s32 s24, s2  }
0x8: {  	s6 =	sor.u32 $0x1C01, s6;
	s8 =	sshrl.u32 s7, $0x3;
	s7 =	simm.s32 $0x1  }
0x9: {  	[spmem:s8], [sflag:s6] =	dma.local [hbm:s5], $0x278  }
0xa: {  	_ =	swait.ge [sflag:s7], $0x278  }
0xb: {  	s9 =	srdreg.scid;
	s10 =	sadd.s32 s24, s3;
	[sflag:s7] =	ssyncset.done $0x0  }
0xc: {  	s25 =	sand.u32 $0x1, s9;
	s9 =	sshrl.u32 s10, $0x3;
	[sflag:s7] =	ssyncadd.s32 $0xFFFFFD88  }
0xd: {  	[spmem:s9], [sflag:s6] =	dma.local [hbm:s5], $0x278  }
0xe: {  	_ =	swait.ge [sflag:s7], $0x278  }
0xf: {  	s11 =	simm.s32 $0x2710;
	s30 =	sshll.u32 s25, $0x4;
	[sflag:s7] =	ssyncset.done $0x0  }
0x10: {  	s13 =	sor.u32 s1, s30;
	s10 =	sadd.s32 $0x2B400, s12;
	[sflag:s7] =	ssyncadd.s32 $0xFFFFFD88  }
0x11: {  	[tilespmem:s11], [sflag:$0x1] =	stream.linear.gather [hbm4b:s10+s4], $0x1F40, $0x38;
	[tilespmem:$0x6DD0] =	vst v63  }
0x12: {  	s13 =	smul.u32 $0x4E2, s13;
	_ =	swait.ge [sflag:s7], $0x1F40  }
0x13: {  	[sflag:s7] =	ssyncset.done $0x0  }
0x14: {  	s22 =	sadd.s32 s13, s12;
	[sflag:s7] =	ssyncadd.s32 $0xFFFFE0C0  }
0x15: {  	s12 =	sadd.s32 $0xD600, s22;
	[bflag:$0x0] =	sbarrier.arrive $0xFFFF  }
0x16: {  	[tilespmem:s4], [sflag:$0x1] =	stream.linear.gather [hbm4b:s12+s4], $0x2710, $0x38;
	[tilespmem:$0x6DD0] =	vst v63  }
0x17: {  	_ =	swait.ge [sflag:s7], $0x2710  }
0x18: {  	[sflag:s7] =	ssyncset.done $0x0  }
0x19: {  	s13 =	simm.s32 $0x3E8;
	[sflag:s7] =	ssyncadd.s32 $0xFFFFD8F0  }
0x1a: {  	[spmem:s2] =	stream.indirect.scatter.add.f32 [tilespmem:s11], [sflag:$0x1], $0x8, s4, s13, $0xb8;
	[tilespmem:$0x6DD0] =	vst v63  }
0x1b: {  	_ =	swait.ge [sflag:s7], $0x1F40  }
0x1c: {  	[sflag:s7] =	ssyncset.done $0x0  }
0x1d: {  	[sflag:s7] =	ssyncadd.s32 $0xFFFFE0C0  }
0x1e: {  	[spmem:s2] =	stream.indirect.scatter.add.f32 [tilespmem:s11], [sflag:$0x1], $0x8, s13, s13, $0xb8;
	[tilespmem:$0x6DD0] =	vst v63  }
0x1f: {  	_ =	swait.ge [sflag:s7], $0x1F40  }
0x20: {  	[sflag:s7] =	ssyncset.done $0x0  }
0x21: {  	s14 =	simm.s32 $0x7D0;
	[sflag:s7] =	ssyncadd.s32 $0xFFFFE0C0  }
0x22: {  	[spmem:s2] =	stream.indirect.scatter.add.f32 [tilespmem:s11], [sflag:$0x1], $0x8, s14, s13, $0xb8;
	[tilespmem:$0x6DD0] =	vst v63  }
0x23: {  	_ =	swait.ge [sflag:s7], $0x1F40  }
0x24: {  	[sflag:s7] =	ssyncset.done $0x0  }
0x25: {  	s15 =	simm.s32 $0xBB8;
	[sflag:s7] =	ssyncadd.s32 $0xFFFFE0C0  }
0x26: {  	[spmem:s2] =	stream.indirect.scatter.add.f32 [tilespmem:s11], [sflag:$0x1], $0x8, s15, s13, $0xb8;
	[tilespmem:$0x6DD0] =	vst v63  }
0x27: {  	_ =	swait.ge [sflag:s7], $0x1F40  }
0x28: {  	[sflag:s7] =	ssyncset.done $0x0  }
0x29: {  	s16 =	simm.s32 $0xFA0;
	[sflag:s7] =	ssyncadd.s32 $0xFFFFE0C0  }
0x2a: {  	[spmem:s2] =	stream.indirect.scatter.add.f32 [tilespmem:s11], [sflag:$0x1], $0x8, s16, s13, $0xb8;
	[tilespmem:$0x6DD0] =	vst v63  }
0x2b: {  	_ =	swait.ge [sflag:s7], $0x1F40  }
0x2c: {  	[sflag:s7] =	ssyncset.done $0x0  }
0x2d: {  	s17 =	simm.s32 $0x1388;
	[sflag:s7] =	ssyncadd.s32 $0xFFFFE0C0  }
0x2e: {  	[spmem:s2] =	stream.indirect.scatter.add.f32 [tilespmem:s11], [sflag:$0x1], $0x8, s17, s13, $0xb8;
	[tilespmem:$0x6DD0] =	vst v63  }
0x2f: {  	_ =	swait.ge [sflag:s7], $0x1F40  }
0x30: {  	[sflag:s7] =	ssyncset.done $0x0  }
0x31: {  	s18 =	simm.s32 $0x1770;
	[sflag:s7] =	ssyncadd.s32 $0xFFFFE0C0  }
0x32: {  	[spmem:s2] =	stream.indirect.scatter.add.f32 [tilespmem:s11], [sflag:$0x1], $0x8, s18, s13, $0xb8;
	[tilespmem:$0x6DD0] =	vst v63  }
0x33: {  	_ =	swait.ge [sflag:s7], $0x1F40  }
0x34: {  	[sflag:s7] =	ssyncset.done $0x0  }
0x35: {  	s19 =	simm.s32 $0x1B58;
	[sflag:s7] =	ssyncadd.s32 $0xFFFFE0C0  }
0x36: {  	[spmem:s2] =	stream.indirect.scatter.add.f32 [tilespmem:s11], [sflag:$0x1], $0x8, s19, s13, $0xb8;
	[tilespmem:$0x6DD0] =	vst v63  }
0x37: {  	_ =	swait.ge [sflag:s7], $0x1F40  }
0x38: {  	[sflag:s7] =	ssyncset.done $0x0  }
0x39: {  	s20 =	simm.s32 $0x1F40;
	[sflag:s7] =	ssyncadd.s32 $0xFFFFE0C0  }
0x3a: {  	[spmem:s2] =	stream.indirect.scatter.add.f32 [tilespmem:s11], [sflag:$0x1], $0x8, s20, s13, $0xb8;
	[tilespmem:$0x6DD0] =	vst v63  }
0x3b: {  	_ =	swait.ge [sflag:s7], $0x1F40  }
0x3c: {  	[sflag:s7] =	ssyncset.done $0x0  }
0x3d: {  	s21 =	simm.s32 $0x2328;
	[sflag:s7] =	ssyncadd.s32 $0xFFFFE0C0  }
0x3e: {  	[spmem:s2] =	stream.indirect.scatter.add.f32 [tilespmem:s11], [sflag:$0x1], $0x8, s21, s13, $0xb8;
	[tilespmem:$0x6DD0] =	vst v63  }
0x3f: {  	_ =	swait.ge [sflag:s7], $0x1F40  }
0x40: {  	[sflag:s7] =	ssyncset.done $0x0  }
0x41: {  	s22 =	sadd.s32 $0x21200, s22;
	[sflag:s7] =	ssyncadd.s32 $0xFFFFE0C0  }
0x42: {  	[tilespmem:s4], [sflag:$0x1] =	stream.linear.gather [hbm4b:s22+s4], $0x2710, $0x38;
	[tilespmem:$0x6DD0] =	vst v63  }
0x43: {  	_ =	swait.ge [sflag:s7], $0x2710  }
0x44: {  	[sflag:s7] =	ssyncset.done $0x0  }
0x45: {  	[sflag:s7] =	ssyncadd.s32 $0xFFFFD8F0  }
0x46: {  	[spmem:s3] =	stream.indirect.scatter.add.f32 [tilespmem:s11], [sflag:$0x1], $0x8, s4, s13, $0xb8;
	[tilespmem:$0x6DD0] =	vst v63  }
0x47: {  	_ =	swait.ge [sflag:s7], $0x1F40  }
0x48: {  	[sflag:s7] =	ssyncset.done $0x0  }
0x49: {  	[sflag:s7] =	ssyncadd.s32 $0xFFFFE0C0  }
0x4a: {  	[spmem:s3] =	stream.indirect.scatter.add.f32 [tilespmem:s11], [sflag:$0x1], $0x8, s13, s13, $0xb8;
	[tilespmem:$0x6DD0] =	vst v63  }
0x4b: {  	_ =	swait.ge [sflag:s7], $0x1F40  }
0x4c: {  	[sflag:s7] =	ssyncset.done $0x0  }
0x4d: {  	[sflag:s7] =	ssyncadd.s32 $0xFFFFE0C0  }
0x4e: {  	[spmem:s3] =	stream.indirect.scatter.add.f32 [tilespmem:s11], [sflag:$0x1], $0x8, s14, s13, $0xb8;
	[tilespmem:$0x6DD0] =	vst v63  }
0x4f: {  	_ =	swait.ge [sflag:s7], $0x1F40  }
0x50: {  	[sflag:s7] =	ssyncset.done $0x0  }
0x51: {  	[sflag:s7] =	ssyncadd.s32 $0xFFFFE0C0  }
0x52: {  	[spmem:s3] =	stream.indirect.scatter.add.f32 [tilespmem:s11], [sflag:$0x1], $0x8, s15, s13, $0xb8;
	[tilespmem:$0x6DD0] =	vst v63  }
0x53: {  	_ =	swait.ge [sflag:s7], $0x1F40  }
0x54: {  	[sflag:s7] =	ssyncset.done $0x0  }
0x55: {  	[sflag:s7] =	ssyncadd.s32 $0xFFFFE0C0  }
0x56: {  	[spmem:s3] =	stream.indirect.scatter.add.f32 [tilespmem:s11], [sflag:$0x1], $0x8, s16, s13, $0xb8;
	[tilespmem:$0x6DD0] =	vst v63  }
0x57: {  	_ =	swait.ge [sflag:s7], $0x1F40  }
0x58: {  	[sflag:s7] =	ssyncset.done $0x0  }
0x59: {  	[sflag:s7] =	ssyncadd.s32 $0xFFFFE0C0  }
0x5a: {  	[spmem:s3] =	stream.indirect.scatter.add.f32 [tilespmem:s11], [sflag:$0x1], $0x8, s17, s13, $0xb8;
	[tilespmem:$0x6DD0] =	vst v63  }
0x5b: {  	_ =	swait.ge [sflag:s7], $0x1F40  }
0x5c: {  	[sflag:s7] =	ssyncset.done $0x0  }
0x5d: {  	[sflag:s7] =	ssyncadd.s32 $0xFFFFE0C0  }
0x5e: {  	[spmem:s3] =	stream.indirect.scatter.add.f32 [tilespmem:s11], [sflag:$0x1], $0x8, s18, s13, $0xb8;
	[tilespmem:$0x6DD0] =	vst v63  }
0x5f: {  	_ =	swait.ge [sflag:s7], $0x1F40  }
0x60: {  	[sflag:s7] =	ssyncset.done $0x0  }
0x61: {  	[sflag:s7] =	ssyncadd.s32 $0xFFFFE0C0  }
0x62: {  	[spmem:s3] =	stream.indirect.scatter.add.f32 [tilespmem:s11], [sflag:$0x1], $0x8, s19, s13, $0xb8;
	[tilespmem:$0x6DD0] =	vst v63  }
0x63: {  	_ =	swait.ge [sflag:s7], $0x1F40  }
0x64: {  	[sflag:s7] =	ssyncset.done $0x0  }
0x65: {  	[sflag:s7] =	ssyncadd.s32 $0xFFFFE0C0  }
0x66: {  	[spmem:s3] =	stream.indirect.scatter.add.f32 [tilespmem:s11], [sflag:$0x1], $0x8, s20, s13, $0xb8;
	[tilespmem:$0x6DD0] =	vst v63  }
0x67: {  	_ =	swait.ge [sflag:s7], $0x1F40  }
0x68: {  	[sflag:s7] =	ssyncset.done $0x0  }
0x69: {  	s26 =	smul.u32 $0x27800, s25;
	[sflag:s7] =	ssyncadd.s32 $0xFFFFE0C0  }
0x6a: {  	[spmem:s3] =	stream.indirect.scatter.add.f32 [tilespmem:s11], [sflag:$0x1], $0x8, s21, s13, $0xb8;
	[tilespmem:$0x6DD0] =	vst v63  }
0x6b: {  	s25 =	ssub.s32 $0x2, s25;
	_ =	swait.ge [sflag:s7], $0x1F40  }
0x6c: {  	s31 =	sshrl.u32 s25, $0x1;
	s24 =	sadd.s32 s24, s26;
	[sflag:s7] =	ssyncset.done $0x0  }
0x6d: {  	s25 =	ssub.s32 s25, s31;
	s24 =	sshrl.u32 s24, $0x3;
	[sflag:s7] =	ssyncadd.s32 $0xFFFFE0C0  }
0x6e: {  	s25 =	smax.u32 s25, $0x1;
	s23 =	sadd.s32 s23, s24;
	[bflag:$0x0] =	sbarrier.arrive $0xFFFF  }
0x6f: {  	[hbm:s23], [sflag:s6] =	dma.local [spmem:s8], $0x278  }
0x70: {  	p0 =	sne.s32 s25, $0x1;
	_ =	swait.ge [sflag:s7], $0x278  }
.Ltmp0:
0x71: {  	[sflag:s7] =	ssyncset.done $0x0;
	(pc) =	sbr.rel @!p0 .LBB2_2-.Ltmp0, $4  }
0x72: {  	s24 =	sadd.s32 $0x2780, s23;
	[sflag:s7] =	ssyncadd.s32 $0xFFFFFD88  }
0x73: {  	[hbm:s24], [sflag:s6] =	dma.local [spmem:s9], $0x278  }
0x74: {  	_ =	swait.ge [sflag:s7], $0x278  }
0x75: {  	s25 =	sadd.s32 $0xFFFFFFFF, s25;
	[sflag:s7] =	ssyncset.done $0x0  }
.LBB2_1:
0x76: {  	p0 =	sne.s32 s25, $0x1;
	s25 =	sadd.s32 $0xFFFFFFFF, s25;
	[sflag:s7] =	ssyncadd.s32 $0xFFFFFD88  }
0x77: {  	[spmem:s8], [sflag:s6] =	dma.local [hbm:s5], $0x278  }
0x78: {  	_ =	swait.ge [sflag:s7], $0x278  }
0x79: {  	[sflag:s7] =	ssyncset.done $0x0  }
0x7a: {  	[sflag:s7] =	ssyncadd.s32 $0xFFFFFD88  }
0x7b: {  	[spmem:s9], [sflag:s6] =	dma.local [hbm:s5], $0x278  }
0x7c: {  	_ =	swait.ge [sflag:s7], $0x278  }
0x7d: {  	[sflag:s7] =	ssyncset.done $0x0  }
0x7e: {  	[sflag:s7] =	ssyncadd.s32 $0xFFFFFD88  }
0x7f: {  	[tilespmem:s11], [sflag:$0x1] =	stream.linear.gather [hbm4b:s10+s4], $0x1F40, $0x38;
	[tilespmem:$0x6DD0] =	vst v63  }
0x80: {  	_ =	swait.ge [sflag:s7], $0x1F40  }
0x81: {  	[sflag:s7] =	ssyncset.done $0x0  }
0x82: {  	[sflag:s7] =	ssyncadd.s32 $0xFFFFE0C0  }
0x83: {  	[bflag:$0x0] =	sbarrier.arrive $0xFFFF  }
0x84: {  	[tilespmem:s4], [sflag:$0x1] =	stream.linear.gather [hbm4b:s12+s4], $0x2710, $0x38;
	[tilespmem:$0x6DD0] =	vst v63  }
0x85: {  	_ =	swait.ge [sflag:s7], $0x2710  }
0x86: {  	[sflag:s7] =	ssyncset.done $0x0  }
0x87: {  	[sflag:s7] =	ssyncadd.s32 $0xFFFFD8F0  }
0x88: {  	[spmem:s2] =	stream.indirect.scatter.add.f32 [tilespmem:s11], [sflag:$0x1], $0x8, s4, s13, $0xb8;
	[tilespmem:$0x6DD0] =	vst v63  }
0x89: {  	_ =	swait.ge [sflag:s7], $0x1F40  }
0x8a: {  	[sflag:s7] =	ssyncset.done $0x0  }
0x8b: {  	[sflag:s7] =	ssyncadd.s32 $0xFFFFE0C0  }
0x8c: {  	[spmem:s2] =	stream.indirect.scatter.add.f32 [tilespmem:s11], [sflag:$0x1], $0x8, s13, s13, $0xb8;
	[tilespmem:$0x6DD0] =	vst v63  }
0x8d: {  	_ =	swait.ge [sflag:s7], $0x1F40  }
0x8e: {  	[sflag:s7] =	ssyncset.done $0x0  }
0x8f: {  	[sflag:s7] =	ssyncadd.s32 $0xFFFFE0C0  }
0x90: {  	[spmem:s2] =	stream.indirect.scatter.add.f32 [tilespmem:s11], [sflag:$0x1], $0x8, s14, s13, $0xb8;
	[tilespmem:$0x6DD0] =	vst v63  }
0x91: {  	_ =	swait.ge [sflag:s7], $0x1F40  }
0x92: {  	[sflag:s7] =	ssyncset.done $0x0  }
0x93: {  	[sflag:s7] =	ssyncadd.s32 $0xFFFFE0C0  }
0x94: {  	[spmem:s2] =	stream.indirect.scatter.add.f32 [tilespmem:s11], [sflag:$0x1], $0x8, s15, s13, $0xb8;
	[tilespmem:$0x6DD0] =	vst v63  }
0x95: {  	_ =	swait.ge [sflag:s7], $0x1F40  }
0x96: {  	[sflag:s7] =	ssyncset.done $0x0  }
0x97: {  	[sflag:s7] =	ssyncadd.s32 $0xFFFFE0C0  }
0x98: {  	[spmem:s2] =	stream.indirect.scatter.add.f32 [tilespmem:s11], [sflag:$0x1], $0x8, s16, s13, $0xb8;
	[tilespmem:$0x6DD0] =	vst v63  }
0x99: {  	_ =	swait.ge [sflag:s7], $0x1F40  }
0x9a: {  	[sflag:s7] =	ssyncset.done $0x0  }
0x9b: {  	[sflag:s7] =	ssyncadd.s32 $0xFFFFE0C0  }
0x9c: {  	[spmem:s2] =	stream.indirect.scatter.add.f32 [tilespmem:s11], [sflag:$0x1], $0x8, s17, s13, $0xb8;
	[tilespmem:$0x6DD0] =	vst v63  }
0x9d: {  	_ =	swait.ge [sflag:s7], $0x1F40  }
0x9e: {  	[sflag:s7] =	ssyncset.done $0x0  }
0x9f: {  	[sflag:s7] =	ssyncadd.s32 $0xFFFFE0C0  }
0xa0: {  	[spmem:s2] =	stream.indirect.scatter.add.f32 [tilespmem:s11], [sflag:$0x1], $0x8, s18, s13, $0xb8;
	[tilespmem:$0x6DD0] =	vst v63  }
0xa1: {  	_ =	swait.ge [sflag:s7], $0x1F40  }
0xa2: {  	[sflag:s7] =	ssyncset.done $0x0  }
0xa3: {  	[sflag:s7] =	ssyncadd.s32 $0xFFFFE0C0  }
0xa4: {  	[spmem:s2] =	stream.indirect.scatter.add.f32 [tilespmem:s11], [sflag:$0x1], $0x8, s19, s13, $0xb8;
	[tilespmem:$0x6DD0] =	vst v63  }
0xa5: {  	_ =	swait.ge [sflag:s7], $0x1F40  }
0xa6: {  	[sflag:s7] =	ssyncset.done $0x0  }
0xa7: {  	[sflag:s7] =	ssyncadd.s32 $0xFFFFE0C0  }
0xa8: {  	[spmem:s2] =	stream.indirect.scatter.add.f32 [tilespmem:s11], [sflag:$0x1], $0x8, s20, s13, $0xb8;
	[tilespmem:$0x6DD0] =	vst v63  }
0xa9: {  	_ =	swait.ge [sflag:s7], $0x1F40  }
0xaa: {  	[sflag:s7] =	ssyncset.done $0x0  }
0xab: {  	[sflag:s7] =	ssyncadd.s32 $0xFFFFE0C0  }
0xac: {  	[spmem:s2] =	stream.indirect.scatter.add.f32 [tilespmem:s11], [sflag:$0x1], $0x8, s21, s13, $0xb8;
	[tilespmem:$0x6DD0] =	vst v63  }
0xad: {  	_ =	swait.ge [sflag:s7], $0x1F40  }
0xae: {  	[sflag:s7] =	ssyncset.done $0x0  }
0xaf: {  	[sflag:s7] =	ssyncadd.s32 $0xFFFFE0C0  }
0xb0: {  	[tilespmem:s4], [sflag:$0x1] =	stream.linear.gather [hbm4b:s22+s4], $0x2710, $0x38;
	[tilespmem:$0x6DD0] =	vst v63  }
0xb1: {  	_ =	swait.ge [sflag:s7], $0x2710  }
0xb2: {  	[sflag:s7] =	ssyncset.done $0x0  }
0xb3: {  	[sflag:s7] =	ssyncadd.s32 $0xFFFFD8F0  }
0xb4: {  	[spmem:s3] =	stream.indirect.scatter.add.f32 [tilespmem:s11], [sflag:$0x1], $0x8, s4, s13, $0xb8;
	[tilespmem:$0x6DD0] =	vst v63  }
0xb5: {  	_ =	swait.ge [sflag:s7], $0x1F40  }
0xb6: {  	[sflag:s7] =	ssyncset.done $0x0  }
0xb7: {  	[sflag:s7] =	ssyncadd.s32 $0xFFFFE0C0  }
0xb8: {  	[spmem:s3] =	stream.indirect.scatter.add.f32 [tilespmem:s11], [sflag:$0x1], $0x8, s13, s13, $0xb8;
	[tilespmem:$0x6DD0] =	vst v63  }
0xb9: {  	_ =	swait.ge [sflag:s7], $0x1F40  }
0xba: {  	[sflag:s7] =	ssyncset.done $0x0  }
0xbb: {  	[sflag:s7] =	ssyncadd.s32 $0xFFFFE0C0  }
0xbc: {  	[spmem:s3] =	stream.indirect.scatter.add.f32 [tilespmem:s11], [sflag:$0x1], $0x8, s14, s13, $0xb8;
	[tilespmem:$0x6DD0] =	vst v63  }
0xbd: {  	_ =	swait.ge [sflag:s7], $0x1F40  }
0xbe: {  	[sflag:s7] =	ssyncset.done $0x0  }
0xbf: {  	[sflag:s7] =	ssyncadd.s32 $0xFFFFE0C0  }
0xc0: {  	[spmem:s3] =	stream.indirect.scatter.add.f32 [tilespmem:s11], [sflag:$0x1], $0x8, s15, s13, $0xb8;
	[tilespmem:$0x6DD0] =	vst v63  }
0xc1: {  	_ =	swait.ge [sflag:s7], $0x1F40  }
0xc2: {  	[sflag:s7] =	ssyncset.done $0x0  }
0xc3: {  	[sflag:s7] =	ssyncadd.s32 $0xFFFFE0C0  }
0xc4: {  	[spmem:s3] =	stream.indirect.scatter.add.f32 [tilespmem:s11], [sflag:$0x1], $0x8, s16, s13, $0xb8;
	[tilespmem:$0x6DD0] =	vst v63  }
0xc5: {  	_ =	swait.ge [sflag:s7], $0x1F40  }
0xc6: {  	[sflag:s7] =	ssyncset.done $0x0  }
0xc7: {  	[sflag:s7] =	ssyncadd.s32 $0xFFFFE0C0  }
0xc8: {  	[spmem:s3] =	stream.indirect.scatter.add.f32 [tilespmem:s11], [sflag:$0x1], $0x8, s17, s13, $0xb8;
	[tilespmem:$0x6DD0] =	vst v63  }
0xc9: {  	_ =	swait.ge [sflag:s7], $0x1F40  }
0xca: {  	[sflag:s7] =	ssyncset.done $0x0  }
0xcb: {  	[sflag:s7] =	ssyncadd.s32 $0xFFFFE0C0  }
0xcc: {  	[spmem:s3] =	stream.indirect.scatter.add.f32 [tilespmem:s11], [sflag:$0x1], $0x8, s18, s13, $0xb8;
	[tilespmem:$0x6DD0] =	vst v63  }
0xcd: {  	_ =	swait.ge [sflag:s7], $0x1F40  }
0xce: {  	[sflag:s7] =	ssyncset.done $0x0  }
0xcf: {  	[sflag:s7] =	ssyncadd.s32 $0xFFFFE0C0  }
0xd0: {  	[spmem:s3] =	stream.indirect.scatter.add.f32 [tilespmem:s11], [sflag:$0x1], $0x8, s19, s13, $0xb8;
	[tilespmem:$0x6DD0] =	vst v63  }
0xd1: {  	_ =	swait.ge [sflag:s7], $0x1F40  }
0xd2: {  	[sflag:s7] =	ssyncset.done $0x0  }
0xd3: {  	[sflag:s7] =	ssyncadd.s32 $0xFFFFE0C0  }
0xd4: {  	[spmem:s3] =	stream.indirect.scatter.add.f32 [tilespmem:s11], [sflag:$0x1], $0x8, s20, s13, $0xb8;
	[tilespmem:$0x6DD0] =	vst v63  }
0xd5: {  	_ =	swait.ge [sflag:s7], $0x1F40  }
0xd6: {  	[sflag:s7] =	ssyncset.done $0x0  }
0xd7: {  	[sflag:s7] =	ssyncadd.s32 $0xFFFFE0C0  }
0xd8: {  	[spmem:s3] =	stream.indirect.scatter.add.f32 [tilespmem:s11], [sflag:$0x1], $0x8, s21, s13, $0xb8;
	[tilespmem:$0x6DD0] =	vst v63  }
0xd9: {  	_ =	swait.ge [sflag:s7], $0x1F40  }
0xda: {  	[sflag:s7] =	ssyncset.done $0x0  }
0xdb: {  	[sflag:s7] =	ssyncadd.s32 $0xFFFFE0C0  }
0xdc: {  	[bflag:$0x0] =	sbarrier.arrive $0xFFFF  }
0xdd: {  	[hbm:s23], [sflag:s6] =	dma.local [spmem:s8], $0x278  }
0xde: {  	_ =	swait.ge [sflag:s7], $0x278  }
.Ltmp1:
0xdf: {  	[sflag:s7] =	ssyncset.done $0x0;
	(pc) =	sbr.rel @p0 .LBB2_1-.Ltmp1, $4  }
0xe0: {  	[sflag:s7] =	ssyncadd.s32 $0xFFFFFD88  }
0xe1: {  	[hbm:s24], [sflag:s6] =	dma.local [spmem:s9], $0x278  }
0xe2: {  	_ =	swait.ge [sflag:s7], $0x278  }
0xe3: {  	[sflag:s7] =	ssyncset.done $0x0  }
.LBB2_2:
0xe4: {  	[sflag:s7] =	ssyncadd.s32 $0xFFFFFD88  }
0xe5: {  	_ =	sfence.sel $0x180000  }
0xe6: {  	[bflag:$0x0] =	sbarrier.arrive $0xFFFF  }
0xe7: {  	p0 =	sne.s32 s1, $0x0;
	_ =	strace $0x90000047  }
0xe8: {  	s0 =	sadd.s32 @!p0 $0x100000, s0;
	[bflag:$0x2] =	sbarrier.arrive $0xFFFF  }
0xe9: {  	[sflag:s0] =	ssyncadd.tile.s32 @!p0 $0x1;
	_ =	shalt  }
.Lfunc_end2:
_tile_overlayer_lowered:
.L_overlay_start_2:
0xea: {  	(tag) =	ssettag $0x2  }
0xeb: {  	s0 =	rddreg [dreg:$0x0];
	s2 =	stileid.u32  }
0xec: {  	s1 =	rddreg [dreg:$0x1];
	p0 =	sne.s32 s2, $0x0  }
0xed: {  	s3 =	rddreg [dreg:$0x2];
	[bflag:$0x3] =	sbarrier.arrive $0xFFFF;
	s2 =	simm.s32 @!p0 $0x1C01  }
0xee: {  	[timem:s3], [sflag:s2] =	dma.local @!p0 [hbm:s0], s1  }
0xef: {  	s0 =	simm.s32 @!p0 $0x1  }
0xf0: {  	_ =	swait.ge @!p0 [sflag:s0], s1  }
0xf1: {  	s1 =	ssub.s32 @!p0 $0x0, s1;
	[sflag:s0] =	ssyncset.done @!p0 $0x0  }
0xf2: {  	[sflag:s0] =	ssyncadd.s32 @!p0 s1  }
0xf3: {  	[bflag:$0x3] =	sbarrier.arrive $0xFFFF  }
0xf4: {  	_ =	shalt  }

// kernel: kernel.13.cloned.1.call-start
scs
__scs_entry_jumppad:
0x0: {  	(pc) =	sbr.rel $0x88, $3  }
0x1: {  	(tag) =	ssettag $0x0;
	lr =	simm.s32 $0x1  }
0x2: {  	[smem:$0x3F96] =	sst lr;
	_ =	strace $0xD0000000  }
0x3: {  	_ = 	snop  }
0x4: {  	_ = 	snop  }
0x5: {  	_ = 	snop  }
0x6: {  	_ = 	snop  }
0x7: {  	_ = 	snop  }
__scs_overlays_trampoline_lowered:
0x8: {  	[smem:$0x3FA5] =	sst s0  }
0x9: {  	[smem:$0x3FA6] =	sst s1  }
0xa: {  	[smem:$0x3FA7] =	sst s2  }
0xb: {  	[smem:$0x3FA8] =	sst s3  }
0xc: {  	[smem:$0x3FA9] =	sst s4  }
0xd: {  	[smem:$0x3FAA] =	sst s5  }
0xe: {  	[smem:$0x3FAB] =	sst s6  }
0xf: {  	[smem:$0x3FAC] =	sst s7  }
0x10: {  	[smem:$0x3FAD] =	sst s8  }
0x11: {  	[smem:$0x3FAE] =	sst s9;
	s0 =	simm.s32 @!p0 $0x0  }
0x12: {  	s1 =	sld [smem:$0x3F94];
	s0 =	simm.s32 @p0 $0x1  }
0x13: {  	[smem:$0x3FAF] =	sst s0;
	s0 =	simm.s32 @!p1 $0x0  }
0x14: {  	s2 =	sld [smem:$0x3F93];
	s0 =	simm.s32 @p1 $0x1  }
0x15: {  	[smem:$0x3FB0] =	sst s0;
	s0 =	simm.s32 @!p2 $0x0  }
0x16: {  	s3 =	sld [smem:$0x3FDB];
	s0 =	simm.s32 @p2 $0x1  }
0x17: {  	s4 =	simm.s32 $0x1BF5;
	[smem:$0x3FB2] =	sst s0  }
0x18: {  	s0 =	sld [smem:$0x3F95];
	_ =	swait.ge [sflag:s4], $0x0  }
0x19: {  	s7 =	sld [smem:$0x3F96]  }
0x1a: {  	s8 =	sadd.s32 $0xFFFFE003, lr  }
0x1b: {  	s9 =	sadd.s32 $0xFFFFFEF7, lr;
	s5 =	simm.s32 $0xFFFFFFFF;
	p2 =	slt.u32 s8, $0xFFFFF086  }
0x1c: {  	p1 =	slt.u32 s9, $0xF7A;
	s5 =	simm.s32 @!p2 $0x0  }
0x1d: {  	s5 =	simm.s32 @p1 $0x1;
	p0 =	seq.s32 s7, s2  }
0x1e: {  	s7 =	smul.u32 @!p0 $0xF7A, s2;
	p2 =	seq.s32 @!p0 s5, $0x0  }
0x1f: {  	s9 =	smul.u32 $0xF7A, s1;
	s8 =	simm.s32 @!p0 $0x1BF5;
	p2 =	por !p2, p0  }
0x20: {  	[sflag:s8] =	ssyncset.s32 @!p0 $0xFFFFF086;
	s6 =	sadd.s32 @!p0 s3, s7;
	s7 =	simm.s32 @!p0 $0x108  }
0x21: {  	s3 =	sadd.s32 s3, s9;
	s6 =	sadd.s32 @!p0 $0x88, s6;
	s7 =	simm.s32 @p2 $0x1082  }
0x22: {  	[simem:s7], [sflag:s8] =	dma.local @!p0 [hbm:s6], $0xF7A  }
0x23: {  	s9 =	sor.u32 $0xD0000000, s2;
	s6 =	simm.s32 $0x108;
	_ =	swait.ge @!p0 [sflag:s8], $0x0  }
0x24: {  	s3 =	sadd.s32 $0x88, s3;
	s6 =	simm.s32 @!p1 $0x1082;
	[sflag:s4] =	ssyncset.s32 $0xFFFFF086  }
0x25: {  	[simem:s6], [sflag:s4] =	dma.local [hbm:s3], $0xF7A  }
0x26: {  	[smem:$0x3F96] =	sst s1;
	(tag) =	ssettag s2;
	_ =	strace s9  }
0x27: {  	s1 =	sld [smem:$0x3FA6]  }
0x28: {  	s2 =	sld [smem:$0x3FA7]  }
0x29: {  	s4 =	sld [smem:$0x3FA9]  }
0x2a: {  	p0 =	seq.s32 s5, $0x0;
	s5 =	sld [smem:$0x3FAA]  }
0x2b: {  	s6 =	sld [smem:$0x3FAB]  }
0x2c: {  	s7 =	sld [smem:$0x3FAC]  }
0x2d: {  	s3 =	simm.s32 $0x108;
	s8 =	sld [smem:$0x3FAD]  }
0x2e: {  	s3 =	simm.s32 @!p0 $0x1082;
	s9 =	sld [smem:$0x3FAE]  }
0x2f: {  	lr =	sadd.s32 s0, s3;
	s0 =	sld [smem:$0x3FA5]  }
0x30: {  	s3 =	sld [smem:$0x3FA8]  }
0x31: {  	[smem:$0x3FB1] =	sst s10  }
0x32: {  	s10 =	sld [smem:$0x3FAF];
	_ =	sdelay $0x3  }
0x33: {  	p0 =	seq.s32 s10, $0x1;
	s10 =	sld [smem:$0x3FB1];
	_ =	sdelay $0x3  }
0x34: {  	[smem:$0x3FB1] =	sst s10  }
0x35: {  	s10 =	sld [smem:$0x3FB0];
	_ =	sdelay $0x3  }
0x36: {  	p1 =	seq.s32 s10, $0x1;
	s10 =	sld [smem:$0x3FB1];
	_ =	sdelay $0x3  }
0x37: {  	[smem:$0x3FB1] =	sst s10  }
0x38: {  	s10 =	sld [smem:$0x3FB2]  }
0x39: {  	_ = 	snop;
	(pc) =	sbr.ind lr, $3  }
0x3a: {  	_ = 	snop  }
0x3b: {  	_ = 	snop  }
0x3c: {  	p2 =	seq.s32 s10, $0x1;
	s10 =	sld [smem:$0x3FB1]  }
0x3d: {  	_ =	shalt  }
0x3e: {  	_ =	shalt  }
0x3f: {  	_ =	shalt  }
0x40: {  	_ =	shalt  }
0x41: {  	_ =	shalt  }
0x42: {  	_ =	shalt  }
0x43: {  	_ =	shalt  }
0x44: {  	_ =	shalt  }
0x45: {  	_ =	shalt  }
0x46: {  	_ =	shalt  }
0x47: {  	_ =	shalt  }
0x48: {  	_ =	shalt  }
0x49: {  	_ =	shalt  }
0x4a: {  	_ =	shalt  }
0x4b: {  	_ =	shalt  }
0x4c: {  	_ =	shalt  }
0x4d: {  	_ =	shalt  }
0x4e: {  	_ =	shalt  }
0x4f: {  	_ =	shalt  }
0x50: {  	_ =	shalt  }
0x51: {  	_ =	shalt  }
0x52: {  	_ =	shalt  }
0x53: {  	_ =	shalt  }
0x54: {  	_ =	shalt  }
0x55: {  	_ =	shalt  }
0x56: {  	_ =	shalt  }
0x57: {  	_ =	shalt  }
0x58: {  	_ =	shalt  }
0x59: {  	_ =	shalt  }
0x5a: {  	_ =	shalt  }
0x5b: {  	_ =	shalt  }
0x5c: {  	_ =	shalt  }
0x5d: {  	_ =	shalt  }
0x5e: {  	_ =	shalt  }
0x5f: {  	_ =	shalt  }
0x60: {  	_ =	shalt  }
0x61: {  	_ =	shalt  }
0x62: {  	_ =	shalt  }
0x63: {  	_ =	shalt  }
0x64: {  	_ =	shalt  }
0x65: {  	_ =	shalt  }
0x66: {  	_ =	shalt  }
0x67: {  	_ =	shalt  }
0x68: {  	_ =	shalt  }
0x69: {  	_ =	shalt  }
0x6a: {  	_ =	shalt  }
0x6b: {  	_ =	shalt  }
0x6c: {  	_ =	shalt  }
0x6d: {  	_ =	shalt  }
0x6e: {  	_ =	shalt  }
0x6f: {  	_ =	shalt  }
0x70: {  	_ =	shalt  }
0x71: {  	_ =	shalt  }
0x72: {  	_ =	shalt  }
0x73: {  	_ =	shalt  }
0x74: {  	_ =	shalt  }
0x75: {  	_ =	shalt  }
0x76: {  	_ =	shalt  }
0x77: {  	_ =	shalt  }
0x78: {  	_ =	shalt  }
0x79: {  	_ =	shalt  }
0x7a: {  	_ =	shalt  }
0x7b: {  	_ =	shalt  }
0x7c: {  	_ =	shalt  }
0x7d: {  	_ =	shalt  }
0x7e: {  	_ =	shalt  }
0x7f: {  	_ =	shalt  }
0x80: {  	_ =	shalt  }
0x81: {  	_ =	shalt  }
0x82: {  	_ =	shalt  }
0x83: {  	_ =	shalt  }
0x84: {  	_ =	shalt  }
0x85: {  	_ =	shalt  }
0x86: {  	_ =	shalt  }
0x87: {  	_ =	shalt  }
.Lfunc_end0:
.L_simem_size_0:
called_computation.1_lowered:
.L_overlay_start_0:
0x88: {  	s2 =	sld [smem:$0x3FD9]  }
0x89: {  	s3 =	sld [smem:$0x3FFE];
	_ =	sdelay $0x1  }
0x8a: {  	s1 =	srdreg.scid  }
0x8b: {  	s0 =	sand.u32 $0x1, s1  }
0x8c: {  	s17 =	sshll.u32 s0, $0xA;
	s2 =	sadd.s32 s3, s2  }
0x8d: {  	s2 =	sadd.s32 s2, s17  }
0x8e: {  	[smem:$0x3FBD] =	sst s2  }
0x8f: {  	_ = 	snop  }
0x90: {  	s2 =	sld [smem:$0x3FD0];
	(tm) =	ssettm $0x1  }
0x91: {  	s18 =	sld [smem:$0x3FFB];
	_ =	sdelay $0x3  }
0x92: {  	_ =	strace s18  }
0x93: {  	s3 =	sld [smem:$0x3FFC];
	_ =	sdelay $0x3  }
0x94: {  	_ =	strace s3  }
0x95: {  	s3 =	sld [smem:$0x3FFD];
	_ =	sdelay $0x3  }
0x96: {  	_ =	strace s3  }
0x97: {  	_ =	strace $0x8FFFFFFF  }
0x98: {  	s19 =	sld [smem:$0x3FDB];
	_ =	sdelay $0x1  }
0x99: {  	s4 =	simm.s32 $_scs_section_size  }
0x9a: {  	s5 =	simm.s32 $_size__tile_overlayer_lowered;
	s6 =	simm.s32 $_tile_overlayer_lowered  }
0x9b: {  	s22 =	simm.s32 $0x1BFF;
	s21 =	sshll.u32 s6, $0x1;
	s3 =	sadd.s32 s4, s19  }
0x9c: {  	s7 =	simm.s32 $0x0;
	s20 =	sshll.u32 s5, $0x1;
	s5 =	sadd.s32 s21, s3  }
0x9d: {  	[timem:s7], [sflag:s22] =	dma.local [hbm:s5], s20  }
0x9e: {  	_ =	swait.ge [sflag:s22], s20  }
0x9f: {  	s4 =	ssub.s32 $0x0, s20;
	[sflag:s22] =	ssyncset.done $0x0  }
0xa0: {  	[sflag:s22] =	ssyncadd.s32 s4;
	_ =	sdelay $0x1  }
0xa1: {  	s23 =	simm.s32 $0x1B8B  }
0xa2: {  	_ =	swait.ge [sflag:s23], $0x1  }
0xa3: {  	[sflag:s23] =	ssyncset.done $0x0  }
0xa4: {  	s25 =	simm.s32 $0x1B8E;
	s24 =	sld [smem:$0x3FFE];
	[sflag:s23] =	ssyncadd.s32 $0xFFFFFFFF  }
0xa5: {  	s26 =	simm.s32 $execute0_lowered;
	[smem:$0x3FD2] =	sst s25  }
0xa6: {  	s5 =	sshll.u32 s26, $0x1;
	_ =	strace $0x80000049;
	[dreg:$0x1] =	wrdreg $0xFFFFFFFF  }
0xa7: {  	s28 =	simm.s32 $_size_execute0_lowered;
	s3 =	sadd.s32 s3, s5;
	[dreg:$0x0] =	wrdreg $0x0  }
0xa8: {  	s5 =	sshll.u32 s28, $0x1;
	[dreg:$0x2] =	wrdreg s3  }
0xa9: {  	[dreg:$0x3] =	wrdreg s5  }
0xaa: {  	[dreg:$0x4] =	wrdreg $0xC0  }
0xab: {  	_ =	task [dreg:s7], $0x5FFFF  }
0xac: {  	[dreg:$0x1] =	wrdreg $0xFFFFFFFF  }
0xad: {  	[dreg:$0x0] =	wrdreg $0x60  }
0xae: {  	[dreg:$0x2] =	wrdreg s2  }
0xaf: {  	[dreg:$0x3] =	wrdreg s24  }
0xb0: {  	[dreg:$0x4] =	wrdreg $0x148200  }
0xb1: {  	[dreg:$0x5] =	wrdreg $0x197200  }
0xb2: {  	[dreg:$0x6] =	wrdreg $0x9  }
0xb3: {  	_ =	task.clear_ibuf [dreg:s7], $0x7FFFF;
	_ =	strace $0x90000049  }
0xb4: {  	s29 =	simm.s32 $0x9;
	_ =	strace $0x8000004B  }
0xb5: {  	_ =	swait.ge [sflag:s29], $0x1  }
0xb6: {  	[sflag:s29] =	ssyncadd.s32 $0xFFFFFFFF  }
0xb7: {  	_ =	strace $0x9000004B  }
0xb8: {  	_ =	sfence  }
0xb9: {  	s30 =	sld [smem:$0x0];
	_ =	sdelay $0x2  }
0xba: {  	s31 =	sshll.u32 s1, $0xD;
	s1 =	sshrl.u32 s1, $0x2  }
0xbb: {  	s3 =	sand.u32 $0x4000, s31;
	s1 =	sadd.s32 s1, s30  }
0xbc: {  	s0 =	sor.u32 s3, s0;
	s1 =	sshll.u32 s1, $0x11  }
0xbd: {  	s0 =	sor.u32 s1, s0  }
0xbe: {  	s0 =	sadd.s32 $0x8F2B, s0  }
0xbf: {  	[sflag:s0] =	ssyncadd.remote.s32 $0x1  }
0xc0: {  	_ =	sfence.sel $0xFFFF  }
0xc1: {  	[dreg:$0x0] =	wrdreg $0xFFFFFFFF;
	(pc) =	sbr.abs _section_cstart, $3  }
0xc2: {  	[dreg:$0x1] =	wrdreg $0xFFFFFFFF  }
0xc3: {  	_ =	task.clear_ibuf [dreg:s7], $0x2FFFF;
	_ =	strace $0x9FFFFFFF  }
0xc4: {  	(tm) =	ssettm $0x7FFFFFFF  }
0xc5: {  	_ =	shalt  }
tec
execute0_lowered:
.L_overlay_start_1:
0x0: {  	(tag) =	ssettag $0x1  }
0x1: {  	s0 =	srdreg.scid;
	s5 =	rddreg [dreg:$0x0]  }
0x2: {  	s6 =	rddreg [dreg:$0x1];
	s15 =	stileid.u32  }
0x3: {  	s2 =	rddreg [dreg:$0x2];
	s1 =	sand.u32 $0x1, s0;
	s8 =	smul.u32 $0x4F00, s15  }
0x4: {  	s9 =	smul.u32 $0x4E20, s15;
	s11 =	sadd.s32 $0x79400, s6;
	s3 =	sshll.u32 s1, $0x4  }
0x5: {  	s19 =	sshll.u32 s15, $0x6;
	s4 =	sor.u32 s15, s3;
	s3 =	rddreg [dreg:$0x3]  }
0x6: {  	s12 =	sshrl.u32 s9, $0x3;
	s7 =	smul.u32 $0x4E2, s4;
	s4 =	simm.s32 $0x0  }
0x7: {  	s10 =	smul.u32 $0x4F000, s1;
	s5 =	sadd.s32 s5, s12;
	[smem:$0x7FF] =	sst s4  }
0x8: {  	s9 =	sadd.s32 s9, s3;
	_ =	strace $0x8000004A;
	[dreg:$0x5] =	wrdreg s11  }
0x9: {  	s18 =	sadd.s32 s8, s2;
	s21 =	sshrl.u32 s9, $0x3;
	[dreg:$0x6] =	wrdreg s5  }
0xa: {  	s10 =	sadd.s32 s8, s10;
	s7 =	sadd.s32 s7, s6;
	[dreg:$0xa] =	wrdreg s21  }
0xb: {  	s10 =	sshrl.u32 s10, $0x3;
	s16 =	sadd.s32 $0x3800, s7;
	s20 =	rddreg [dreg:$0x5]  }
0xc: {  	s6 =	sadd.s32 s10, s6;
	s17 =	sadd.s32 $0xD600, s7;
	[dreg:$0x7] =	wrdreg s16  }
0xd: {  	s5 =	sor.u32 $0x1C03, s19;
	s6 =	sadd.s32 $0x79E00, s6;
	[dreg:$0x8] =	wrdreg s17  }
0xe: {  	s7 =	sshrl.u32 s18, $0x3;
	[dreg:$0x9] =	wrdreg s6;
	s6 =	simm.s32 $0x3  }
0xf: {  	[spmem:s7], [sflag:s5] =	dma.local [hbm:s20], $0x9E0  }
0x10: {  	_ =	swait.ge [sflag:s6], $0x9E0  }
0x11: {  	s22 =	rddreg [dreg:$0xa];
	[sflag:s6] =	ssyncset.done $0x0  }
0x12: {  	s23 =	rddreg [dreg:$0x6];
	[sflag:s6] =	ssyncadd.s32 $0xFFFFF620  }
0x13: {  	[spmem:s22], [sflag:s5] =	dma.local [hbm:s23], $0x9C4  }
0x14: {  	_ =	swait.ge [sflag:s6], $0x9C4  }
0x15: {  	[sflag:s6] =	ssyncset.done $0x0  }
0x16: {  	s24 =	rddreg [dreg:$0x7];
	[sflag:s6] =	ssyncadd.s32 $0xFFFFF63C  }
0x17: {  	[tilespmem:s4], [sflag:$0x3] =	stream.linear.gather [hbm4b:s24+s4], $0x2710, $0x38;
	[tilespmem:$0x1E540] =	vst v63  }
0x18: {  	_ =	swait.ge [sflag:s6], $0x2710  }
0x19: {  	[sflag:s6] =	ssyncset.done $0x0  }
0x1a: {  	s8 =	simm.s32 $0x2710;
	s25 =	rddreg [dreg:$0x8];
	[sflag:s6] =	ssyncadd.s32 $0xFFFFD8F0  }
0x1b: {  	[tilespmem:s8], [sflag:$0x3] =	stream.linear.gather [hbm4b:s25+s4], $0x2710, $0x38;
	[tilespmem:$0x1E540] =	vst v63  }
0x1c: {  	_ =	swait.ge [sflag:s6], $0x2710  }
0x1d: {  	[sflag:s6] =	ssyncset.done $0x0  }
0x1e: {  	[sflag:s6] =	ssyncadd.s32 $0xFFFFD8F0  }
0x1f: {  	s9 =	simm.s32 $0x3E8;
	s10 =	simm.s32 $0x4E20;
	[bflag:$0x0] =	sbarrier.arrive $0xFFFF  }
0x20: {  	[tilespmem:s10], [sflag:$0x1] =	stream.indirect.gather [spmem:s3], $0x20, s4, s9, $0xb8;
	[tilespmem:$0x1E540] =	vst v63  }
0x21: {  	s12 =	simm.s32 $0x1;
	s11 =	simm.s32 $0xCB20  }
0x22: {  	[tilespmem:s11], [sflag:$0x2] =	stream.indirect.gather [spmem:s3], $0x20, s9, s9, $0xb8;
	[tilespmem:$0x1E540] =	vst v63  }
0x23: {  	_ =	swait.ge [sflag:s12], $0x7D00  }
0x24: {  	[sflag:s12] =	ssyncset.done $0x0  }
0x25: {  	[sflag:s12] =	ssyncadd.s32 $0xFFFF8300  }
0x26: {  	[spmem:s2] =	stream.indirect.scatter.add.f32 [tilespmem:s10], [sflag:$0x3], $0x20, s8, s9, $0xb8;
	[tilespmem:$0x1E540] =	vst v63  }
0x27: {  	_ =	swait.ge [sflag:s6], $0x7D00  }
0x28: {  	[sflag:s6] =	ssyncset.done $0x0  }
0x29: {  	s26 =	simm.s32 $0x7D0;
	s14 =	simm.s32 $0x2;
	[sflag:s6] =	ssyncadd.s32 $0xFFFF8300  }
0x2a: {  	[tilespmem:s10], [sflag:$0x1] =	stream.indirect.gather [spmem:s3], $0x20, s26, s9, $0xb8;
	[tilespmem:$0x1E540] =	vst v63  }
0x2b: {  	_ =	swait.ge [sflag:s14], $0x7D00  }
0x2c: {  	[sflag:s14] =	ssyncset.done $0x0  }
0x2d: {  	s15 =	simm.s32 $0x2AF8;
	[sflag:s14] =	ssyncadd.s32 $0xFFFF8300  }
0x2e: {  	[spmem:s2] =	stream.indirect.scatter.add.f32 [tilespmem:s11], [sflag:$0x3], $0x20, s15, s9, $0xb8;
	[tilespmem:$0x1E540] =	vst v63  }
0x2f: {  	_ =	swait.ge [sflag:s6], $0x7D00  }
0x30: {  	[sflag:s6] =	ssyncset.done $0x0  }
0x31: {  	s16 =	simm.s32 $0xBB8;
	[sflag:s6] =	ssyncadd.s32 $0xFFFF8300  }
0x32: {  	[tilespmem:s11], [sflag:$0x2] =	stream.indirect.gather [spmem:s3], $0x20, s16, s9, $0xb8;
	[tilespmem:$0x1E540] =	vst v63  }
0x33: {  	_ =	swait.ge [sflag:s12], $0x7D00  }
0x34: {  	[sflag:s12] =	ssyncset.done $0x0  }
0x35: {  	s17 =	simm.s32 $0x2EE0;
	[sflag:s12] =	ssyncadd.s32 $0xFFFF8300  }
0x36: {  	[spmem:s2] =	stream.indirect.scatter.add.f32 [tilespmem:s10], [sflag:$0x3], $0x20, s17, s9, $0xb8;
	[tilespmem:$0x1E540] =	vst v63  }
0x37: {  	_ =	swait.ge [sflag:s6], $0x7D00  }
0x38: {  	[sflag:s6] =	ssyncset.done $0x0  }
0x39: {  	s18 =	simm.s32 $0xFA0;
	[sflag:s6] =	ssyncadd.s32 $0xFFFF8300  }
0x3a: {  	[tilespmem:s10], [sflag:$0x1] =	stream.indirect.gather [spmem:s3], $0x20, s18, s9, $0xb8;
	[tilespmem:$0x1E540] =	vst v63  }
0x3b: {  	_ =	swait.ge [sflag:s14], $0x7D00  }
0x3c: {  	[sflag:s14] =	ssyncset.done $0x0  }
0x3d: {  	s19 =	simm.s32 $0x32C8;
	[sflag:s14] =	ssyncadd.s32 $0xFFFF8300  }
0x3e: {  	[spmem:s2] =	stream.indirect.scatter.add.f32 [tilespmem:s11], [sflag:$0x3], $0x20, s19, s9, $0xb8;
	[tilespmem:$0x1E540] =	vst v63  }
0x3f: {  	_ =	swait.ge [sflag:s6], $0x7D00  }
0x40: {  	[sflag:s6] =	ssyncset.done $0x0  }
0x41: {  	s20 =	simm.s32 $0x1388;
	[sflag:s6] =	ssyncadd.s32 $0xFFFF8300  }
0x42: {  	[tilespmem:s11], [sflag:$0x2] =	stream.indirect.gather [spmem:s3], $0x20, s20, s9, $0xb8;
	[tilespmem:$0x1E540] =	vst v63  }
0x43: {  	_ =	swait.ge [sflag:s12], $0x7D00  }
0x44: {  	[sflag:s12] =	ssyncset.done $0x0  }
0x45: {  	s21 =	simm.s32 $0x36B0;
	[sflag:s12] =	ssyncadd.s32 $0xFFFF8300  }
0x46: {  	[spmem:s2] =	stream.indirect.scatter.add.f32 [tilespmem:s10], [sflag:$0x3], $0x20, s21, s9, $0xb8;
	[tilespmem:$0x1E540] =	vst v63  }
0x47: {  	_ =	swait.ge [sflag:s6], $0x7D00  }
0x48: {  	[sflag:s6] =	ssyncset.done $0x0  }
0x49: {  	s22 =	simm.s32 $0x1770;
	[sflag:s6] =	ssyncadd.s32 $0xFFFF8300  }
0x4a: {  	[tilespmem:s10], [sflag:$0x1] =	stream.indirect.gather [spmem:s3], $0x20, s22, s9, $0xb8;
	[tilespmem:$0x1E540] =	vst v63  }
0x4b: {  	_ =	swait.ge [sflag:s14], $0x7D00  }
0x4c: {  	[sflag:s14] =	ssyncset.done $0x0  }
0x4d: {  	s23 =	simm.s32 $0x3A98;
	[sflag:s14] =	ssyncadd.s32 $0xFFFF8300  }
0x4e: {  	[spmem:s2] =	stream.indirect.scatter.add.f32 [tilespmem:s11], [sflag:$0x3], $0x20, s23, s9, $0xb8;
	[tilespmem:$0x1E540] =	vst v63  }
0x4f: {  	_ =	swait.ge [sflag:s6], $0x7D00  }
0x50: {  	[sflag:s6] =	ssyncset.done $0x0  }
0x51: {  	s24 =	simm.s32 $0x1B58;
	[sflag:s6] =	ssyncadd.s32 $0xFFFF8300  }
0x52: {  	[tilespmem:s11], [sflag:$0x2] =	stream.indirect.gather [spmem:s3], $0x20, s24, s9, $0xb8;
	[tilespmem:$0x1E540] =	vst v63  }
0x53: {  	_ =	swait.ge [sflag:s12], $0x7D00  }
0x54: {  	[sflag:s12] =	ssyncset.done $0x0  }
0x55: {  	s25 =	simm.s32 $0x3E80;
	[sflag:s12] =	ssyncadd.s32 $0xFFFF8300  }
0x56: {  	[spmem:s2] =	stream.indirect.scatter.add.f32 [tilespmem:s10], [sflag:$0x3], $0x20, s25, s9, $0xb8;
	[tilespmem:$0x1E540] =	vst v63  }
0x57: {  	_ =	swait.ge [sflag:s6], $0x7D00  }
0x58: {  	[sflag:s6] =	ssyncset.done $0x0  }
0x59: {  	s26 =	simm.s32 $0x1F40;
	[sflag:s6] =	ssyncadd.s32 $0xFFFF8300  }
0x5a: {  	[tilespmem:s10], [sflag:$0x1] =	stream.indirect.gather [spmem:s3], $0x20, s26, s9, $0xb8;
	[tilespmem:$0x1E540] =	vst v63  }
0x5b: {  	_ =	swait.ge [sflag:s14], $0x7D00  }
0x5c: {  	[sflag:s14] =	ssyncset.done $0x0  }
0x5d: {  	s28 =	simm.s32 $0x4268;
	[sflag:s14] =	ssyncadd.s32 $0xFFFF8300  }
0x5e: {  	[spmem:s2] =	stream.indirect.scatter.add.f32 [tilespmem:s11], [sflag:$0x3], $0x20, s28, s9, $0xb8;
	[tilespmem:$0x1E540] =	vst v63  }
0x5f: {  	_ =	swait.ge [sflag:s6], $0x7D00  }
0x60: {  	[sflag:s6] =	ssyncset.done $0x0  }
0x61: {  	s29 =	simm.s32 $0x2328;
	[sflag:s6] =	ssyncadd.s32 $0xFFFF8300  }
0x62: {  	[tilespmem:s11], [sflag:$0x2] =	stream.indirect.gather [spmem:s3], $0x20, s29, s9, $0xb8;
	[tilespmem:$0x1E540] =	vst v63  }
0x63: {  	_ =	swait.ge [sflag:s12], $0x7D00  }
0x64: {  	[sflag:s12] =	ssyncset.done $0x0  }
0x65: {  	s30 =	simm.s32 $0x4650;
	[sflag:s12] =	ssyncadd.s32 $0xFFFF8300  }
0x66: {  	[spmem:s2] =	stream.indirect.scatter.add.f32 [tilespmem:s10], [sflag:$0x3], $0x20, s30, s9, $0xb8;
	[tilespmem:$0x1E540] =	vst v63  }
0x67: {  	_ =	swait.ge [sflag:s6], $0x7D00  }
0x68: {  	[sflag:s6] =	ssyncset.done $0x0  }
0x69: {  	[sflag:s6] =	ssyncadd.s32 $0xFFFF8300  }
0x6a: {  	[tilespmem:s10], [sflag:$0x1] =	stream.indirect.gather [spmem:s3], $0x20, s4, s9, $0xb8;
	[tilespmem:$0x1E540] =	vst v63  }
0x6b: {  	_ =	swait.ge [sflag:s14], $0x7D00  }
0x6c: {  	[sflag:s14] =	ssyncset.done $0x0  }
0x6d: {  	s31 =	simm.s32 $0x4A38;
	[sflag:s14] =	ssyncadd.s32 $0xFFFF8300  }
0x6e: {  	[spmem:s2] =	stream.indirect.scatter.add.f32 [tilespmem:s11], [sflag:$0x3], $0x20, s31, s9, $0xb8;
	[tilespmem:$0x1E540] =	vst v63  }
0x6f: {  	s1 =	ssub.s32 $0x2, s1;
	_ =	swait.ge [sflag:s6], $0x7D00  }
0x70: {  	s0 =	sshrl.u32 s1, $0x1;
	[sflag:s6] =	ssyncset.done $0x0  }
0x71: {  	s0 =	ssub.s32 s1, s0;
	[sflag:s6] =	ssyncadd.s32 $0xFFFF8300  }
0x72: {  	s0 =	smax.u32 s0, $0x1;
	_ =	swait.ge [sflag:s12], $0x7D00  }
0x73: {  	p0 =	sne.s32 s0, $0x1;
	[sflag:s12] =	ssyncset.done $0x0  }
.Ltmp0:
0x74: {  	[sflag:s12] =	ssyncadd.s32 $0xFFFF8300;
	(pc) =	sbr.rel @!p0 .LBB2_2-.Ltmp0, $4  }
0x75: {  	[bflag:$0x0] =	sbarrier.arrive $0xFFFF  }
0x76: {  	s13 =	rddreg [dreg:$0x9]  }
0x77: {  	[hbm:s13], [sflag:s5] =	dma.local [spmem:s7], $0x9E0  }
0x78: {  	s1 =	sadd.s32 $0xFFFFFFFF, s0;
	_ =	swait.ge [sflag:s6], $0x9E0  }
.LBB2_1:
0x79: {  	[sflag:s6] =	ssyncset.done $0x0  }
0x7a: {  	s0 =	rddreg [dreg:$0x5];
	[sflag:s6] =	ssyncadd.s32 $0xFFFFF620  }
0x7b: {  	[spmem:s7], [sflag:s5] =	dma.local [hbm:s0], $0x9E0  }
0x7c: {  	_ =	swait.ge [sflag:s6], $0x9E0  }
0x7d: {  	[sflag:s6] =	ssyncset.done $0x0;
	s0 =	rddreg [dreg:$0xa]  }
0x7e: {  	s13 =	rddreg [dreg:$0x6];
	[sflag:s6] =	ssyncadd.s32 $0xFFFFF620  }
0x7f: {  	[spmem:s0], [sflag:s5] =	dma.local [hbm:s13], $0x9C4  }
0x80: {  	_ =	swait.ge [sflag:s6], $0x9C4  }
0x81: {  	[sflag:s6] =	ssyncset.done $0x0  }
0x82: {  	s13 =	rddreg [dreg:$0x7];
	[sflag:s6] =	ssyncadd.s32 $0xFFFFF63C  }
0x83: {  	[tilespmem:s4], [sflag:$0x3] =	stream.linear.gather [hbm4b:s13+s4], $0x2710, $0x38;
	[tilespmem:$0x1E540] =	vst v63  }
0x84: {  	_ =	swait.ge [sflag:s6], $0x2710  }
0x85: {  	[sflag:s6] =	ssyncset.done $0x0  }
0x86: {  	s13 =	rddreg [dreg:$0x8];
	[sflag:s6] =	ssyncadd.s32 $0xFFFFD8F0  }
0x87: {  	[tilespmem:s8], [sflag:$0x3] =	stream.linear.gather [hbm4b:s13+s4], $0x2710, $0x38;
	[tilespmem:$0x1E540] =	vst v63  }
0x88: {  	_ =	swait.ge [sflag:s6], $0x2710  }
0x89: {  	[sflag:s6] =	ssyncset.done $0x0  }
0x8a: {  	[sflag:s6] =	ssyncadd.s32 $0xFFFFD8F0  }
0x8b: {  	[bflag:$0x0] =	sbarrier.arrive $0xFFFF  }
0x8c: {  	[tilespmem:s10], [sflag:$0x1] =	stream.indirect.gather [spmem:s3], $0x20, s4, s9, $0xb8;
	[tilespmem:$0x1E540] =	vst v63  }
0x8d: {  	_ = 	snop  }
0x8e: {  	[tilespmem:s11], [sflag:$0x2] =	stream.indirect.gather [spmem:s3], $0x20, s9, s9, $0xb8;
	[tilespmem:$0x1E540] =	vst v63  }
0x8f: {  	_ =	swait.ge [sflag:s12], $0x7D00  }
0x90: {  	[sflag:s12] =	ssyncset.done $0x0  }
0x91: {  	[sflag:s12] =	ssyncadd.s32 $0xFFFF8300  }
0x92: {  	[spmem:s2] =	stream.indirect.scatter.add.f32 [tilespmem:s10], [sflag:$0x3], $0x20, s8, s9, $0xb8;
	[tilespmem:$0x1E540] =	vst v63  }
0x93: {  	_ =	swait.ge [sflag:s6], $0x7D00  }
0x94: {  	[sflag:s6] =	ssyncset.done $0x0  }
0x95: {  	s13 =	simm.s32 $0x7D0;
	[sflag:s6] =	ssyncadd.s32 $0xFFFF8300  }
0x96: {  	[tilespmem:s10], [sflag:$0x1] =	stream.indirect.gather [spmem:s3], $0x20, s13, s9, $0xb8;
	[tilespmem:$0x1E540] =	vst v63  }
0x97: {  	_ =	swait.ge [sflag:s14], $0x7D00  }
0x98: {  	[sflag:s14] =	ssyncset.done $0x0  }
0x99: {  	[sflag:s14] =	ssyncadd.s32 $0xFFFF8300  }
0x9a: {  	[spmem:s2] =	stream.indirect.scatter.add.f32 [tilespmem:s11], [sflag:$0x3], $0x20, s15, s9, $0xb8;
	[tilespmem:$0x1E540] =	vst v63  }
0x9b: {  	_ =	swait.ge [sflag:s6], $0x7D00  }
0x9c: {  	[sflag:s6] =	ssyncset.done $0x0  }
0x9d: {  	[sflag:s6] =	ssyncadd.s32 $0xFFFF8300  }
0x9e: {  	[tilespmem:s11], [sflag:$0x2] =	stream.indirect.gather [spmem:s3], $0x20, s16, s9, $0xb8;
	[tilespmem:$0x1E540] =	vst v63  }
0x9f: {  	_ =	swait.ge [sflag:s12], $0x7D00  }
0xa0: {  	[sflag:s12] =	ssyncset.done $0x0  }
0xa1: {  	[sflag:s12] =	ssyncadd.s32 $0xFFFF8300  }
0xa2: {  	[spmem:s2] =	stream.indirect.scatter.add.f32 [tilespmem:s10], [sflag:$0x3], $0x20, s17, s9, $0xb8;
	[tilespmem:$0x1E540] =	vst v63  }
0xa3: {  	_ =	swait.ge [sflag:s6], $0x7D00  }
0xa4: {  	[sflag:s6] =	ssyncset.done $0x0  }
0xa5: {  	[sflag:s6] =	ssyncadd.s32 $0xFFFF8300  }
0xa6: {  	[tilespmem:s10], [sflag:$0x1] =	stream.indirect.gather [spmem:s3], $0x20, s18, s9, $0xb8;
	[tilespmem:$0x1E540] =	vst v63  }
0xa7: {  	_ =	swait.ge [sflag:s14], $0x7D00  }
0xa8: {  	[sflag:s14] =	ssyncset.done $0x0  }
0xa9: {  	[sflag:s14] =	ssyncadd.s32 $0xFFFF8300  }
0xaa: {  	[spmem:s2] =	stream.indirect.scatter.add.f32 [tilespmem:s11], [sflag:$0x3], $0x20, s19, s9, $0xb8;
	[tilespmem:$0x1E540] =	vst v63  }
0xab: {  	_ =	swait.ge [sflag:s6], $0x7D00  }
0xac: {  	[sflag:s6] =	ssyncset.done $0x0  }
0xad: {  	[sflag:s6] =	ssyncadd.s32 $0xFFFF8300  }
0xae: {  	[tilespmem:s11], [sflag:$0x2] =	stream.indirect.gather [spmem:s3], $0x20, s20, s9, $0xb8;
	[tilespmem:$0x1E540] =	vst v63  }
0xaf: {  	_ =	swait.ge [sflag:s12], $0x7D00  }
0xb0: {  	[sflag:s12] =	ssyncset.done $0x0  }
0xb1: {  	[sflag:s12] =	ssyncadd.s32 $0xFFFF8300  }
0xb2: {  	[spmem:s2] =	stream.indirect.scatter.add.f32 [tilespmem:s10], [sflag:$0x3], $0x20, s21, s9, $0xb8;
	[tilespmem:$0x1E540] =	vst v63  }
0xb3: {  	_ =	swait.ge [sflag:s6], $0x7D00  }
0xb4: {  	[sflag:s6] =	ssyncset.done $0x0  }
0xb5: {  	[sflag:s6] =	ssyncadd.s32 $0xFFFF8300  }
0xb6: {  	[tilespmem:s10], [sflag:$0x1] =	stream.indirect.gather [spmem:s3], $0x20, s22, s9, $0xb8;
	[tilespmem:$0x1E540] =	vst v63  }
0xb7: {  	_ =	swait.ge [sflag:s14], $0x7D00  }
0xb8: {  	[sflag:s14] =	ssyncset.done $0x0  }
0xb9: {  	[sflag:s14] =	ssyncadd.s32 $0xFFFF8300  }
0xba: {  	[spmem:s2] =	stream.indirect.scatter.add.f32 [tilespmem:s11], [sflag:$0x3], $0x20, s23, s9, $0xb8;
	[tilespmem:$0x1E540] =	vst v63  }
0xbb: {  	_ =	swait.ge [sflag:s6], $0x7D00  }
0xbc: {  	[sflag:s6] =	ssyncset.done $0x0  }
0xbd: {  	[sflag:s6] =	ssyncadd.s32 $0xFFFF8300  }
0xbe: {  	[tilespmem:s11], [sflag:$0x2] =	stream.indirect.gather [spmem:s3], $0x20, s24, s9, $0xb8;
	[tilespmem:$0x1E540] =	vst v63  }
0xbf: {  	_ =	swait.ge [sflag:s12], $0x7D00  }
0xc0: {  	[sflag:s12] =	ssyncset.done $0x0  }
0xc1: {  	[sflag:s12] =	ssyncadd.s32 $0xFFFF8300  }
0xc2: {  	[spmem:s2] =	stream.indirect.scatter.add.f32 [tilespmem:s10], [sflag:$0x3], $0x20, s25, s9, $0xb8;
	[tilespmem:$0x1E540] =	vst v63  }
0xc3: {  	_ =	swait.ge [sflag:s6], $0x7D00  }
0xc4: {  	[sflag:s6] =	ssyncset.done $0x0  }
0xc5: {  	[sflag:s6] =	ssyncadd.s32 $0xFFFF8300  }
0xc6: {  	[tilespmem:s10], [sflag:$0x1] =	stream.indirect.gather [spmem:s3], $0x20, s26, s9, $0xb8;
	[tilespmem:$0x1E540] =	vst v63  }
0xc7: {  	_ =	swait.ge [sflag:s14], $0x7D00  }
0xc8: {  	[sflag:s14] =	ssyncset.done $0x0  }
0xc9: {  	[sflag:s14] =	ssyncadd.s32 $0xFFFF8300  }
0xca: {  	[spmem:s2] =	stream.indirect.scatter.add.f32 [tilespmem:s11], [sflag:$0x3], $0x20, s28, s9, $0xb8;
	[tilespmem:$0x1E540] =	vst v63  }
0xcb: {  	_ =	swait.ge [sflag:s6], $0x7D00  }
0xcc: {  	[sflag:s6] =	ssyncset.done $0x0  }
0xcd: {  	[sflag:s6] =	ssyncadd.s32 $0xFFFF8300  }
0xce: {  	[tilespmem:s11], [sflag:$0x2] =	stream.indirect.gather [spmem:s3], $0x20, s29, s9, $0xb8;
	[tilespmem:$0x1E540] =	vst v63  }
0xcf: {  	_ =	swait.ge [sflag:s12], $0x7D00  }
0xd0: {  	[sflag:s12] =	ssyncset.done $0x0  }
0xd1: {  	[sflag:s12] =	ssyncadd.s32 $0xFFFF8300  }
0xd2: {  	[spmem:s2] =	stream.indirect.scatter.add.f32 [tilespmem:s10], [sflag:$0x3], $0x20, s30, s9, $0xb8;
	[tilespmem:$0x1E540] =	vst v63  }
0xd3: {  	_ =	swait.ge [sflag:s6], $0x7D00  }
0xd4: {  	[sflag:s6] =	ssyncset.done $0x0  }
0xd5: {  	[sflag:s6] =	ssyncadd.s32 $0xFFFF8300  }
0xd6: {  	[tilespmem:s10], [sflag:$0x1] =	stream.indirect.gather [spmem:s3], $0x20, s4, s9, $0xb8;
	[tilespmem:$0x1E540] =	vst v63  }
0xd7: {  	_ =	swait.ge [sflag:s14], $0x7D00  }
0xd8: {  	[sflag:s14] =	ssyncset.done $0x0  }
0xd9: {  	[sflag:s14] =	ssyncadd.s32 $0xFFFF8300  }
0xda: {  	[spmem:s2] =	stream.indirect.scatter.add.f32 [tilespmem:s11], [sflag:$0x3], $0x20, s31, s9, $0xb8;
	[tilespmem:$0x1E540] =	vst v63  }
0xdb: {  	_ =	swait.ge [sflag:s6], $0x7D00  }
0xdc: {  	[sflag:s6] =	ssyncset.done $0x0  }
0xdd: {  	[sflag:s6] =	ssyncadd.s32 $0xFFFF8300  }
0xde: {  	_ =	swait.ge [sflag:s12], $0x7D00  }
0xdf: {  	p0 =	sne.s32 s1, $0x1;
	[sflag:s12] =	ssyncset.done $0x0  }
.Ltmp1:
0xe0: {  	[sflag:s12] =	ssyncadd.s32 $0xFFFF8300;
	(pc) =	sbr.rel @p0 .LBB2_1-.Ltmp1, $4  }
0xe1: {  	[bflag:$0x0] =	sbarrier.arrive $0xFFFF  }
0xe2: {  	s13 =	rddreg [dreg:$0x9]  }
0xe3: {  	[hbm:s13], [sflag:s5] =	dma.local [spmem:s7], $0x9E0  }
0xe4: {  	s1 =	sadd.s32 $0xFFFFFFFF, s1;
	_ =	swait.ge [sflag:s6], $0x9E0  }
.LBB2_2:
0xe5: {  	[sflag:s6] =	ssyncset.done $0x0  }
0xe6: {  	[sflag:s6] =	ssyncadd.s32 $0xFFFFF620  }
0xe7: {  	_ =	sfence.sel $0x180000  }
0xe8: {  	[bflag:$0x0] =	sbarrier.arrive $0xFFFF  }
0xe9: {  	_ =	strace $0x9000004A  }
0xea: {  	s0 =	stileid.u32;
	[bflag:$0x2] =	sbarrier.arrive $0xFFFF  }
0xeb: {  	p0 =	sne.s32 s0, $0x0;
	s0 =	rddreg [dreg:$0x4]  }
0xec: {  	s0 =	sadd.s32 @!p0 $0x100000, s0  }
0xed: {  	[sflag:s0] =	ssyncadd.tile.s32 @!p0 $0x1;
	_ =	shalt  }
.Lfunc_end2:
_tile_overlayer_lowered:
.L_overlay_start_2:
0xee: {  	(tag) =	ssettag $0x2  }
0xef: {  	s0 =	rddreg [dreg:$0x0];
	s2 =	stileid.u32  }
0xf0: {  	s1 =	rddreg [dreg:$0x1];
	p0 =	sne.s32 s2, $0x0  }
0xf1: {  	s3 =	rddreg [dreg:$0x2];
	[bflag:$0x3] =	sbarrier.arrive $0xFFFF;
	s2 =	simm.s32 @!p0 $0x1C03  }
0xf2: {  	[timem:s3], [sflag:s2] =	dma.local @!p0 [hbm:s0], s1  }
0xf3: {  	s0 =	simm.s32 @!p0 $0x3  }
0xf4: {  	_ =	swait.ge @!p0 [sflag:s0], s1  }
0xf5: {  	s1 =	ssub.s32 @!p0 $0x0, s1;
	[sflag:s0] =	ssyncset.done @!p0 $0x0  }
0xf6: {  	[sflag:s0] =	ssyncadd.s32 @!p0 s1  }
0xf7: {  	[bflag:$0x3] =	sbarrier.arrive $0xFFFF  }
0xf8: {  	_ =	shalt  }

// kernel: kernel.16.cloned.1.call-start
scs
__scs_entry_jumppad:
0x0: {  	(pc) =	sbr.rel $0x88, $3  }
0x1: {  	(tag) =	ssettag $0x0;
	lr =	simm.s32 $0x1  }
0x2: {  	[smem:$0x3F96] =	sst lr;
	_ =	strace $0xD0000000  }
0x3: {  	_ = 	snop  }
0x4: {  	_ = 	snop  }
0x5: {  	_ = 	snop  }
0x6: {  	_ = 	snop  }
0x7: {  	_ = 	snop  }
__scs_overlays_trampoline_lowered:
0x8: {  	[smem:$0x3FA5] =	sst s0  }
0x9: {  	[smem:$0x3FA6] =	sst s1  }
0xa: {  	[smem:$0x3FA7] =	sst s2  }
0xb: {  	[smem:$0x3FA8] =	sst s3  }
0xc: {  	[smem:$0x3FA9] =	sst s4  }
0xd: {  	[smem:$0x3FAA] =	sst s5  }
0xe: {  	[smem:$0x3FAB] =	sst s6  }
0xf: {  	[smem:$0x3FAC] =	sst s7  }
0x10: {  	[smem:$0x3FAD] =	sst s8  }
0x11: {  	[smem:$0x3FAE] =	sst s9;
	s0 =	simm.s32 @!p0 $0x0  }
0x12: {  	s1 =	sld [smem:$0x3F94];
	s0 =	simm.s32 @p0 $0x1  }
0x13: {  	[smem:$0x3FAF] =	sst s0;
	s0 =	simm.s32 @!p1 $0x0  }
0x14: {  	s2 =	sld [smem:$0x3F93];
	s0 =	simm.s32 @p1 $0x1  }
0x15: {  	[smem:$0x3FB0] =	sst s0;
	s0 =	simm.s32 @!p2 $0x0  }
0x16: {  	s3 =	sld [smem:$0x3FDB];
	s0 =	simm.s32 @p2 $0x1  }
0x17: {  	s4 =	simm.s32 $0x1BF5;
	[smem:$0x3FB2] =	sst s0  }
0x18: {  	s0 =	sld [smem:$0x3F95];
	_ =	swait.ge [sflag:s4], $0x0  }
0x19: {  	s7 =	sld [smem:$0x3F96]  }
0x1a: {  	s8 =	sadd.s32 $0xFFFFE003, lr  }
0x1b: {  	s9 =	sadd.s32 $0xFFFFFEF7, lr;
	s5 =	simm.s32 $0xFFFFFFFF;
	p2 =	slt.u32 s8, $0xFFFFF086  }
0x1c: {  	p1 =	slt.u32 s9, $0xF7A;
	s5 =	simm.s32 @!p2 $0x0  }
0x1d: {  	s5 =	simm.s32 @p1 $0x1;
	p0 =	seq.s32 s7, s2  }
0x1e: {  	s7 =	smul.u32 @!p0 $0xF7A, s2;
	p2 =	seq.s32 @!p0 s5, $0x0  }
0x1f: {  	s9 =	smul.u32 $0xF7A, s1;
	s8 =	simm.s32 @!p0 $0x1BF5;
	p2 =	por !p2, p0  }
0x20: {  	[sflag:s8] =	ssyncset.s32 @!p0 $0xFFFFF086;
	s6 =	sadd.s32 @!p0 s3, s7;
	s7 =	simm.s32 @!p0 $0x108  }
0x21: {  	s3 =	sadd.s32 s3, s9;
	s6 =	sadd.s32 @!p0 $0x88, s6;
	s7 =	simm.s32 @p2 $0x1082  }
0x22: {  	[simem:s7], [sflag:s8] =	dma.local @!p0 [hbm:s6], $0xF7A  }
0x23: {  	s9 =	sor.u32 $0xD0000000, s2;
	s6 =	simm.s32 $0x108;
	_ =	swait.ge @!p0 [sflag:s8], $0x0  }
0x24: {  	s3 =	sadd.s32 $0x88, s3;
	s6 =	simm.s32 @!p1 $0x1082;
	[sflag:s4] =	ssyncset.s32 $0xFFFFF086  }
0x25: {  	[simem:s6], [sflag:s4] =	dma.local [hbm:s3], $0xF7A  }
0x26: {  	[smem:$0x3F96] =	sst s1;
	(tag) =	ssettag s2;
	_ =	strace s9  }
0x27: {  	s1 =	sld [smem:$0x3FA6]  }
0x28: {  	s2 =	sld [smem:$0x3FA7]  }
0x29: {  	s4 =	sld [smem:$0x3FA9]  }
0x2a: {  	p0 =	seq.s32 s5, $0x0;
	s5 =	sld [smem:$0x3FAA]  }
0x2b: {  	s6 =	sld [smem:$0x3FAB]  }
0x2c: {  	s7 =	sld [smem:$0x3FAC]  }
0x2d: {  	s3 =	simm.s32 $0x108;
	s8 =	sld [smem:$0x3FAD]  }
0x2e: {  	s3 =	simm.s32 @!p0 $0x1082;
	s9 =	sld [smem:$0x3FAE]  }
0x2f: {  	lr =	sadd.s32 s0, s3;
	s0 =	sld [smem:$0x3FA5]  }
0x30: {  	s3 =	sld [smem:$0x3FA8]  }
0x31: {  	[smem:$0x3FB1] =	sst s10  }
0x32: {  	s10 =	sld [smem:$0x3FAF];
	_ =	sdelay $0x3  }
0x33: {  	p0 =	seq.s32 s10, $0x1;
	s10 =	sld [smem:$0x3FB1];
	_ =	sdelay $0x3  }
0x34: {  	[smem:$0x3FB1] =	sst s10  }
0x35: {  	s10 =	sld [smem:$0x3FB0];
	_ =	sdelay $0x3  }
0x36: {  	p1 =	seq.s32 s10, $0x1;
	s10 =	sld [smem:$0x3FB1];
	_ =	sdelay $0x3  }
0x37: {  	[smem:$0x3FB1] =	sst s10  }
0x38: {  	s10 =	sld [smem:$0x3FB2]  }
0x39: {  	_ = 	snop;
	(pc) =	sbr.ind lr, $3  }
0x3a: {  	_ = 	snop  }
0x3b: {  	_ = 	snop  }
0x3c: {  	p2 =	seq.s32 s10, $0x1;
	s10 =	sld [smem:$0x3FB1]  }
0x3d: {  	_ =	shalt  }
0x3e: {  	_ =	shalt  }
0x3f: {  	_ =	shalt  }
0x40: {  	_ =	shalt  }
0x41: {  	_ =	shalt  }
0x42: {  	_ =	shalt  }
0x43: {  	_ =	shalt  }
0x44: {  	_ =	shalt  }
0x45: {  	_ =	shalt  }
0x46: {  	_ =	shalt  }
0x47: {  	_ =	shalt  }
0x48: {  	_ =	shalt  }
0x49: {  	_ =	shalt  }
0x4a: {  	_ =	shalt  }
0x4b: {  	_ =	shalt  }
0x4c: {  	_ =	shalt  }
0x4d: {  	_ =	shalt  }
0x4e: {  	_ =	shalt  }
0x4f: {  	_ =	shalt  }
0x50: {  	_ =	shalt  }
0x51: {  	_ =	shalt  }
0x52: {  	_ =	shalt  }
0x53: {  	_ =	shalt  }
0x54: {  	_ =	shalt  }
0x55: {  	_ =	shalt  }
0x56: {  	_ =	shalt  }
0x57: {  	_ =	shalt  }
0x58: {  	_ =	shalt  }
0x59: {  	_ =	shalt  }
0x5a: {  	_ =	shalt  }
0x5b: {  	_ =	shalt  }
0x5c: {  	_ =	shalt  }
0x5d: {  	_ =	shalt  }
0x5e: {  	_ =	shalt  }
0x5f: {  	_ =	shalt  }
0x60: {  	_ =	shalt  }
0x61: {  	_ =	shalt  }
0x62: {  	_ =	shalt  }
0x63: {  	_ =	shalt  }
0x64: {  	_ =	shalt  }
0x65: {  	_ =	shalt  }
0x66: {  	_ =	shalt  }
0x67: {  	_ =	shalt  }
0x68: {  	_ =	shalt  }
0x69: {  	_ =	shalt  }
0x6a: {  	_ =	shalt  }
0x6b: {  	_ =	shalt  }
0x6c: {  	_ =	shalt  }
0x6d: {  	_ =	shalt  }
0x6e: {  	_ =	shalt  }
0x6f: {  	_ =	shalt  }
0x70: {  	_ =	shalt  }
0x71: {  	_ =	shalt  }
0x72: {  	_ =	shalt  }
0x73: {  	_ =	shalt  }
0x74: {  	_ =	shalt  }
0x75: {  	_ =	shalt  }
0x76: {  	_ =	shalt  }
0x77: {  	_ =	shalt  }
0x78: {  	_ =	shalt  }
0x79: {  	_ =	shalt  }
0x7a: {  	_ =	shalt  }
0x7b: {  	_ =	shalt  }
0x7c: {  	_ =	shalt  }
0x7d: {  	_ =	shalt  }
0x7e: {  	_ =	shalt  }
0x7f: {  	_ =	shalt  }
0x80: {  	_ =	shalt  }
0x81: {  	_ =	shalt  }
0x82: {  	_ =	shalt  }
0x83: {  	_ =	shalt  }
0x84: {  	_ =	shalt  }
0x85: {  	_ =	shalt  }
0x86: {  	_ =	shalt  }
0x87: {  	_ =	shalt  }
.Lfunc_end0:
.L_simem_size_0:
called_computation.2_lowered:
.L_overlay_start_0:
0x88: {  	s2 =	sld [smem:$0x3FD9]  }
0x89: {  	s3 =	sld [smem:$0x3FFE];
	_ =	sdelay $0x1  }
0x8a: {  	s1 =	srdreg.scid  }
0x8b: {  	s0 =	sand.u32 $0x1, s1  }
0x8c: {  	s17 =	sshll.u32 s0, $0xA;
	s2 =	sadd.s32 s3, s2  }
0x8d: {  	s2 =	sadd.s32 s2, s17  }
0x8e: {  	[smem:$0x3FBD] =	sst s2  }
0x8f: {  	_ = 	snop  }
0x90: {  	(tm) =	ssettm $0x1  }
0x91: {  	s18 =	sld [smem:$0x3FFB];
	_ =	sdelay $0x3  }
0x92: {  	_ =	strace s18  }
0x93: {  	s2 =	sld [smem:$0x3FFC];
	_ =	sdelay $0x3  }
0x94: {  	_ =	strace s2  }
0x95: {  	s2 =	sld [smem:$0x3FFD];
	_ =	sdelay $0x3  }
0x96: {  	_ =	strace s2  }
0x97: {  	_ =	strace $0x8FFFFFFF  }
0x98: {  	s19 =	sld [smem:$0x3FDB];
	_ =	sdelay $0x1  }
0x99: {  	s20 =	simm.s32 $_scs_section_size  }
0x9a: {  	s4 =	simm.s32 $_size__tile_overlayer_lowered;
	s5 =	simm.s32 $_tile_overlayer_lowered  }
0x9b: {  	s6 =	simm.s32 $0x1BFF;
	s21 =	sshll.u32 s5, $0x1;
	s3 =	sadd.s32 s20, s19  }
0x9c: {  	s22 =	simm.s32 $0x0;
	s4 =	sshll.u32 s4, $0x1;
	s5 =	sadd.s32 s21, s3  }
0x9d: {  	[timem:s22], [sflag:s6] =	dma.local [hbm:s5], s4  }
0x9e: {  	_ =	swait.ge [sflag:s6], s4  }
0x9f: {  	s4 =	ssub.s32 $0x0, s4;
	[sflag:s6] =	ssyncset.done $0x0  }
0xa0: {  	[sflag:s6] =	ssyncadd.s32 s4;
	_ =	sdelay $0x1  }
0xa1: {  	s23 =	simm.s32 $0x1B8B  }
0xa2: {  	_ =	swait.ge [sflag:s23], $0x1  }
0xa3: {  	[sflag:s23] =	ssyncset.done $0x0  }
0xa4: {  	[sflag:s23] =	ssyncadd.s32 $0xFFFFFFFF  }
0xa5: {  	s4 =	sld [smem:$0x0]  }
0xa6: {  	s5 =	sand.u32 $0xFFFFFFFE, s1  }
0xa7: {  	p0 =	sne.s32 s1, s5  }
0xa8: {  	s5 =	sshll.u32 @p0 s5, $0xE  }
0xa9: {  	s5 =	sadd.s32 @p0 $0x11B8D, s5;
	s6 =	sshll.u32 @p0 s4, $0x11  }
0xaa: {  	s5 =	sor.u32 @p0 s6, s5  }
0xab: {  	[sflag:s5] =	ssyncadd.remote.s32 @p0 $0x1;
	_ =	sdelay $0x1  }
0xac: {  	s5 =	simm.s32 @p0 $0x1B8D  }
0xad: {  	_ =	swait.eq @p0 [sflag:s5], $0x1  }
0xae: {  	[sflag:s5] =	ssyncadd.s32 @p0 $0xFFFFFFFF  }
0xaf: {  	s6 =	sshll.u32 @!p0 s1, $0xE  }
0xb0: {  	s6 =	sor.u32 @!p0 $0x4000, s6;
	s5 =	simm.s32 @!p0 $0x1B8D  }
0xb1: {  	s4 =	sshll.u32 @!p0 s4, $0x11;
	s6 =	sadd.s32 @!p0 $0x11B8D, s6;
	_ =	swait.eq @!p0 [sflag:s5], $0x1  }
0xb2: {  	s4 =	sor.u32 @!p0 s4, s6;
	[sflag:s5] =	ssyncadd.s32 @!p0 $0xFFFFFFFF  }
0xb3: {  	s25 =	simm.s32 $0x1B8E;
	s24 =	sld [smem:$0x3FFE];
	[sflag:s4] =	ssyncadd.remote.s32 @!p0 $0x1  }
0xb4: {  	s26 =	simm.s32 $execute0_lowered;
	[smem:$0x3FD2] =	sst s25  }
0xb5: {  	s5 =	sshll.u32 s26, $0x1;
	_ =	strace $0x8000004C;
	[dreg:$0x1] =	wrdreg $0xFFFFFFFF  }
0xb6: {  	s28 =	simm.s32 $_size_execute0_lowered;
	s3 =	sadd.s32 s3, s5;
	[dreg:$0x0] =	wrdreg $0x0  }
0xb7: {  	s5 =	sshll.u32 s28, $0x1;
	[dreg:$0x2] =	wrdreg s3  }
0xb8: {  	[dreg:$0x3] =	wrdreg s5  }
0xb9: {  	[dreg:$0x4] =	wrdreg $0xC0  }
0xba: {  	_ =	task [dreg:s22], $0x5FFFF  }
0xbb: {  	[dreg:$0x1] =	wrdreg $0xFFFFFFFF  }
0xbc: {  	[dreg:$0x0] =	wrdreg $0x60  }
0xbd: {  	[dreg:$0x2] =	wrdreg s24  }
0xbe: {  	[dreg:$0x3] =	wrdreg $0x148200  }
0xbf: {  	[dreg:$0x4] =	wrdreg $0x197200  }
0xc0: {  	[dreg:$0x5] =	wrdreg $0xA  }
0xc1: {  	_ =	task.clear_ibuf [dreg:s22], $0x6FFFF;
	_ =	strace $0x9000004C  }
0xc2: {  	s29 =	simm.s32 $0xA;
	_ =	strace $0x8000004E  }
0xc3: {  	_ =	swait.ge [sflag:s29], $0x1  }
0xc4: {  	[sflag:s29] =	ssyncadd.s32 $0xFFFFFFFF  }
0xc5: {  	_ =	strace $0x9000004E  }
0xc6: {  	_ =	sfence  }
0xc7: {  	s30 =	sld [smem:$0x0];
	_ =	sdelay $0x2  }
0xc8: {  	s31 =	sshll.u32 s1, $0xD;
	s1 =	sshrl.u32 s1, $0x2  }
0xc9: {  	s4 =	sand.u32 $0x4000, s31;
	s1 =	sadd.s32 s1, s30  }
0xca: {  	s0 =	sor.u32 s4, s0;
	s1 =	sshll.u32 s1, $0x11  }
0xcb: {  	s0 =	sor.u32 s1, s0  }
0xcc: {  	s0 =	sadd.s32 $0x8F2B, s0  }
0xcd: {  	[sflag:s0] =	ssyncadd.remote.s32 $0x1  }
0xce: {  	_ =	sfence.sel $0xFFFF  }
0xcf: {  	[dreg:$0x0] =	wrdreg $0xFFFFFFFF;
	(pc) =	sbr.abs _section_cstart, $3  }
0xd0: {  	[dreg:$0x1] =	wrdreg $0xFFFFFFFF  }
0xd1: {  	_ =	task.clear_ibuf [dreg:s22], $0x2FFFF;
	_ =	strace $0x9FFFFFFF  }
0xd2: {  	(tm) =	ssettm $0x7FFFFFFF  }
0xd3: {  	_ =	shalt  }
tec
execute0_lowered:
.L_overlay_start_1:
0x0: {  	(tag) =	ssettag $0x1  }
0x1: {  	s0 =	srdreg.scid;
	s5 =	rddreg [dreg:$0x0]  }
0x2: {  	s2 =	rddreg [dreg:$0x1];
	s16 =	stileid.u32  }
0x3: {  	s3 =	rddreg [dreg:$0x2];
	s1 =	sand.u32 $0x1, s0;
	s6 =	smul.u32 $0x4E20, s16  }
0x4: {  	s8 =	smul.u32 $0x4F00, s16;
	s11 =	sadd.s32 $0x79400, s5;
	s4 =	sshll.u32 s1, $0x4  }
0x5: {  	s18 =	sshll.u32 s16, $0x6;
	s10 =	smul.u32 $0x4F000, s1;
	s7 =	sor.u32 s16, s4  }
0x6: {  	s4 =	simm.s32 $0x0;
	s9 =	sshrl.u32 s6, $0x3;
	s6 =	sadd.s32 s6, s3  }
0x7: {  	s7 =	smul.u32 $0x4E2, s7;
	[smem:$0x7FF] =	sst s4;
	s9 =	sadd.s32 s9, s5  }
0x8: {  	s21 =	sshrl.u32 s6, $0x3;
	_ =	strace $0x8000004D;
	[dreg:$0x4] =	wrdreg s11  }
0x9: {  	s10 =	sadd.s32 s8, s10;
	s9 =	sadd.s32 $0x8DA00, s9;
	[dreg:$0x9] =	wrdreg s21  }
0xa: {  	s8 =	sadd.s32 s8, s2;
	s7 =	sadd.s32 s7, s5;
	[dreg:$0x5] =	wrdreg s9  }
0xb: {  	s10 =	sshrl.u32 s10, $0x3;
	s20 =	rddreg [dreg:$0x4];
	s17 =	sadd.s32 $0x17400, s7  }
0xc: {  	s5 =	sadd.s32 s10, s5;
	s7 =	sadd.s32 $0x21200, s7;
	[dreg:$0x6] =	wrdreg s17  }
0xd: {  	s6 =	simm.s32 $0x3;
	s19 =	sadd.s32 $0x97800, s5;
	[dreg:$0x7] =	wrdreg s7  }
0xe: {  	s5 =	sor.u32 $0x1C03, s18;
	[dreg:$0x8] =	wrdreg s19;
	s7 =	sshrl.u32 s8, $0x3  }
0xf: {  	[spmem:s7], [sflag:s5] =	dma.local [hbm:s20], $0x9E0  }
0x10: {  	_ =	swait.ge [sflag:s6], $0x9E0  }
0x11: {  	s22 =	rddreg [dreg:$0x9];
	[sflag:s6] =	ssyncset.done $0x0  }
0x12: {  	s23 =	rddreg [dreg:$0x5];
	[sflag:s6] =	ssyncadd.s32 $0xFFFFF620  }
0x13: {  	[spmem:s22], [sflag:s5] =	dma.local [hbm:s23], $0x9C4  }
0x14: {  	_ =	swait.ge [sflag:s6], $0x9C4  }
0x15: {  	[sflag:s6] =	ssyncset.done $0x0  }
0x16: {  	s24 =	rddreg [dreg:$0x6];
	[sflag:s6] =	ssyncadd.s32 $0xFFFFF63C  }
0x17: {  	[tilespmem:s4], [sflag:$0x3] =	stream.linear.gather [hbm4b:s24+s4], $0x2710, $0x38;
	[tilespmem:$0x1E540] =	vst v63  }
0x18: {  	_ =	swait.ge [sflag:s6], $0x2710  }
0x19: {  	[sflag:s6] =	ssyncset.done $0x0  }
0x1a: {  	s8 =	simm.s32 $0x2710;
	s25 =	rddreg [dreg:$0x7];
	[sflag:s6] =	ssyncadd.s32 $0xFFFFD8F0  }
0x1b: {  	[tilespmem:s8], [sflag:$0x3] =	stream.linear.gather [hbm4b:s25+s4], $0x2710, $0x38;
	[tilespmem:$0x1E540] =	vst v63  }
0x1c: {  	_ =	swait.ge [sflag:s6], $0x2710  }
0x1d: {  	[sflag:s6] =	ssyncset.done $0x0  }
0x1e: {  	[sflag:s6] =	ssyncadd.s32 $0xFFFFD8F0  }
0x1f: {  	s9 =	simm.s32 $0x3E8;
	s10 =	simm.s32 $0x4E20;
	[bflag:$0x0] =	sbarrier.arrive $0xFFFF  }
0x20: {  	[tilespmem:s10], [sflag:$0x1] =	stream.indirect.gather [spmem:s3], $0x20, s4, s9, $0xb8;
	[tilespmem:$0x1E540] =	vst v63  }
0x21: {  	s12 =	simm.s32 $0x1;
	s11 =	simm.s32 $0xCB20  }
0x22: {  	[tilespmem:s11], [sflag:$0x2] =	stream.indirect.gather [spmem:s3], $0x20, s9, s9, $0xb8;
	[tilespmem:$0x1E540] =	vst v63  }
0x23: {  	_ =	swait.ge [sflag:s12], $0x7D00  }
0x24: {  	[sflag:s12] =	ssyncset.done $0x0  }
0x25: {  	[sflag:s12] =	ssyncadd.s32 $0xFFFF8300  }
0x26: {  	[spmem:s2] =	stream.indirect.scatter.add.f32 [tilespmem:s10], [sflag:$0x3], $0x20, s8, s9, $0xb8;
	[tilespmem:$0x1E540] =	vst v63  }
0x27: {  	_ =	swait.ge [sflag:s6], $0x7D00  }
0x28: {  	[sflag:s6] =	ssyncset.done $0x0  }
0x29: {  	s26 =	simm.s32 $0x7D0;
	s14 =	simm.s32 $0x2;
	[sflag:s6] =	ssyncadd.s32 $0xFFFF8300  }
0x2a: {  	[tilespmem:s10], [sflag:$0x1] =	stream.indirect.gather [spmem:s3], $0x20, s26, s9, $0xb8;
	[tilespmem:$0x1E540] =	vst v63  }
0x2b: {  	_ =	swait.ge [sflag:s14], $0x7D00  }
0x2c: {  	[sflag:s14] =	ssyncset.done $0x0  }
0x2d: {  	s15 =	simm.s32 $0x2AF8;
	[sflag:s14] =	ssyncadd.s32 $0xFFFF8300  }
0x2e: {  	[spmem:s2] =	stream.indirect.scatter.add.f32 [tilespmem:s11], [sflag:$0x3], $0x20, s15, s9, $0xb8;
	[tilespmem:$0x1E540] =	vst v63  }
0x2f: {  	_ =	swait.ge [sflag:s6], $0x7D00  }
0x30: {  	[sflag:s6] =	ssyncset.done $0x0  }
0x31: {  	s16 =	simm.s32 $0xBB8;
	[sflag:s6] =	ssyncadd.s32 $0xFFFF8300  }
0x32: {  	[tilespmem:s11], [sflag:$0x2] =	stream.indirect.gather [spmem:s3], $0x20, s16, s9, $0xb8;
	[tilespmem:$0x1E540] =	vst v63  }
0x33: {  	_ =	swait.ge [sflag:s12], $0x7D00  }
0x34: {  	[sflag:s12] =	ssyncset.done $0x0  }
0x35: {  	s17 =	simm.s32 $0x2EE0;
	[sflag:s12] =	ssyncadd.s32 $0xFFFF8300  }
0x36: {  	[spmem:s2] =	stream.indirect.scatter.add.f32 [tilespmem:s10], [sflag:$0x3], $0x20, s17, s9, $0xb8;
	[tilespmem:$0x1E540] =	vst v63  }
0x37: {  	_ =	swait.ge [sflag:s6], $0x7D00  }
0x38: {  	[sflag:s6] =	ssyncset.done $0x0  }
0x39: {  	s18 =	simm.s32 $0xFA0;
	[sflag:s6] =	ssyncadd.s32 $0xFFFF8300  }
0x3a: {  	[tilespmem:s10], [sflag:$0x1] =	stream.indirect.gather [spmem:s3], $0x20, s18, s9, $0xb8;
	[tilespmem:$0x1E540] =	vst v63  }
0x3b: {  	_ =	swait.ge [sflag:s14], $0x7D00  }
0x3c: {  	[sflag:s14] =	ssyncset.done $0x0  }
0x3d: {  	s19 =	simm.s32 $0x32C8;
	[sflag:s14] =	ssyncadd.s32 $0xFFFF8300  }
0x3e: {  	[spmem:s2] =	stream.indirect.scatter.add.f32 [tilespmem:s11], [sflag:$0x3], $0x20, s19, s9, $0xb8;
	[tilespmem:$0x1E540] =	vst v63  }
0x3f: {  	_ =	swait.ge [sflag:s6], $0x7D00  }
0x40: {  	[sflag:s6] =	ssyncset.done $0x0  }
0x41: {  	s20 =	simm.s32 $0x1388;
	[sflag:s6] =	ssyncadd.s32 $0xFFFF8300  }
0x42: {  	[tilespmem:s11], [sflag:$0x2] =	stream.indirect.gather [spmem:s3], $0x20, s20, s9, $0xb8;
	[tilespmem:$0x1E540] =	vst v63  }
0x43: {  	_ =	swait.ge [sflag:s12], $0x7D00  }
0x44: {  	[sflag:s12] =	ssyncset.done $0x0  }
0x45: {  	s21 =	simm.s32 $0x36B0;
	[sflag:s12] =	ssyncadd.s32 $0xFFFF8300  }
0x46: {  	[spmem:s2] =	stream.indirect.scatter.add.f32 [tilespmem:s10], [sflag:$0x3], $0x20, s21, s9, $0xb8;
	[tilespmem:$0x1E540] =	vst v63  }
0x47: {  	_ =	swait.ge [sflag:s6], $0x7D00  }
0x48: {  	[sflag:s6] =	ssyncset.done $0x0  }
0x49: {  	s22 =	simm.s32 $0x1770;
	[sflag:s6] =	ssyncadd.s32 $0xFFFF8300  }
0x4a: {  	[tilespmem:s10], [sflag:$0x1] =	stream.indirect.gather [spmem:s3], $0x20, s22, s9, $0xb8;
	[tilespmem:$0x1E540] =	vst v63  }
0x4b: {  	_ =	swait.ge [sflag:s14], $0x7D00  }
0x4c: {  	[sflag:s14] =	ssyncset.done $0x0  }
0x4d: {  	s23 =	simm.s32 $0x3A98;
	[sflag:s14] =	ssyncadd.s32 $0xFFFF8300  }
0x4e: {  	[spmem:s2] =	stream.indirect.scatter.add.f32 [tilespmem:s11], [sflag:$0x3], $0x20, s23, s9, $0xb8;
	[tilespmem:$0x1E540] =	vst v63  }
0x4f: {  	_ =	swait.ge [sflag:s6], $0x7D00  }
0x50: {  	[sflag:s6] =	ssyncset.done $0x0  }
0x51: {  	s24 =	simm.s32 $0x1B58;
	[sflag:s6] =	ssyncadd.s32 $0xFFFF8300  }
0x52: {  	[tilespmem:s11], [sflag:$0x2] =	stream.indirect.gather [spmem:s3], $0x20, s24, s9, $0xb8;
	[tilespmem:$0x1E540] =	vst v63  }
0x53: {  	_ =	swait.ge [sflag:s12], $0x7D00  }
0x54: {  	[sflag:s12] =	ssyncset.done $0x0  }
0x55: {  	s25 =	simm.s32 $0x3E80;
	[sflag:s12] =	ssyncadd.s32 $0xFFFF8300  }
0x56: {  	[spmem:s2] =	stream.indirect.scatter.add.f32 [tilespmem:s10], [sflag:$0x3], $0x20, s25, s9, $0xb8;
	[tilespmem:$0x1E540] =	vst v63  }
0x57: {  	_ =	swait.ge [sflag:s6], $0x7D00  }
0x58: {  	[sflag:s6] =	ssyncset.done $0x0  }
0x59: {  	s26 =	simm.s32 $0x1F40;
	[sflag:s6] =	ssyncadd.s32 $0xFFFF8300  }
0x5a: {  	[tilespmem:s10], [sflag:$0x1] =	stream.indirect.gather [spmem:s3], $0x20, s26, s9, $0xb8;
	[tilespmem:$0x1E540] =	vst v63  }
0x5b: {  	_ =	swait.ge [sflag:s14], $0x7D00  }
0x5c: {  	[sflag:s14] =	ssyncset.done $0x0  }
0x5d: {  	s28 =	simm.s32 $0x4268;
	[sflag:s14] =	ssyncadd.s32 $0xFFFF8300  }
0x5e: {  	[spmem:s2] =	stream.indirect.scatter.add.f32 [tilespmem:s11], [sflag:$0x3], $0x20, s28, s9, $0xb8;
	[tilespmem:$0x1E540] =	vst v63  }
0x5f: {  	_ =	swait.ge [sflag:s6], $0x7D00  }
0x60: {  	[sflag:s6] =	ssyncset.done $0x0  }
0x61: {  	s29 =	simm.s32 $0x2328;
	[sflag:s6] =	ssyncadd.s32 $0xFFFF8300  }
0x62: {  	[tilespmem:s11], [sflag:$0x2] =	stream.indirect.gather [spmem:s3], $0x20, s29, s9, $0xb8;
	[tilespmem:$0x1E540] =	vst v63  }
0x63: {  	_ =	swait.ge [sflag:s12], $0x7D00  }
0x64: {  	[sflag:s12] =	ssyncset.done $0x0  }
0x65: {  	s30 =	simm.s32 $0x4650;
	[sflag:s12] =	ssyncadd.s32 $0xFFFF8300  }
0x66: {  	[spmem:s2] =	stream.indirect.scatter.add.f32 [tilespmem:s10], [sflag:$0x3], $0x20, s30, s9, $0xb8;
	[tilespmem:$0x1E540] =	vst v63  }
0x67: {  	_ =	swait.ge [sflag:s6], $0x7D00  }
0x68: {  	[sflag:s6] =	ssyncset.done $0x0  }
0x69: {  	[sflag:s6] =	ssyncadd.s32 $0xFFFF8300  }
0x6a: {  	[tilespmem:s10], [sflag:$0x1] =	stream.indirect.gather [spmem:s3], $0x20, s4, s9, $0xb8;
	[tilespmem:$0x1E540] =	vst v63  }
0x6b: {  	_ =	swait.ge [sflag:s14], $0x7D00  }
0x6c: {  	[sflag:s14] =	ssyncset.done $0x0  }
0x6d: {  	s31 =	simm.s32 $0x4A38;
	[sflag:s14] =	ssyncadd.s32 $0xFFFF8300  }
0x6e: {  	[spmem:s2] =	stream.indirect.scatter.add.f32 [tilespmem:s11], [sflag:$0x3], $0x20, s31, s9, $0xb8;
	[tilespmem:$0x1E540] =	vst v63  }
0x6f: {  	s1 =	ssub.s32 $0x2, s1;
	_ =	swait.ge [sflag:s6], $0x7D00  }
0x70: {  	s0 =	sshrl.u32 s1, $0x1;
	[sflag:s6] =	ssyncset.done $0x0  }
0x71: {  	s0 =	ssub.s32 s1, s0;
	[sflag:s6] =	ssyncadd.s32 $0xFFFF8300  }
0x72: {  	s0 =	smax.u32 s0, $0x1;
	_ =	swait.ge [sflag:s12], $0x7D00  }
0x73: {  	p0 =	sne.s32 s0, $0x1;
	[sflag:s12] =	ssyncset.done $0x0  }
.Ltmp0:
0x74: {  	[sflag:s12] =	ssyncadd.s32 $0xFFFF8300;
	(pc) =	sbr.rel @!p0 .LBB2_2-.Ltmp0, $4  }
0x75: {  	[bflag:$0x0] =	sbarrier.arrive $0xFFFF  }
0x76: {  	s13 =	rddreg [dreg:$0x8]  }
0x77: {  	[hbm:s13], [sflag:s5] =	dma.local [spmem:s7], $0x9E0  }
0x78: {  	s1 =	sadd.s32 $0xFFFFFFFF, s0;
	_ =	swait.ge [sflag:s6], $0x9E0  }
.LBB2_1:
0x79: {  	[sflag:s6] =	ssyncset.done $0x0  }
0x7a: {  	s0 =	rddreg [dreg:$0x4];
	[sflag:s6] =	ssyncadd.s32 $0xFFFFF620  }
0x7b: {  	[spmem:s7], [sflag:s5] =	dma.local [hbm:s0], $0x9E0  }
0x7c: {  	_ =	swait.ge [sflag:s6], $0x9E0  }
0x7d: {  	[sflag:s6] =	ssyncset.done $0x0;
	s0 =	rddreg [dreg:$0x9]  }
0x7e: {  	s13 =	rddreg [dreg:$0x5];
	[sflag:s6] =	ssyncadd.s32 $0xFFFFF620  }
0x7f: {  	[spmem:s0], [sflag:s5] =	dma.local [hbm:s13], $0x9C4  }
0x80: {  	_ =	swait.ge [sflag:s6], $0x9C4  }
0x81: {  	[sflag:s6] =	ssyncset.done $0x0  }
0x82: {  	s13 =	rddreg [dreg:$0x6];
	[sflag:s6] =	ssyncadd.s32 $0xFFFFF63C  }
0x83: {  	[tilespmem:s4], [sflag:$0x3] =	stream.linear.gather [hbm4b:s13+s4], $0x2710, $0x38;
	[tilespmem:$0x1E540] =	vst v63  }
0x84: {  	_ =	swait.ge [sflag:s6], $0x2710  }
0x85: {  	[sflag:s6] =	ssyncset.done $0x0  }
0x86: {  	s13 =	rddreg [dreg:$0x7];
	[sflag:s6] =	ssyncadd.s32 $0xFFFFD8F0  }
0x87: {  	[tilespmem:s8], [sflag:$0x3] =	stream.linear.gather [hbm4b:s13+s4], $0x2710, $0x38;
	[tilespmem:$0x1E540] =	vst v63  }
0x88: {  	_ =	swait.ge [sflag:s6], $0x2710  }
0x89: {  	[sflag:s6] =	ssyncset.done $0x0  }
0x8a: {  	[sflag:s6] =	ssyncadd.s32 $0xFFFFD8F0  }
0x8b: {  	[bflag:$0x0] =	sbarrier.arrive $0xFFFF  }
0x8c: {  	[tilespmem:s10], [sflag:$0x1] =	stream.indirect.gather [spmem:s3], $0x20, s4, s9, $0xb8;
	[tilespmem:$0x1E540] =	vst v63  }
0x8d: {  	_ = 	snop  }
0x8e: {  	[tilespmem:s11], [sflag:$0x2] =	stream.indirect.gather [spmem:s3], $0x20, s9, s9, $0xb8;
	[tilespmem:$0x1E540] =	vst v63  }
0x8f: {  	_ =	swait.ge [sflag:s12], $0x7D00  }
0x90: {  	[sflag:s12] =	ssyncset.done $0x0  }
0x91: {  	[sflag:s12] =	ssyncadd.s32 $0xFFFF8300  }
0x92: {  	[spmem:s2] =	stream.indirect.scatter.add.f32 [tilespmem:s10], [sflag:$0x3], $0x20, s8, s9, $0xb8;
	[tilespmem:$0x1E540] =	vst v63  }
0x93: {  	_ =	swait.ge [sflag:s6], $0x7D00  }
0x94: {  	[sflag:s6] =	ssyncset.done $0x0  }
0x95: {  	s13 =	simm.s32 $0x7D0;
	[sflag:s6] =	ssyncadd.s32 $0xFFFF8300  }
0x96: {  	[tilespmem:s10], [sflag:$0x1] =	stream.indirect.gather [spmem:s3], $0x20, s13, s9, $0xb8;
	[tilespmem:$0x1E540] =	vst v63  }
0x97: {  	_ =	swait.ge [sflag:s14], $0x7D00  }
0x98: {  	[sflag:s14] =	ssyncset.done $0x0  }
0x99: {  	[sflag:s14] =	ssyncadd.s32 $0xFFFF8300  }
0x9a: {  	[spmem:s2] =	stream.indirect.scatter.add.f32 [tilespmem:s11], [sflag:$0x3], $0x20, s15, s9, $0xb8;
	[tilespmem:$0x1E540] =	vst v63  }
0x9b: {  	_ =	swait.ge [sflag:s6], $0x7D00  }
0x9c: {  	[sflag:s6] =	ssyncset.done $0x0  }
0x9d: {  	[sflag:s6] =	ssyncadd.s32 $0xFFFF8300  }
0x9e: {  	[tilespmem:s11], [sflag:$0x2] =	stream.indirect.gather [spmem:s3], $0x20, s16, s9, $0xb8;
	[tilespmem:$0x1E540] =	vst v63  }
0x9f: {  	_ =	swait.ge [sflag:s12], $0x7D00  }
0xa0: {  	[sflag:s12] =	ssyncset.done $0x0  }
0xa1: {  	[sflag:s12] =	ssyncadd.s32 $0xFFFF8300  }
0xa2: {  	[spmem:s2] =	stream.indirect.scatter.add.f32 [tilespmem:s10], [sflag:$0x3], $0x20, s17, s9, $0xb8;
	[tilespmem:$0x1E540] =	vst v63  }
0xa3: {  	_ =	swait.ge [sflag:s6], $0x7D00  }
0xa4: {  	[sflag:s6] =	ssyncset.done $0x0  }
0xa5: {  	[sflag:s6] =	ssyncadd.s32 $0xFFFF8300  }
0xa6: {  	[tilespmem:s10], [sflag:$0x1] =	stream.indirect.gather [spmem:s3], $0x20, s18, s9, $0xb8;
	[tilespmem:$0x1E540] =	vst v63  }
0xa7: {  	_ =	swait.ge [sflag:s14], $0x7D00  }
0xa8: {  	[sflag:s14] =	ssyncset.done $0x0  }
0xa9: {  	[sflag:s14] =	ssyncadd.s32 $0xFFFF8300  }
0xaa: {  	[spmem:s2] =	stream.indirect.scatter.add.f32 [tilespmem:s11], [sflag:$0x3], $0x20, s19, s9, $0xb8;
	[tilespmem:$0x1E540] =	vst v63  }
0xab: {  	_ =	swait.ge [sflag:s6], $0x7D00  }
0xac: {  	[sflag:s6] =	ssyncset.done $0x0  }
0xad: {  	[sflag:s6] =	ssyncadd.s32 $0xFFFF8300  }
0xae: {  	[tilespmem:s11], [sflag:$0x2] =	stream.indirect.gather [spmem:s3], $0x20, s20, s9, $0xb8;
	[tilespmem:$0x1E540] =	vst v63  }
0xaf: {  	_ =	swait.ge [sflag:s12], $0x7D00  }
0xb0: {  	[sflag:s12] =	ssyncset.done $0x0  }
0xb1: {  	[sflag:s12] =	ssyncadd.s32 $0xFFFF8300  }
0xb2: {  	[spmem:s2] =	stream.indirect.scatter.add.f32 [tilespmem:s10], [sflag:$0x3], $0x20, s21, s9, $0xb8;
	[tilespmem:$0x1E540] =	vst v63  }
0xb3: {  	_ =	swait.ge [sflag:s6], $0x7D00  }
0xb4: {  	[sflag:s6] =	ssyncset.done $0x0  }
0xb5: {  	[sflag:s6] =	ssyncadd.s32 $0xFFFF8300  }
0xb6: {  	[tilespmem:s10], [sflag:$0x1] =	stream.indirect.gather [spmem:s3], $0x20, s22, s9, $0xb8;
	[tilespmem:$0x1E540] =	vst v63  }
0xb7: {  	_ =	swait.ge [sflag:s14], $0x7D00  }
0xb8: {  	[sflag:s14] =	ssyncset.done $0x0  }
0xb9: {  	[sflag:s14] =	ssyncadd.s32 $0xFFFF8300  }
0xba: {  	[spmem:s2] =	stream.indirect.scatter.add.f32 [tilespmem:s11], [sflag:$0x3], $0x20, s23, s9, $0xb8;
	[tilespmem:$0x1E540] =	vst v63  }
0xbb: {  	_ =	swait.ge [sflag:s6], $0x7D00  }
0xbc: {  	[sflag:s6] =	ssyncset.done $0x0  }
0xbd: {  	[sflag:s6] =	ssyncadd.s32 $0xFFFF8300  }
0xbe: {  	[tilespmem:s11], [sflag:$0x2] =	stream.indirect.gather [spmem:s3], $0x20, s24, s9, $0xb8;
	[tilespmem:$0x1E540] =	vst v63  }
0xbf: {  	_ =	swait.ge [sflag:s12], $0x7D00  }
0xc0: {  	[sflag:s12] =	ssyncset.done $0x0  }
0xc1: {  	[sflag:s12] =	ssyncadd.s32 $0xFFFF8300  }
0xc2: {  	[spmem:s2] =	stream.indirect.scatter.add.f32 [tilespmem:s10], [sflag:$0x3], $0x20, s25, s9, $0xb8;
	[tilespmem:$0x1E540] =	vst v63  }
0xc3: {  	_ =	swait.ge [sflag:s6], $0x7D00  }
0xc4: {  	[sflag:s6] =	ssyncset.done $0x0  }
0xc5: {  	[sflag:s6] =	ssyncadd.s32 $0xFFFF8300  }
0xc6: {  	[tilespmem:s10], [sflag:$0x1] =	stream.indirect.gather [spmem:s3], $0x20, s26, s9, $0xb8;
	[tilespmem:$0x1E540] =	vst v63  }
0xc7: {  	_ =	swait.ge [sflag:s14], $0x7D00  }
0xc8: {  	[sflag:s14] =	ssyncset.done $0x0  }
0xc9: {  	[sflag:s14] =	ssyncadd.s32 $0xFFFF8300  }
0xca: {  	[spmem:s2] =	stream.indirect.scatter.add.f32 [tilespmem:s11], [sflag:$0x3], $0x20, s28, s9, $0xb8;
	[tilespmem:$0x1E540] =	vst v63  }
0xcb: {  	_ =	swait.ge [sflag:s6], $0x7D00  }
0xcc: {  	[sflag:s6] =	ssyncset.done $0x0  }
0xcd: {  	[sflag:s6] =	ssyncadd.s32 $0xFFFF8300  }
0xce: {  	[tilespmem:s11], [sflag:$0x2] =	stream.indirect.gather [spmem:s3], $0x20, s29, s9, $0xb8;
	[tilespmem:$0x1E540] =	vst v63  }
0xcf: {  	_ =	swait.ge [sflag:s12], $0x7D00  }
0xd0: {  	[sflag:s12] =	ssyncset.done $0x0  }
0xd1: {  	[sflag:s12] =	ssyncadd.s32 $0xFFFF8300  }
0xd2: {  	[spmem:s2] =	stream.indirect.scatter.add.f32 [tilespmem:s10], [sflag:$0x3], $0x20, s30, s9, $0xb8;
	[tilespmem:$0x1E540] =	vst v63  }
0xd3: {  	_ =	swait.ge [sflag:s6], $0x7D00  }
0xd4: {  	[sflag:s6] =	ssyncset.done $0x0  }
0xd5: {  	[sflag:s6] =	ssyncadd.s32 $0xFFFF8300  }
0xd6: {  	[tilespmem:s10], [sflag:$0x1] =	stream.indirect.gather [spmem:s3], $0x20, s4, s9, $0xb8;
	[tilespmem:$0x1E540] =	vst v63  }
0xd7: {  	_ =	swait.ge [sflag:s14], $0x7D00  }
0xd8: {  	[sflag:s14] =	ssyncset.done $0x0  }
0xd9: {  	[sflag:s14] =	ssyncadd.s32 $0xFFFF8300  }
0xda: {  	[spmem:s2] =	stream.indirect.scatter.add.f32 [tilespmem:s11], [sflag:$0x3], $0x20, s31, s9, $0xb8;
	[tilespmem:$0x1E540] =	vst v63  }
0xdb: {  	_ =	swait.ge [sflag:s6], $0x7D00  }
0xdc: {  	[sflag:s6] =	ssyncset.done $0x0  }
0xdd: {  	[sflag:s6] =	ssyncadd.s32 $0xFFFF8300  }
0xde: {  	_ =	swait.ge [sflag:s12], $0x7D00  }
0xdf: {  	p0 =	sne.s32 s1, $0x1;
	[sflag:s12] =	ssyncset.done $0x0  }
.Ltmp1:
0xe0: {  	[sflag:s12] =	ssyncadd.s32 $0xFFFF8300;
	(pc) =	sbr.rel @p0 .LBB2_1-.Ltmp1, $4  }
0xe1: {  	[bflag:$0x0] =	sbarrier.arrive $0xFFFF  }
0xe2: {  	s13 =	rddreg [dreg:$0x8]  }
0xe3: {  	[hbm:s13], [sflag:s5] =	dma.local [spmem:s7], $0x9E0  }
0xe4: {  	s1 =	sadd.s32 $0xFFFFFFFF, s1;
	_ =	swait.ge [sflag:s6], $0x9E0  }
.LBB2_2:
0xe5: {  	[sflag:s6] =	ssyncset.done $0x0  }
0xe6: {  	[sflag:s6] =	ssyncadd.s32 $0xFFFFF620  }
0xe7: {  	_ =	sfence.sel $0x180000  }
0xe8: {  	[bflag:$0x0] =	sbarrier.arrive $0xFFFF  }
0xe9: {  	_ =	strace $0x9000004D  }
0xea: {  	s0 =	stileid.u32;
	[bflag:$0x2] =	sbarrier.arrive $0xFFFF  }
0xeb: {  	p0 =	sne.s32 s0, $0x0;
	s0 =	rddreg [dreg:$0x3]  }
0xec: {  	s0 =	sadd.s32 @!p0 $0x100000, s0  }
0xed: {  	[sflag:s0] =	ssyncadd.tile.s32 @!p0 $0x1;
	_ =	shalt  }
.Lfunc_end2:
_tile_overlayer_lowered:
.L_overlay_start_2:
0xee: {  	(tag) =	ssettag $0x2  }
0xef: {  	s0 =	rddreg [dreg:$0x0];
	s2 =	stileid.u32  }
0xf0: {  	s1 =	rddreg [dreg:$0x1];
	p0 =	sne.s32 s2, $0x0  }
0xf1: {  	s3 =	rddreg [dreg:$0x2];
	[bflag:$0x3] =	sbarrier.arrive $0xFFFF;
	s2 =	simm.s32 @!p0 $0x1C03  }
0xf2: {  	[timem:s3], [sflag:s2] =	dma.local @!p0 [hbm:s0], s1  }
0xf3: {  	s0 =	simm.s32 @!p0 $0x3  }
0xf4: {  	_ =	swait.ge @!p0 [sflag:s0], s1  }
0xf5: {  	s1 =	ssub.s32 @!p0 $0x0, s1;
	[sflag:s0] =	ssyncset.done @!p0 $0x0  }
0xf6: {  	[sflag:s0] =	ssyncadd.s32 @!p0 s1  }
0xf7: {  	[bflag:$0x3] =	sbarrier.arrive $0xFFFF  }
0xf8: {  	_ =	shalt  }

// kernel: kernel.19.cloned.1.call-start
scs
__scs_entry_jumppad:
0x0: {  	(pc) =	sbr.rel $0x88, $3  }
0x1: {  	(tag) =	ssettag $0x0;
	lr =	simm.s32 $0x1  }
0x2: {  	[smem:$0x3F96] =	sst lr;
	_ =	strace $0xD0000000  }
0x3: {  	_ = 	snop  }
0x4: {  	_ = 	snop  }
0x5: {  	_ = 	snop  }
0x6: {  	_ = 	snop  }
0x7: {  	_ = 	snop  }
__scs_overlays_trampoline_lowered:
0x8: {  	[smem:$0x3FA5] =	sst s0  }
0x9: {  	[smem:$0x3FA6] =	sst s1  }
0xa: {  	[smem:$0x3FA7] =	sst s2  }
0xb: {  	[smem:$0x3FA8] =	sst s3  }
0xc: {  	[smem:$0x3FA9] =	sst s4  }
0xd: {  	[smem:$0x3FAA] =	sst s5  }
0xe: {  	[smem:$0x3FAB] =	sst s6  }
0xf: {  	[smem:$0x3FAC] =	sst s7  }
0x10: {  	[smem:$0x3FAD] =	sst s8  }
0x11: {  	[smem:$0x3FAE] =	sst s9;
	s0 =	simm.s32 @!p0 $0x0  }
0x12: {  	s1 =	sld [smem:$0x3F94];
	s0 =	simm.s32 @p0 $0x1  }
0x13: {  	[smem:$0x3FAF] =	sst s0;
	s0 =	simm.s32 @!p1 $0x0  }
0x14: {  	s2 =	sld [smem:$0x3F93];
	s0 =	simm.s32 @p1 $0x1  }
0x15: {  	[smem:$0x3FB0] =	sst s0;
	s0 =	simm.s32 @!p2 $0x0  }
0x16: {  	s3 =	sld [smem:$0x3FDB];
	s0 =	simm.s32 @p2 $0x1  }
0x17: {  	s4 =	simm.s32 $0x1BF5;
	[smem:$0x3FB2] =	sst s0  }
0x18: {  	s0 =	sld [smem:$0x3F95];
	_ =	swait.ge [sflag:s4], $0x0  }
0x19: {  	s7 =	sld [smem:$0x3F96]  }
0x1a: {  	s8 =	sadd.s32 $0xFFFFE003, lr  }
0x1b: {  	s9 =	sadd.s32 $0xFFFFFEF7, lr;
	s5 =	simm.s32 $0xFFFFFFFF;
	p2 =	slt.u32 s8, $0xFFFFF086  }
0x1c: {  	p1 =	slt.u32 s9, $0xF7A;
	s5 =	simm.s32 @!p2 $0x0  }
0x1d: {  	s5 =	simm.s32 @p1 $0x1;
	p0 =	seq.s32 s7, s2  }
0x1e: {  	s7 =	smul.u32 @!p0 $0xF7A, s2;
	p2 =	seq.s32 @!p0 s5, $0x0  }
0x1f: {  	s9 =	smul.u32 $0xF7A, s1;
	s8 =	simm.s32 @!p0 $0x1BF5;
	p2 =	por !p2, p0  }
0x20: {  	[sflag:s8] =	ssyncset.s32 @!p0 $0xFFFFF086;
	s6 =	sadd.s32 @!p0 s3, s7;
	s7 =	simm.s32 @!p0 $0x108  }
0x21: {  	s3 =	sadd.s32 s3, s9;
	s6 =	sadd.s32 @!p0 $0x88, s6;
	s7 =	simm.s32 @p2 $0x1082  }
0x22: {  	[simem:s7], [sflag:s8] =	dma.local @!p0 [hbm:s6], $0xF7A  }
0x23: {  	s9 =	sor.u32 $0xD0000000, s2;
	s6 =	simm.s32 $0x108;
	_ =	swait.ge @!p0 [sflag:s8], $0x0  }
0x24: {  	s3 =	sadd.s32 $0x88, s3;
	s6 =	simm.s32 @!p1 $0x1082;
	[sflag:s4] =	ssyncset.s32 $0xFFFFF086  }
0x25: {  	[simem:s6], [sflag:s4] =	dma.local [hbm:s3], $0xF7A  }
0x26: {  	[smem:$0x3F96] =	sst s1;
	(tag) =	ssettag s2;
	_ =	strace s9  }
0x27: {  	s1 =	sld [smem:$0x3FA6]  }
0x28: {  	s2 =	sld [smem:$0x3FA7]  }
0x29: {  	s4 =	sld [smem:$0x3FA9]  }
0x2a: {  	p0 =	seq.s32 s5, $0x0;
	s5 =	sld [smem:$0x3FAA]  }
0x2b: {  	s6 =	sld [smem:$0x3FAB]  }
0x2c: {  	s7 =	sld [smem:$0x3FAC]  }
0x2d: {  	s3 =	simm.s32 $0x108;
	s8 =	sld [smem:$0x3FAD]  }
0x2e: {  	s3 =	simm.s32 @!p0 $0x1082;
	s9 =	sld [smem:$0x3FAE]  }
0x2f: {  	lr =	sadd.s32 s0, s3;
	s0 =	sld [smem:$0x3FA5]  }
0x30: {  	s3 =	sld [smem:$0x3FA8]  }
0x31: {  	[smem:$0x3FB1] =	sst s10  }
0x32: {  	s10 =	sld [smem:$0x3FAF];
	_ =	sdelay $0x3  }
0x33: {  	p0 =	seq.s32 s10, $0x1;
	s10 =	sld [smem:$0x3FB1];
	_ =	sdelay $0x3  }
0x34: {  	[smem:$0x3FB1] =	sst s10  }
0x35: {  	s10 =	sld [smem:$0x3FB0];
	_ =	sdelay $0x3  }
0x36: {  	p1 =	seq.s32 s10, $0x1;
	s10 =	sld [smem:$0x3FB1];
	_ =	sdelay $0x3  }
0x37: {  	[smem:$0x3FB1] =	sst s10  }
0x38: {  	s10 =	sld [smem:$0x3FB2]  }
0x39: {  	_ = 	snop;
	(pc) =	sbr.ind lr, $3  }
0x3a: {  	_ = 	snop  }
0x3b: {  	_ = 	snop  }
0x3c: {  	p2 =	seq.s32 s10, $0x1;
	s10 =	sld [smem:$0x3FB1]  }
0x3d: {  	_ =	shalt  }
0x3e: {  	_ =	shalt  }
0x3f: {  	_ =	shalt  }
0x40: {  	_ =	shalt  }
0x41: {  	_ =	shalt  }
0x42: {  	_ =	shalt  }
0x43: {  	_ =	shalt  }
0x44: {  	_ =	shalt  }
0x45: {  	_ =	shalt  }
0x46: {  	_ =	shalt  }
0x47: {  	_ =	shalt  }
0x48: {  	_ =	shalt  }
0x49: {  	_ =	shalt  }
0x4a: {  	_ =	shalt  }
0x4b: {  	_ =	shalt  }
0x4c: {  	_ =	shalt  }
0x4d: {  	_ =	shalt  }
0x4e: {  	_ =	shalt  }
0x4f: {  	_ =	shalt  }
0x50: {  	_ =	shalt  }
0x51: {  	_ =	shalt  }
0x52: {  	_ =	shalt  }
0x53: {  	_ =	shalt  }
0x54: {  	_ =	shalt  }
0x55: {  	_ =	shalt  }
0x56: {  	_ =	shalt  }
0x57: {  	_ =	shalt  }
0x58: {  	_ =	shalt  }
0x59: {  	_ =	shalt  }
0x5a: {  	_ =	shalt  }
0x5b: {  	_ =	shalt  }
0x5c: {  	_ =	shalt  }
0x5d: {  	_ =	shalt  }
0x5e: {  	_ =	shalt  }
0x5f: {  	_ =	shalt  }
0x60: {  	_ =	shalt  }
0x61: {  	_ =	shalt  }
0x62: {  	_ =	shalt  }
0x63: {  	_ =	shalt  }
0x64: {  	_ =	shalt  }
0x65: {  	_ =	shalt  }
0x66: {  	_ =	shalt  }
0x67: {  	_ =	shalt  }
0x68: {  	_ =	shalt  }
0x69: {  	_ =	shalt  }
0x6a: {  	_ =	shalt  }
0x6b: {  	_ =	shalt  }
0x6c: {  	_ =	shalt  }
0x6d: {  	_ =	shalt  }
0x6e: {  	_ =	shalt  }
0x6f: {  	_ =	shalt  }
0x70: {  	_ =	shalt  }
0x71: {  	_ =	shalt  }
0x72: {  	_ =	shalt  }
0x73: {  	_ =	shalt  }
0x74: {  	_ =	shalt  }
0x75: {  	_ =	shalt  }
0x76: {  	_ =	shalt  }
0x77: {  	_ =	shalt  }
0x78: {  	_ =	shalt  }
0x79: {  	_ =	shalt  }
0x7a: {  	_ =	shalt  }
0x7b: {  	_ =	shalt  }
0x7c: {  	_ =	shalt  }
0x7d: {  	_ =	shalt  }
0x7e: {  	_ =	shalt  }
0x7f: {  	_ =	shalt  }
0x80: {  	_ =	shalt  }
0x81: {  	_ =	shalt  }
0x82: {  	_ =	shalt  }
0x83: {  	_ =	shalt  }
0x84: {  	_ =	shalt  }
0x85: {  	_ =	shalt  }
0x86: {  	_ =	shalt  }
0x87: {  	_ =	shalt  }
.Lfunc_end0:
.L_simem_size_0:
called_computation.3_lowered:
.L_overlay_start_0:
0x88: {  	s2 =	sld [smem:$0x3FD9]  }
0x89: {  	s3 =	sld [smem:$0x3FFE];
	_ =	sdelay $0x1  }
0x8a: {  	s1 =	srdreg.scid  }
0x8b: {  	s0 =	sand.u32 $0x1, s1  }
0x8c: {  	s17 =	sshll.u32 s0, $0xA;
	s2 =	sadd.s32 s3, s2  }
0x8d: {  	s2 =	sadd.s32 s2, s17  }
0x8e: {  	[smem:$0x3FBD] =	sst s2  }
0x8f: {  	_ = 	snop  }
0x90: {  	s2 =	sld [smem:$0x3FD0];
	(tm) =	ssettm $0x1  }
0x91: {  	s18 =	sld [smem:$0x3FFB];
	_ =	sdelay $0x3  }
0x92: {  	_ =	strace s18  }
0x93: {  	s3 =	sld [smem:$0x3FFC];
	_ =	sdelay $0x3  }
0x94: {  	_ =	strace s3  }
0x95: {  	s3 =	sld [smem:$0x3FFD];
	_ =	sdelay $0x3  }
0x96: {  	_ =	strace s3  }
0x97: {  	_ =	strace $0x8FFFFFFF  }
0x98: {  	s19 =	sld [smem:$0x3FDB];
	_ =	sdelay $0x1  }
0x99: {  	s4 =	simm.s32 $_scs_section_size  }
0x9a: {  	s5 =	simm.s32 $_size__tile_overlayer_lowered;
	s6 =	simm.s32 $_tile_overlayer_lowered  }
0x9b: {  	s22 =	simm.s32 $0x1BFF;
	s21 =	sshll.u32 s6, $0x1;
	s3 =	sadd.s32 s4, s19  }
0x9c: {  	s7 =	simm.s32 $0x0;
	s20 =	sshll.u32 s5, $0x1;
	s5 =	sadd.s32 s21, s3  }
0x9d: {  	[timem:s7], [sflag:s22] =	dma.local [hbm:s5], s20  }
0x9e: {  	_ =	swait.ge [sflag:s22], s20  }
0x9f: {  	s4 =	ssub.s32 $0x0, s20;
	[sflag:s22] =	ssyncset.done $0x0  }
0xa0: {  	[sflag:s22] =	ssyncadd.s32 s4;
	_ =	sdelay $0x1  }
0xa1: {  	s23 =	simm.s32 $0x1B8B  }
0xa2: {  	_ =	swait.ge [sflag:s23], $0x1  }
0xa3: {  	[sflag:s23] =	ssyncset.done $0x0  }
0xa4: {  	s25 =	simm.s32 $0x1B8E;
	s24 =	sld [smem:$0x3FFE];
	[sflag:s23] =	ssyncadd.s32 $0xFFFFFFFF  }
0xa5: {  	s26 =	simm.s32 $execute0_lowered;
	[smem:$0x3FD2] =	sst s25  }
0xa6: {  	s5 =	sshll.u32 s26, $0x1;
	_ =	strace $0x8000004F;
	[dreg:$0x1] =	wrdreg $0xFFFFFFFF  }
0xa7: {  	s28 =	simm.s32 $_size_execute0_lowered;
	s3 =	sadd.s32 s3, s5;
	[dreg:$0x0] =	wrdreg $0x0  }
0xa8: {  	s5 =	sshll.u32 s28, $0x1;
	[dreg:$0x2] =	wrdreg s3  }
0xa9: {  	[dreg:$0x3] =	wrdreg s5  }
0xaa: {  	[dreg:$0x4] =	wrdreg $0xC0  }
0xab: {  	_ =	task [dreg:s7], $0x5FFFF  }
0xac: {  	[dreg:$0x1] =	wrdreg $0xFFFFFFFF  }
0xad: {  	[dreg:$0x0] =	wrdreg $0x60  }
0xae: {  	[dreg:$0x2] =	wrdreg s2  }
0xaf: {  	[dreg:$0x3] =	wrdreg s24  }
0xb0: {  	[dreg:$0x4] =	wrdreg $0x148200  }
0xb1: {  	[dreg:$0x5] =	wrdreg $0x197200  }
0xb2: {  	[dreg:$0x6] =	wrdreg $0x9  }
0xb3: {  	_ =	task.clear_ibuf [dreg:s7], $0x7FFFF;
	_ =	strace $0x9000004F  }
0xb4: {  	s29 =	simm.s32 $0x9;
	_ =	strace $0x80000051  }
0xb5: {  	_ =	swait.ge [sflag:s29], $0x1  }
0xb6: {  	[sflag:s29] =	ssyncadd.s32 $0xFFFFFFFF  }
0xb7: {  	_ =	strace $0x90000051  }
0xb8: {  	_ =	sfence  }
0xb9: {  	s30 =	sld [smem:$0x0];
	_ =	sdelay $0x2  }
0xba: {  	s31 =	sshll.u32 s1, $0xD;
	s1 =	sshrl.u32 s1, $0x2  }
0xbb: {  	s3 =	sand.u32 $0x4000, s31;
	s1 =	sadd.s32 s1, s30  }
0xbc: {  	s0 =	sor.u32 s3, s0;
	s1 =	sshll.u32 s1, $0x11  }
0xbd: {  	s0 =	sor.u32 s1, s0  }
0xbe: {  	s0 =	sadd.s32 $0x8F2B, s0  }
0xbf: {  	[sflag:s0] =	ssyncadd.remote.s32 $0x1  }
0xc0: {  	_ =	sfence.sel $0xFFFF  }
0xc1: {  	[dreg:$0x0] =	wrdreg $0xFFFFFFFF;
	(pc) =	sbr.abs _section_cstart, $3  }
0xc2: {  	[dreg:$0x1] =	wrdreg $0xFFFFFFFF  }
0xc3: {  	_ =	task.clear_ibuf [dreg:s7], $0x2FFFF;
	_ =	strace $0x9FFFFFFF  }
0xc4: {  	(tm) =	ssettm $0x7FFFFFFF  }
0xc5: {  	_ =	shalt  }
tec
execute0_lowered:
.L_overlay_start_1:
0x0: {  	(tag) =	ssettag $0x1  }
0x1: {  	s0 =	srdreg.scid;
	s5 =	rddreg [dreg:$0x0]  }
0x2: {  	s6 =	rddreg [dreg:$0x1];
	s15 =	stileid.u32  }
0x3: {  	s2 =	rddreg [dreg:$0x2];
	s1 =	sand.u32 $0x1, s0;
	s8 =	smul.u32 $0x4F00, s15  }
0x4: {  	s9 =	smul.u32 $0x4E20, s15;
	s11 =	sadd.s32 $0x79400, s6;
	s3 =	sshll.u32 s1, $0x4  }
0x5: {  	s19 =	sshll.u32 s15, $0x6;
	s4 =	sor.u32 s15, s3;
	s3 =	rddreg [dreg:$0x3]  }
0x6: {  	s12 =	sshrl.u32 s9, $0x3;
	s7 =	smul.u32 $0x4E2, s4;
	s4 =	simm.s32 $0x0  }
0x7: {  	s10 =	smul.u32 $0x4F000, s1;
	s5 =	sadd.s32 s5, s12;
	[smem:$0x7FF] =	sst s4  }
0x8: {  	s9 =	sadd.s32 s9, s3;
	_ =	strace $0x80000050;
	[dreg:$0x5] =	wrdreg s11  }
0x9: {  	s18 =	sadd.s32 s8, s2;
	s21 =	sshrl.u32 s9, $0x3;
	[dreg:$0x6] =	wrdreg s5  }
0xa: {  	s10 =	sadd.s32 s8, s10;
	s7 =	sadd.s32 s7, s6;
	[dreg:$0xa] =	wrdreg s21  }
0xb: {  	s10 =	sshrl.u32 s10, $0x3;
	s16 =	sadd.s32 $0x3800, s7;
	s20 =	rddreg [dreg:$0x5]  }
0xc: {  	s6 =	sadd.s32 s10, s6;
	s17 =	sadd.s32 $0xD600, s7;
	[dreg:$0x7] =	wrdreg s16  }
0xd: {  	s5 =	sor.u32 $0x1C03, s19;
	s6 =	sadd.s32 $0xC8200, s6;
	[dreg:$0x8] =	wrdreg s17  }
0xe: {  	s7 =	sshrl.u32 s18, $0x3;
	[dreg:$0x9] =	wrdreg s6;
	s6 =	simm.s32 $0x3  }
0xf: {  	[spmem:s7], [sflag:s5] =	dma.local [hbm:s20], $0x9E0  }
0x10: {  	_ =	swait.ge [sflag:s6], $0x9E0  }
0x11: {  	s22 =	rddreg [dreg:$0xa];
	[sflag:s6] =	ssyncset.done $0x0  }
0x12: {  	s23 =	rddreg [dreg:$0x6];
	[sflag:s6] =	ssyncadd.s32 $0xFFFFF620  }
0x13: {  	[spmem:s22], [sflag:s5] =	dma.local [hbm:s23], $0x9C4  }
0x14: {  	_ =	swait.ge [sflag:s6], $0x9C4  }
0x15: {  	[sflag:s6] =	ssyncset.done $0x0  }
0x16: {  	s24 =	rddreg [dreg:$0x7];
	[sflag:s6] =	ssyncadd.s32 $0xFFFFF63C  }
0x17: {  	[tilespmem:s4], [sflag:$0x3] =	stream.linear.gather [hbm4b:s24+s4], $0x2710, $0x38;
	[tilespmem:$0x1E540] =	vst v63  }
0x18: {  	_ =	swait.ge [sflag:s6], $0x2710  }
0x19: {  	[sflag:s6] =	ssyncset.done $0x0  }
0x1a: {  	s8 =	simm.s32 $0x2710;
	s25 =	rddreg [dreg:$0x8];
	[sflag:s6] =	ssyncadd.s32 $0xFFFFD8F0  }
0x1b: {  	[tilespmem:s8], [sflag:$0x3] =	stream.linear.gather [hbm4b:s25+s4], $0x2710, $0x38;
	[tilespmem:$0x1E540] =	vst v63  }
0x1c: {  	_ =	swait.ge [sflag:s6], $0x2710  }
0x1d: {  	[sflag:s6] =	ssyncset.done $0x0  }
0x1e: {  	[sflag:s6] =	ssyncadd.s32 $0xFFFFD8F0  }
0x1f: {  	s9 =	simm.s32 $0x3E8;
	s10 =	simm.s32 $0x4E20;
	[bflag:$0x0] =	sbarrier.arrive $0xFFFF  }
0x20: {  	[tilespmem:s10], [sflag:$0x1] =	stream.indirect.gather [spmem:s3], $0x20, s4, s9, $0xb8;
	[tilespmem:$0x1E540] =	vst v63  }
0x21: {  	s12 =	simm.s32 $0x1;
	s11 =	simm.s32 $0xCB20  }
0x22: {  	[tilespmem:s11], [sflag:$0x2] =	stream.indirect.gather [spmem:s3], $0x20, s9, s9, $0xb8;
	[tilespmem:$0x1E540] =	vst v63  }
0x23: {  	_ =	swait.ge [sflag:s12], $0x7D00  }
0x24: {  	[sflag:s12] =	ssyncset.done $0x0  }
0x25: {  	[sflag:s12] =	ssyncadd.s32 $0xFFFF8300  }
0x26: {  	[spmem:s2] =	stream.indirect.scatter.add.f32 [tilespmem:s10], [sflag:$0x3], $0x20, s8, s9, $0xb8;
	[tilespmem:$0x1E540] =	vst v63  }
0x27: {  	_ =	swait.ge [sflag:s6], $0x7D00  }
0x28: {  	[sflag:s6] =	ssyncset.done $0x0  }
0x29: {  	s26 =	simm.s32 $0x7D0;
	s14 =	simm.s32 $0x2;
	[sflag:s6] =	ssyncadd.s32 $0xFFFF8300  }
0x2a: {  	[tilespmem:s10], [sflag:$0x1] =	stream.indirect.gather [spmem:s3], $0x20, s26, s9, $0xb8;
	[tilespmem:$0x1E540] =	vst v63  }
0x2b: {  	_ =	swait.ge [sflag:s14], $0x7D00  }
0x2c: {  	[sflag:s14] =	ssyncset.done $0x0  }
0x2d: {  	s15 =	simm.s32 $0x2AF8;
	[sflag:s14] =	ssyncadd.s32 $0xFFFF8300  }
0x2e: {  	[spmem:s2] =	stream.indirect.scatter.add.f32 [tilespmem:s11], [sflag:$0x3], $0x20, s15, s9, $0xb8;
	[tilespmem:$0x1E540] =	vst v63  }
0x2f: {  	_ =	swait.ge [sflag:s6], $0x7D00  }
0x30: {  	[sflag:s6] =	ssyncset.done $0x0  }
0x31: {  	s16 =	simm.s32 $0xBB8;
	[sflag:s6] =	ssyncadd.s32 $0xFFFF8300  }
0x32: {  	[tilespmem:s11], [sflag:$0x2] =	stream.indirect.gather [spmem:s3], $0x20, s16, s9, $0xb8;
	[tilespmem:$0x1E540] =	vst v63  }
0x33: {  	_ =	swait.ge [sflag:s12], $0x7D00  }
0x34: {  	[sflag:s12] =	ssyncset.done $0x0  }
0x35: {  	s17 =	simm.s32 $0x2EE0;
	[sflag:s12] =	ssyncadd.s32 $0xFFFF8300  }
0x36: {  	[spmem:s2] =	stream.indirect.scatter.add.f32 [tilespmem:s10], [sflag:$0x3], $0x20, s17, s9, $0xb8;
	[tilespmem:$0x1E540] =	vst v63  }
0x37: {  	_ =	swait.ge [sflag:s6], $0x7D00  }
0x38: {  	[sflag:s6] =	ssyncset.done $0x0  }
0x39: {  	s18 =	simm.s32 $0xFA0;
	[sflag:s6] =	ssyncadd.s32 $0xFFFF8300  }
0x3a: {  	[tilespmem:s10], [sflag:$0x1] =	stream.indirect.gather [spmem:s3], $0x20, s18, s9, $0xb8;
	[tilespmem:$0x1E540] =	vst v63  }
0x3b: {  	_ =	swait.ge [sflag:s14], $0x7D00  }
0x3c: {  	[sflag:s14] =	ssyncset.done $0x0  }
0x3d: {  	s19 =	simm.s32 $0x32C8;
	[sflag:s14] =	ssyncadd.s32 $0xFFFF8300  }
0x3e: {  	[spmem:s2] =	stream.indirect.scatter.add.f32 [tilespmem:s11], [sflag:$0x3], $0x20, s19, s9, $0xb8;
	[tilespmem:$0x1E540] =	vst v63  }
0x3f: {  	_ =	swait.ge [sflag:s6], $0x7D00  }
0x40: {  	[sflag:s6] =	ssyncset.done $0x0  }
0x41: {  	s20 =	simm.s32 $0x1388;
	[sflag:s6] =	ssyncadd.s32 $0xFFFF8300  }
0x42: {  	[tilespmem:s11], [sflag:$0x2] =	stream.indirect.gather [spmem:s3], $0x20, s20, s9, $0xb8;
	[tilespmem:$0x1E540] =	vst v63  }
0x43: {  	_ =	swait.ge [sflag:s12], $0x7D00  }
0x44: {  	[sflag:s12] =	ssyncset.done $0x0  }
0x45: {  	s21 =	simm.s32 $0x36B0;
	[sflag:s12] =	ssyncadd.s32 $0xFFFF8300  }
0x46: {  	[spmem:s2] =	stream.indirect.scatter.add.f32 [tilespmem:s10], [sflag:$0x3], $0x20, s21, s9, $0xb8;
	[tilespmem:$0x1E540] =	vst v63  }
0x47: {  	_ =	swait.ge [sflag:s6], $0x7D00  }
0x48: {  	[sflag:s6] =	ssyncset.done $0x0  }
0x49: {  	s22 =	simm.s32 $0x1770;
	[sflag:s6] =	ssyncadd.s32 $0xFFFF8300  }
0x4a: {  	[tilespmem:s10], [sflag:$0x1] =	stream.indirect.gather [spmem:s3], $0x20, s22, s9, $0xb8;
	[tilespmem:$0x1E540] =	vst v63  }
0x4b: {  	_ =	swait.ge [sflag:s14], $0x7D00  }
0x4c: {  	[sflag:s14] =	ssyncset.done $0x0  }
0x4d: {  	s23 =	simm.s32 $0x3A98;
	[sflag:s14] =	ssyncadd.s32 $0xFFFF8300  }
0x4e: {  	[spmem:s2] =	stream.indirect.scatter.add.f32 [tilespmem:s11], [sflag:$0x3], $0x20, s23, s9, $0xb8;
	[tilespmem:$0x1E540] =	vst v63  }
0x4f: {  	_ =	swait.ge [sflag:s6], $0x7D00  }
0x50: {  	[sflag:s6] =	ssyncset.done $0x0  }
0x51: {  	s24 =	simm.s32 $0x1B58;
	[sflag:s6] =	ssyncadd.s32 $0xFFFF8300  }
0x52: {  	[tilespmem:s11], [sflag:$0x2] =	stream.indirect.gather [spmem:s3], $0x20, s24, s9, $0xb8;
	[tilespmem:$0x1E540] =	vst v63  }
0x53: {  	_ =	swait.ge [sflag:s12], $0x7D00  }
0x54: {  	[sflag:s12] =	ssyncset.done $0x0  }
0x55: {  	s25 =	simm.s32 $0x3E80;
	[sflag:s12] =	ssyncadd.s32 $0xFFFF8300  }
0x56: {  	[spmem:s2] =	stream.indirect.scatter.add.f32 [tilespmem:s10], [sflag:$0x3], $0x20, s25, s9, $0xb8;
	[tilespmem:$0x1E540] =	vst v63  }
0x57: {  	_ =	swait.ge [sflag:s6], $0x7D00  }
0x58: {  	[sflag:s6] =	ssyncset.done $0x0  }
0x59: {  	s26 =	simm.s32 $0x1F40;
	[sflag:s6] =	ssyncadd.s32 $0xFFFF8300  }
0x5a: {  	[tilespmem:s10], [sflag:$0x1] =	stream.indirect.gather [spmem:s3], $0x20, s26, s9, $0xb8;
	[tilespmem:$0x1E540] =	vst v63  }
0x5b: {  	_ =	swait.ge [sflag:s14], $0x7D00  }
0x5c: {  	[sflag:s14] =	ssyncset.done $0x0  }
0x5d: {  	s28 =	simm.s32 $0x4268;
	[sflag:s14] =	ssyncadd.s32 $0xFFFF8300  }
0x5e: {  	[spmem:s2] =	stream.indirect.scatter.add.f32 [tilespmem:s11], [sflag:$0x3], $0x20, s28, s9, $0xb8;
	[tilespmem:$0x1E540] =	vst v63  }
0x5f: {  	_ =	swait.ge [sflag:s6], $0x7D00  }
0x60: {  	[sflag:s6] =	ssyncset.done $0x0  }
0x61: {  	s29 =	simm.s32 $0x2328;
	[sflag:s6] =	ssyncadd.s32 $0xFFFF8300  }
0x62: {  	[tilespmem:s11], [sflag:$0x2] =	stream.indirect.gather [spmem:s3], $0x20, s29, s9, $0xb8;
	[tilespmem:$0x1E540] =	vst v63  }
0x63: {  	_ =	swait.ge [sflag:s12], $0x7D00  }
0x64: {  	[sflag:s12] =	ssyncset.done $0x0  }
0x65: {  	s30 =	simm.s32 $0x4650;
	[sflag:s12] =	ssyncadd.s32 $0xFFFF8300  }
0x66: {  	[spmem:s2] =	stream.indirect.scatter.add.f32 [tilespmem:s10], [sflag:$0x3], $0x20, s30, s9, $0xb8;
	[tilespmem:$0x1E540] =	vst v63  }
0x67: {  	_ =	swait.ge [sflag:s6], $0x7D00  }
0x68: {  	[sflag:s6] =	ssyncset.done $0x0  }
0x69: {  	[sflag:s6] =	ssyncadd.s32 $0xFFFF8300  }
0x6a: {  	[tilespmem:s10], [sflag:$0x1] =	stream.indirect.gather [spmem:s3], $0x20, s4, s9, $0xb8;
	[tilespmem:$0x1E540] =	vst v63  }
0x6b: {  	_ =	swait.ge [sflag:s14], $0x7D00  }
0x6c: {  	[sflag:s14] =	ssyncset.done $0x0  }
0x6d: {  	s31 =	simm.s32 $0x4A38;
	[sflag:s14] =	ssyncadd.s32 $0xFFFF8300  }
0x6e: {  	[spmem:s2] =	stream.indirect.scatter.add.f32 [tilespmem:s11], [sflag:$0x3], $0x20, s31, s9, $0xb8;
	[tilespmem:$0x1E540] =	vst v63  }
0x6f: {  	s1 =	ssub.s32 $0x2, s1;
	_ =	swait.ge [sflag:s6], $0x7D00  }
0x70: {  	s0 =	sshrl.u32 s1, $0x1;
	[sflag:s6] =	ssyncset.done $0x0  }
0x71: {  	s0 =	ssub.s32 s1, s0;
	[sflag:s6] =	ssyncadd.s32 $0xFFFF8300  }
0x72: {  	s0 =	smax.u32 s0, $0x1;
	_ =	swait.ge [sflag:s12], $0x7D00  }
0x73: {  	p0 =	sne.s32 s0, $0x1;
	[sflag:s12] =	ssyncset.done $0x0  }
.Ltmp0:
0x74: {  	[sflag:s12] =	ssyncadd.s32 $0xFFFF8300;
	(pc) =	sbr.rel @!p0 .LBB2_2-.Ltmp0, $4  }
0x75: {  	[bflag:$0x0] =	sbarrier.arrive $0xFFFF  }
0x76: {  	s13 =	rddreg [dreg:$0x9]  }
0x77: {  	[hbm:s13], [sflag:s5] =	dma.local [spmem:s7], $0x9E0  }
0x78: {  	s1 =	sadd.s32 $0xFFFFFFFF, s0;
	_ =	swait.ge [sflag:s6], $0x9E0  }
.LBB2_1:
0x79: {  	[sflag:s6] =	ssyncset.done $0x0  }
0x7a: {  	s0 =	rddreg [dreg:$0x5];
	[sflag:s6] =	ssyncadd.s32 $0xFFFFF620  }
0x7b: {  	[spmem:s7], [sflag:s5] =	dma.local [hbm:s0], $0x9E0  }
0x7c: {  	_ =	swait.ge [sflag:s6], $0x9E0  }
0x7d: {  	[sflag:s6] =	ssyncset.done $0x0;
	s0 =	rddreg [dreg:$0xa]  }
0x7e: {  	s13 =	rddreg [dreg:$0x6];
	[sflag:s6] =	ssyncadd.s32 $0xFFFFF620  }
0x7f: {  	[spmem:s0], [sflag:s5] =	dma.local [hbm:s13], $0x9C4  }
0x80: {  	_ =	swait.ge [sflag:s6], $0x9C4  }
0x81: {  	[sflag:s6] =	ssyncset.done $0x0  }
0x82: {  	s13 =	rddreg [dreg:$0x7];
	[sflag:s6] =	ssyncadd.s32 $0xFFFFF63C  }
0x83: {  	[tilespmem:s4], [sflag:$0x3] =	stream.linear.gather [hbm4b:s13+s4], $0x2710, $0x38;
	[tilespmem:$0x1E540] =	vst v63  }
0x84: {  	_ =	swait.ge [sflag:s6], $0x2710  }
0x85: {  	[sflag:s6] =	ssyncset.done $0x0  }
0x86: {  	s13 =	rddreg [dreg:$0x8];
	[sflag:s6] =	ssyncadd.s32 $0xFFFFD8F0  }
0x87: {  	[tilespmem:s8], [sflag:$0x3] =	stream.linear.gather [hbm4b:s13+s4], $0x2710, $0x38;
	[tilespmem:$0x1E540] =	vst v63  }
0x88: {  	_ =	swait.ge [sflag:s6], $0x2710  }
0x89: {  	[sflag:s6] =	ssyncset.done $0x0  }
0x8a: {  	[sflag:s6] =	ssyncadd.s32 $0xFFFFD8F0  }
0x8b: {  	[bflag:$0x0] =	sbarrier.arrive $0xFFFF  }
0x8c: {  	[tilespmem:s10], [sflag:$0x1] =	stream.indirect.gather [spmem:s3], $0x20, s4, s9, $0xb8;
	[tilespmem:$0x1E540] =	vst v63  }
0x8d: {  	_ = 	snop  }
0x8e: {  	[tilespmem:s11], [sflag:$0x2] =	stream.indirect.gather [spmem:s3], $0x20, s9, s9, $0xb8;
	[tilespmem:$0x1E540] =	vst v63  }
0x8f: {  	_ =	swait.ge [sflag:s12], $0x7D00  }
0x90: {  	[sflag:s12] =	ssyncset.done $0x0  }
0x91: {  	[sflag:s12] =	ssyncadd.s32 $0xFFFF8300  }
0x92: {  	[spmem:s2] =	stream.indirect.scatter.add.f32 [tilespmem:s10], [sflag:$0x3], $0x20, s8, s9, $0xb8;
	[tilespmem:$0x1E540] =	vst v63  }
0x93: {  	_ =	swait.ge [sflag:s6], $0x7D00  }
0x94: {  	[sflag:s6] =	ssyncset.done $0x0  }
0x95: {  	s13 =	simm.s32 $0x7D0;
	[sflag:s6] =	ssyncadd.s32 $0xFFFF8300  }
0x96: {  	[tilespmem:s10], [sflag:$0x1] =	stream.indirect.gather [spmem:s3], $0x20, s13, s9, $0xb8;
	[tilespmem:$0x1E540] =	vst v63  }
0x97: {  	_ =	swait.ge [sflag:s14], $0x7D00  }
0x98: {  	[sflag:s14] =	ssyncset.done $0x0  }
0x99: {  	[sflag:s14] =	ssyncadd.s32 $0xFFFF8300  }
0x9a: {  	[spmem:s2] =	stream.indirect.scatter.add.f32 [tilespmem:s11], [sflag:$0x3], $0x20, s15, s9, $0xb8;
	[tilespmem:$0x1E540] =	vst v63  }
0x9b: {  	_ =	swait.ge [sflag:s6], $0x7D00  }
0x9c: {  	[sflag:s6] =	ssyncset.done $0x0  }
0x9d: {  	[sflag:s6] =	ssyncadd.s32 $0xFFFF8300  }
0x9e: {  	[tilespmem:s11], [sflag:$0x2] =	stream.indirect.gather [spmem:s3], $0x20, s16, s9, $0xb8;
	[tilespmem:$0x1E540] =	vst v63  }
0x9f: {  	_ =	swait.ge [sflag:s12], $0x7D00  }
0xa0: {  	[sflag:s12] =	ssyncset.done $0x0  }
0xa1: {  	[sflag:s12] =	ssyncadd.s32 $0xFFFF8300  }
0xa2: {  	[spmem:s2] =	stream.indirect.scatter.add.f32 [tilespmem:s10], [sflag:$0x3], $0x20, s17, s9, $0xb8;
	[tilespmem:$0x1E540] =	vst v63  }
0xa3: {  	_ =	swait.ge [sflag:s6], $0x7D00  }
0xa4: {  	[sflag:s6] =	ssyncset.done $0x0  }
0xa5: {  	[sflag:s6] =	ssyncadd.s32 $0xFFFF8300  }
0xa6: {  	[tilespmem:s10], [sflag:$0x1] =	stream.indirect.gather [spmem:s3], $0x20, s18, s9, $0xb8;
	[tilespmem:$0x1E540] =	vst v63  }
0xa7: {  	_ =	swait.ge [sflag:s14], $0x7D00  }
0xa8: {  	[sflag:s14] =	ssyncset.done $0x0  }
0xa9: {  	[sflag:s14] =	ssyncadd.s32 $0xFFFF8300  }
0xaa: {  	[spmem:s2] =	stream.indirect.scatter.add.f32 [tilespmem:s11], [sflag:$0x3], $0x20, s19, s9, $0xb8;
	[tilespmem:$0x1E540] =	vst v63  }
0xab: {  	_ =	swait.ge [sflag:s6], $0x7D00  }
0xac: {  	[sflag:s6] =	ssyncset.done $0x0  }
0xad: {  	[sflag:s6] =	ssyncadd.s32 $0xFFFF8300  }
0xae: {  	[tilespmem:s11], [sflag:$0x2] =	stream.indirect.gather [spmem:s3], $0x20, s20, s9, $0xb8;
	[tilespmem:$0x1E540] =	vst v63  }
0xaf: {  	_ =	swait.ge [sflag:s12], $0x7D00  }
0xb0: {  	[sflag:s12] =	ssyncset.done $0x0  }
0xb1: {  	[sflag:s12] =	ssyncadd.s32 $0xFFFF8300  }
0xb2: {  	[spmem:s2] =	stream.indirect.scatter.add.f32 [tilespmem:s10], [sflag:$0x3], $0x20, s21, s9, $0xb8;
	[tilespmem:$0x1E540] =	vst v63  }
0xb3: {  	_ =	swait.ge [sflag:s6], $0x7D00  }
0xb4: {  	[sflag:s6] =	ssyncset.done $0x0  }
0xb5: {  	[sflag:s6] =	ssyncadd.s32 $0xFFFF8300  }
0xb6: {  	[tilespmem:s10], [sflag:$0x1] =	stream.indirect.gather [spmem:s3], $0x20, s22, s9, $0xb8;
	[tilespmem:$0x1E540] =	vst v63  }
0xb7: {  	_ =	swait.ge [sflag:s14], $0x7D00  }
0xb8: {  	[sflag:s14] =	ssyncset.done $0x0  }
0xb9: {  	[sflag:s14] =	ssyncadd.s32 $0xFFFF8300  }
0xba: {  	[spmem:s2] =	stream.indirect.scatter.add.f32 [tilespmem:s11], [sflag:$0x3], $0x20, s23, s9, $0xb8;
	[tilespmem:$0x1E540] =	vst v63  }
0xbb: {  	_ =	swait.ge [sflag:s6], $0x7D00  }
0xbc: {  	[sflag:s6] =	ssyncset.done $0x0  }
0xbd: {  	[sflag:s6] =	ssyncadd.s32 $0xFFFF8300  }
0xbe: {  	[tilespmem:s11], [sflag:$0x2] =	stream.indirect.gather [spmem:s3], $0x20, s24, s9, $0xb8;
	[tilespmem:$0x1E540] =	vst v63  }
0xbf: {  	_ =	swait.ge [sflag:s12], $0x7D00  }
0xc0: {  	[sflag:s12] =	ssyncset.done $0x0  }
0xc1: {  	[sflag:s12] =	ssyncadd.s32 $0xFFFF8300  }
0xc2: {  	[spmem:s2] =	stream.indirect.scatter.add.f32 [tilespmem:s10], [sflag:$0x3], $0x20, s25, s9, $0xb8;
	[tilespmem:$0x1E540] =	vst v63  }
0xc3: {  	_ =	swait.ge [sflag:s6], $0x7D00  }
0xc4: {  	[sflag:s6] =	ssyncset.done $0x0  }
0xc5: {  	[sflag:s6] =	ssyncadd.s32 $0xFFFF8300  }
0xc6: {  	[tilespmem:s10], [sflag:$0x1] =	stream.indirect.gather [spmem:s3], $0x20, s26, s9, $0xb8;
	[tilespmem:$0x1E540] =	vst v63  }
0xc7: {  	_ =	swait.ge [sflag:s14], $0x7D00  }
0xc8: {  	[sflag:s14] =	ssyncset.done $0x0  }
0xc9: {  	[sflag:s14] =	ssyncadd.s32 $0xFFFF8300  }
0xca: {  	[spmem:s2] =	stream.indirect.scatter.add.f32 [tilespmem:s11], [sflag:$0x3], $0x20, s28, s9, $0xb8;
	[tilespmem:$0x1E540] =	vst v63  }
0xcb: {  	_ =	swait.ge [sflag:s6], $0x7D00  }
0xcc: {  	[sflag:s6] =	ssyncset.done $0x0  }
0xcd: {  	[sflag:s6] =	ssyncadd.s32 $0xFFFF8300  }
0xce: {  	[tilespmem:s11], [sflag:$0x2] =	stream.indirect.gather [spmem:s3], $0x20, s29, s9, $0xb8;
	[tilespmem:$0x1E540] =	vst v63  }
0xcf: {  	_ =	swait.ge [sflag:s12], $0x7D00  }
0xd0: {  	[sflag:s12] =	ssyncset.done $0x0  }
0xd1: {  	[sflag:s12] =	ssyncadd.s32 $0xFFFF8300  }
0xd2: {  	[spmem:s2] =	stream.indirect.scatter.add.f32 [tilespmem:s10], [sflag:$0x3], $0x20, s30, s9, $0xb8;
	[tilespmem:$0x1E540] =	vst v63  }
0xd3: {  	_ =	swait.ge [sflag:s6], $0x7D00  }
0xd4: {  	[sflag:s6] =	ssyncset.done $0x0  }
0xd5: {  	[sflag:s6] =	ssyncadd.s32 $0xFFFF8300  }
0xd6: {  	[tilespmem:s10], [sflag:$0x1] =	stream.indirect.gather [spmem:s3], $0x20, s4, s9, $0xb8;
	[tilespmem:$0x1E540] =	vst v63  }
0xd7: {  	_ =	swait.ge [sflag:s14], $0x7D00  }
0xd8: {  	[sflag:s14] =	ssyncset.done $0x0  }
0xd9: {  	[sflag:s14] =	ssyncadd.s32 $0xFFFF8300  }
0xda: {  	[spmem:s2] =	stream.indirect.scatter.add.f32 [tilespmem:s11], [sflag:$0x3], $0x20, s31, s9, $0xb8;
	[tilespmem:$0x1E540] =	vst v63  }
0xdb: {  	_ =	swait.ge [sflag:s6], $0x7D00  }
0xdc: {  	[sflag:s6] =	ssyncset.done $0x0  }
0xdd: {  	[sflag:s6] =	ssyncadd.s32 $0xFFFF8300  }
0xde: {  	_ =	swait.ge [sflag:s12], $0x7D00  }
0xdf: {  	p0 =	sne.s32 s1, $0x1;
	[sflag:s12] =	ssyncset.done $0x0  }
.Ltmp1:
0xe0: {  	[sflag:s12] =	ssyncadd.s32 $0xFFFF8300;
	(pc) =	sbr.rel @p0 .LBB2_1-.Ltmp1, $4  }
0xe1: {  	[bflag:$0x0] =	sbarrier.arrive $0xFFFF  }
0xe2: {  	s13 =	rddreg [dreg:$0x9]  }
0xe3: {  	[hbm:s13], [sflag:s5] =	dma.local [spmem:s7], $0x9E0  }
0xe4: {  	s1 =	sadd.s32 $0xFFFFFFFF, s1;
	_ =	swait.ge [sflag:s6], $0x9E0  }
.LBB2_2:
0xe5: {  	[sflag:s6] =	ssyncset.done $0x0  }
0xe6: {  	[sflag:s6] =	ssyncadd.s32 $0xFFFFF620  }
0xe7: {  	_ =	sfence.sel $0x180000  }
0xe8: {  	[bflag:$0x0] =	sbarrier.arrive $0xFFFF  }
0xe9: {  	_ =	strace $0x90000050  }
0xea: {  	s0 =	stileid.u32;
	[bflag:$0x2] =	sbarrier.arrive $0xFFFF  }
0xeb: {  	p0 =	sne.s32 s0, $0x0;
	s0 =	rddreg [dreg:$0x4]  }
0xec: {  	s0 =	sadd.s32 @!p0 $0x100000, s0  }
0xed: {  	[sflag:s0] =	ssyncadd.tile.s32 @!p0 $0x1;
	_ =	shalt  }
.Lfunc_end2:
_tile_overlayer_lowered:
.L_overlay_start_2:
0xee: {  	(tag) =	ssettag $0x2  }
0xef: {  	s0 =	rddreg [dreg:$0x0];
	s2 =	stileid.u32  }
0xf0: {  	s1 =	rddreg [dreg:$0x1];
	p0 =	sne.s32 s2, $0x0  }
0xf1: {  	s3 =	rddreg [dreg:$0x2];
	[bflag:$0x3] =	sbarrier.arrive $0xFFFF;
	s2 =	simm.s32 @!p0 $0x1C03  }
0xf2: {  	[timem:s3], [sflag:s2] =	dma.local @!p0 [hbm:s0], s1  }
0xf3: {  	s0 =	simm.s32 @!p0 $0x3  }
0xf4: {  	_ =	swait.ge @!p0 [sflag:s0], s1  }
0xf5: {  	s1 =	ssub.s32 @!p0 $0x0, s1;
	[sflag:s0] =	ssyncset.done @!p0 $0x0  }
0xf6: {  	[sflag:s0] =	ssyncadd.s32 @!p0 s1  }
0xf7: {  	[bflag:$0x3] =	sbarrier.arrive $0xFFFF  }
0xf8: {  	_ =	shalt  }

// kernel: kernel.22.cloned.1.call-start
scs
__scs_entry_jumppad:
0x0: {  	(pc) =	sbr.rel $0x88, $3  }
0x1: {  	(tag) =	ssettag $0x0;
	lr =	simm.s32 $0x1  }
0x2: {  	[smem:$0x3F96] =	sst lr;
	_ =	strace $0xD0000000  }
0x3: {  	_ = 	snop  }
0x4: {  	_ = 	snop  }
0x5: {  	_ = 	snop  }
0x6: {  	_ = 	snop  }
0x7: {  	_ = 	snop  }
__scs_overlays_trampoline_lowered:
0x8: {  	[smem:$0x3FA5] =	sst s0  }
0x9: {  	[smem:$0x3FA6] =	sst s1  }
0xa: {  	[smem:$0x3FA7] =	sst s2  }
0xb: {  	[smem:$0x3FA8] =	sst s3  }
0xc: {  	[smem:$0x3FA9] =	sst s4  }
0xd: {  	[smem:$0x3FAA] =	sst s5  }
0xe: {  	[smem:$0x3FAB] =	sst s6  }
0xf: {  	[smem:$0x3FAC] =	sst s7  }
0x10: {  	[smem:$0x3FAD] =	sst s8  }
0x11: {  	[smem:$0x3FAE] =	sst s9;
	s0 =	simm.s32 @!p0 $0x0  }
0x12: {  	s1 =	sld [smem:$0x3F94];
	s0 =	simm.s32 @p0 $0x1  }
0x13: {  	[smem:$0x3FAF] =	sst s0;
	s0 =	simm.s32 @!p1 $0x0  }
0x14: {  	s2 =	sld [smem:$0x3F93];
	s0 =	simm.s32 @p1 $0x1  }
0x15: {  	[smem:$0x3FB0] =	sst s0;
	s0 =	simm.s32 @!p2 $0x0  }
0x16: {  	s3 =	sld [smem:$0x3FDB];
	s0 =	simm.s32 @p2 $0x1  }
0x17: {  	s4 =	simm.s32 $0x1BF5;
	[smem:$0x3FB2] =	sst s0  }
0x18: {  	s0 =	sld [smem:$0x3F95];
	_ =	swait.ge [sflag:s4], $0x0  }
0x19: {  	s7 =	sld [smem:$0x3F96]  }
0x1a: {  	s8 =	sadd.s32 $0xFFFFE003, lr  }
0x1b: {  	s9 =	sadd.s32 $0xFFFFFEF7, lr;
	s5 =	simm.s32 $0xFFFFFFFF;
	p2 =	slt.u32 s8, $0xFFFFF086  }
0x1c: {  	p1 =	slt.u32 s9, $0xF7A;
	s5 =	simm.s32 @!p2 $0x0  }
0x1d: {  	s5 =	simm.s32 @p1 $0x1;
	p0 =	seq.s32 s7, s2  }
0x1e: {  	s7 =	smul.u32 @!p0 $0xF7A, s2;
	p2 =	seq.s32 @!p0 s5, $0x0  }
0x1f: {  	s9 =	smul.u32 $0xF7A, s1;
	s8 =	simm.s32 @!p0 $0x1BF5;
	p2 =	por !p2, p0  }
0x20: {  	[sflag:s8] =	ssyncset.s32 @!p0 $0xFFFFF086;
	s6 =	sadd.s32 @!p0 s3, s7;
	s7 =	simm.s32 @!p0 $0x108  }
0x21: {  	s3 =	sadd.s32 s3, s9;
	s6 =	sadd.s32 @!p0 $0x88, s6;
	s7 =	simm.s32 @p2 $0x1082  }
0x22: {  	[simem:s7], [sflag:s8] =	dma.local @!p0 [hbm:s6], $0xF7A  }
0x23: {  	s9 =	sor.u32 $0xD0000000, s2;
	s6 =	simm.s32 $0x108;
	_ =	swait.ge @!p0 [sflag:s8], $0x0  }
0x24: {  	s3 =	sadd.s32 $0x88, s3;
	s6 =	simm.s32 @!p1 $0x1082;
	[sflag:s4] =	ssyncset.s32 $0xFFFFF086  }
0x25: {  	[simem:s6], [sflag:s4] =	dma.local [hbm:s3], $0xF7A  }
0x26: {  	[smem:$0x3F96] =	sst s1;
	(tag) =	ssettag s2;
	_ =	strace s9  }
0x27: {  	s1 =	sld [smem:$0x3FA6]  }
0x28: {  	s2 =	sld [smem:$0x3FA7]  }
0x29: {  	s4 =	sld [smem:$0x3FA9]  }
0x2a: {  	p0 =	seq.s32 s5, $0x0;
	s5 =	sld [smem:$0x3FAA]  }
0x2b: {  	s6 =	sld [smem:$0x3FAB]  }
0x2c: {  	s7 =	sld [smem:$0x3FAC]  }
0x2d: {  	s3 =	simm.s32 $0x108;
	s8 =	sld [smem:$0x3FAD]  }
0x2e: {  	s3 =	simm.s32 @!p0 $0x1082;
	s9 =	sld [smem:$0x3FAE]  }
0x2f: {  	lr =	sadd.s32 s0, s3;
	s0 =	sld [smem:$0x3FA5]  }
0x30: {  	s3 =	sld [smem:$0x3FA8]  }
0x31: {  	[smem:$0x3FB1] =	sst s10  }
0x32: {  	s10 =	sld [smem:$0x3FAF];
	_ =	sdelay $0x3  }
0x33: {  	p0 =	seq.s32 s10, $0x1;
	s10 =	sld [smem:$0x3FB1];
	_ =	sdelay $0x3  }
0x34: {  	[smem:$0x3FB1] =	sst s10  }
0x35: {  	s10 =	sld [smem:$0x3FB0];
	_ =	sdelay $0x3  }
0x36: {  	p1 =	seq.s32 s10, $0x1;
	s10 =	sld [smem:$0x3FB1];
	_ =	sdelay $0x3  }
0x37: {  	[smem:$0x3FB1] =	sst s10  }
0x38: {  	s10 =	sld [smem:$0x3FB2]  }
0x39: {  	_ = 	snop;
	(pc) =	sbr.ind lr, $3  }
0x3a: {  	_ = 	snop  }
0x3b: {  	_ = 	snop  }
0x3c: {  	p2 =	seq.s32 s10, $0x1;
	s10 =	sld [smem:$0x3FB1]  }
0x3d: {  	_ =	shalt  }
0x3e: {  	_ =	shalt  }
0x3f: {  	_ =	shalt  }
0x40: {  	_ =	shalt  }
0x41: {  	_ =	shalt  }
0x42: {  	_ =	shalt  }
0x43: {  	_ =	shalt  }
0x44: {  	_ =	shalt  }
0x45: {  	_ =	shalt  }
0x46: {  	_ =	shalt  }
0x47: {  	_ =	shalt  }
0x48: {  	_ =	shalt  }
0x49: {  	_ =	shalt  }
0x4a: {  	_ =	shalt  }
0x4b: {  	_ =	shalt  }
0x4c: {  	_ =	shalt  }
0x4d: {  	_ =	shalt  }
0x4e: {  	_ =	shalt  }
0x4f: {  	_ =	shalt  }
0x50: {  	_ =	shalt  }
0x51: {  	_ =	shalt  }
0x52: {  	_ =	shalt  }
0x53: {  	_ =	shalt  }
0x54: {  	_ =	shalt  }
0x55: {  	_ =	shalt  }
0x56: {  	_ =	shalt  }
0x57: {  	_ =	shalt  }
0x58: {  	_ =	shalt  }
0x59: {  	_ =	shalt  }
0x5a: {  	_ =	shalt  }
0x5b: {  	_ =	shalt  }
0x5c: {  	_ =	shalt  }
0x5d: {  	_ =	shalt  }
0x5e: {  	_ =	shalt  }
0x5f: {  	_ =	shalt  }
0x60: {  	_ =	shalt  }
0x61: {  	_ =	shalt  }
0x62: {  	_ =	shalt  }
0x63: {  	_ =	shalt  }
0x64: {  	_ =	shalt  }
0x65: {  	_ =	shalt  }
0x66: {  	_ =	shalt  }
0x67: {  	_ =	shalt  }
0x68: {  	_ =	shalt  }
0x69: {  	_ =	shalt  }
0x6a: {  	_ =	shalt  }
0x6b: {  	_ =	shalt  }
0x6c: {  	_ =	shalt  }
0x6d: {  	_ =	shalt  }
0x6e: {  	_ =	shalt  }
0x6f: {  	_ =	shalt  }
0x70: {  	_ =	shalt  }
0x71: {  	_ =	shalt  }
0x72: {  	_ =	shalt  }
0x73: {  	_ =	shalt  }
0x74: {  	_ =	shalt  }
0x75: {  	_ =	shalt  }
0x76: {  	_ =	shalt  }
0x77: {  	_ =	shalt  }
0x78: {  	_ =	shalt  }
0x79: {  	_ =	shalt  }
0x7a: {  	_ =	shalt  }
0x7b: {  	_ =	shalt  }
0x7c: {  	_ =	shalt  }
0x7d: {  	_ =	shalt  }
0x7e: {  	_ =	shalt  }
0x7f: {  	_ =	shalt  }
0x80: {  	_ =	shalt  }
0x81: {  	_ =	shalt  }
0x82: {  	_ =	shalt  }
0x83: {  	_ =	shalt  }
0x84: {  	_ =	shalt  }
0x85: {  	_ =	shalt  }
0x86: {  	_ =	shalt  }
0x87: {  	_ =	shalt  }
.Lfunc_end0:
.L_simem_size_0:
called_computation.4_lowered:
.L_overlay_start_0:
0x88: {  	s2 =	sld [smem:$0x3FD9]  }
0x89: {  	s3 =	sld [smem:$0x3FFE];
	_ =	sdelay $0x1  }
0x8a: {  	s1 =	srdreg.scid  }
0x8b: {  	s0 =	sand.u32 $0x1, s1  }
0x8c: {  	s17 =	sshll.u32 s0, $0xA;
	s2 =	sadd.s32 s3, s2  }
0x8d: {  	s2 =	sadd.s32 s2, s17  }
0x8e: {  	[smem:$0x3FBD] =	sst s2  }
0x8f: {  	_ = 	snop  }
0x90: {  	(tm) =	ssettm $0x1  }
0x91: {  	s18 =	sld [smem:$0x3FFB];
	_ =	sdelay $0x3  }
0x92: {  	_ =	strace s18  }
0x93: {  	s2 =	sld [smem:$0x3FFC];
	_ =	sdelay $0x3  }
0x94: {  	_ =	strace s2  }
0x95: {  	s2 =	sld [smem:$0x3FFD];
	_ =	sdelay $0x3  }
0x96: {  	_ =	strace s2  }
0x97: {  	_ =	strace $0x8FFFFFFF  }
0x98: {  	s19 =	sld [smem:$0x3FDB];
	_ =	sdelay $0x1  }
0x99: {  	s20 =	simm.s32 $_scs_section_size  }
0x9a: {  	s4 =	simm.s32 $_size__tile_overlayer_lowered;
	s5 =	simm.s32 $_tile_overlayer_lowered  }
0x9b: {  	s6 =	simm.s32 $0x1BFF;
	s21 =	sshll.u32 s5, $0x1;
	s3 =	sadd.s32 s20, s19  }
0x9c: {  	s22 =	simm.s32 $0x0;
	s4 =	sshll.u32 s4, $0x1;
	s5 =	sadd.s32 s21, s3  }
0x9d: {  	[timem:s22], [sflag:s6] =	dma.local [hbm:s5], s4  }
0x9e: {  	_ =	swait.ge [sflag:s6], s4  }
0x9f: {  	s4 =	ssub.s32 $0x0, s4;
	[sflag:s6] =	ssyncset.done $0x0  }
0xa0: {  	[sflag:s6] =	ssyncadd.s32 s4;
	_ =	sdelay $0x1  }
0xa1: {  	s23 =	simm.s32 $0x1B8B  }
0xa2: {  	_ =	swait.ge [sflag:s23], $0x1  }
0xa3: {  	[sflag:s23] =	ssyncset.done $0x0  }
0xa4: {  	[sflag:s23] =	ssyncadd.s32 $0xFFFFFFFF  }
0xa5: {  	s4 =	sld [smem:$0x0]  }
0xa6: {  	s5 =	sand.u32 $0xFFFFFFFE, s1  }
0xa7: {  	p0 =	sne.s32 s1, s5  }
0xa8: {  	s5 =	sshll.u32 @p0 s5, $0xE  }
0xa9: {  	s5 =	sadd.s32 @p0 $0x11B8D, s5;
	s6 =	sshll.u32 @p0 s4, $0x11  }
0xaa: {  	s5 =	sor.u32 @p0 s6, s5  }
0xab: {  	[sflag:s5] =	ssyncadd.remote.s32 @p0 $0x1;
	_ =	sdelay $0x1  }
0xac: {  	s5 =	simm.s32 @p0 $0x1B8D  }
0xad: {  	_ =	swait.eq @p0 [sflag:s5], $0x1  }
0xae: {  	[sflag:s5] =	ssyncadd.s32 @p0 $0xFFFFFFFF  }
0xaf: {  	s6 =	sshll.u32 @!p0 s1, $0xE  }
0xb0: {  	s6 =	sor.u32 @!p0 $0x4000, s6;
	s5 =	simm.s32 @!p0 $0x1B8D  }
0xb1: {  	s4 =	sshll.u32 @!p0 s4, $0x11;
	s6 =	sadd.s32 @!p0 $0x11B8D, s6;
	_ =	swait.eq @!p0 [sflag:s5], $0x1  }
0xb2: {  	s4 =	sor.u32 @!p0 s4, s6;
	[sflag:s5] =	ssyncadd.s32 @!p0 $0xFFFFFFFF  }
0xb3: {  	s25 =	simm.s32 $0x1B8E;
	s24 =	sld [smem:$0x3FFE];
	[sflag:s4] =	ssyncadd.remote.s32 @!p0 $0x1  }
0xb4: {  	s26 =	simm.s32 $execute0_lowered;
	[smem:$0x3FD2] =	sst s25  }
0xb5: {  	s5 =	sshll.u32 s26, $0x1;
	_ =	strace $0x80000052;
	[dreg:$0x1] =	wrdreg $0xFFFFFFFF  }
0xb6: {  	s28 =	simm.s32 $_size_execute0_lowered;
	s3 =	sadd.s32 s3, s5;
	[dreg:$0x0] =	wrdreg $0x0  }
0xb7: {  	s5 =	sshll.u32 s28, $0x1;
	[dreg:$0x2] =	wrdreg s3  }
0xb8: {  	[dreg:$0x3] =	wrdreg s5  }
0xb9: {  	[dreg:$0x4] =	wrdreg $0xC0  }
0xba: {  	_ =	task [dreg:s22], $0x5FFFF  }
0xbb: {  	[dreg:$0x1] =	wrdreg $0xFFFFFFFF  }
0xbc: {  	[dreg:$0x0] =	wrdreg $0x60  }
0xbd: {  	[dreg:$0x2] =	wrdreg s24  }
0xbe: {  	[dreg:$0x3] =	wrdreg $0x148200  }
0xbf: {  	[dreg:$0x4] =	wrdreg $0x197200  }
0xc0: {  	[dreg:$0x5] =	wrdreg $0xA  }
0xc1: {  	_ =	task.clear_ibuf [dreg:s22], $0x6FFFF;
	_ =	strace $0x90000052  }
0xc2: {  	s29 =	simm.s32 $0xA;
	_ =	strace $0x80000054  }
0xc3: {  	_ =	swait.ge [sflag:s29], $0x1  }
0xc4: {  	[sflag:s29] =	ssyncadd.s32 $0xFFFFFFFF  }
0xc5: {  	_ =	strace $0x90000054  }
0xc6: {  	_ =	sfence  }
0xc7: {  	s30 =	sld [smem:$0x0];
	_ =	sdelay $0x2  }
0xc8: {  	s31 =	sshll.u32 s1, $0xD;
	s1 =	sshrl.u32 s1, $0x2  }
0xc9: {  	s4 =	sand.u32 $0x4000, s31;
	s1 =	sadd.s32 s1, s30  }
0xca: {  	s0 =	sor.u32 s4, s0;
	s1 =	sshll.u32 s1, $0x11  }
0xcb: {  	s0 =	sor.u32 s1, s0  }
0xcc: {  	s0 =	sadd.s32 $0x8F2B, s0  }
0xcd: {  	[sflag:s0] =	ssyncadd.remote.s32 $0x1  }
0xce: {  	_ =	sfence.sel $0xFFFF  }
0xcf: {  	[dreg:$0x0] =	wrdreg $0xFFFFFFFF;
	(pc) =	sbr.abs _section_cstart, $3  }
0xd0: {  	[dreg:$0x1] =	wrdreg $0xFFFFFFFF  }
0xd1: {  	_ =	task.clear_ibuf [dreg:s22], $0x2FFFF;
	_ =	strace $0x9FFFFFFF  }
0xd2: {  	(tm) =	ssettm $0x7FFFFFFF  }
0xd3: {  	_ =	shalt  }
tec
execute0_lowered:
.L_overlay_start_1:
0x0: {  	(tag) =	ssettag $0x1  }
0x1: {  	s0 =	srdreg.scid;
	s5 =	rddreg [dreg:$0x0]  }
0x2: {  	s2 =	rddreg [dreg:$0x1];
	s16 =	stileid.u32  }
0x3: {  	s3 =	rddreg [dreg:$0x2];
	s1 =	sand.u32 $0x1, s0;
	s6 =	smul.u32 $0x4E20, s16  }
0x4: {  	s8 =	smul.u32 $0x4F00, s16;
	s11 =	sadd.s32 $0x79400, s5;
	s4 =	sshll.u32 s1, $0x4  }
0x5: {  	s18 =	sshll.u32 s16, $0x6;
	s10 =	smul.u32 $0x4F000, s1;
	s7 =	sor.u32 s16, s4  }
0x6: {  	s4 =	simm.s32 $0x0;
	s9 =	sshrl.u32 s6, $0x3;
	s6 =	sadd.s32 s6, s3  }
0x7: {  	s7 =	smul.u32 $0x4E2, s7;
	[smem:$0x7FF] =	sst s4;
	s9 =	sadd.s32 s9, s5  }
0x8: {  	s21 =	sshrl.u32 s6, $0x3;
	_ =	strace $0x80000053;
	[dreg:$0x4] =	wrdreg s11  }
0x9: {  	s10 =	sadd.s32 s8, s10;
	s9 =	sadd.s32 $0xDBE00, s9;
	[dreg:$0x9] =	wrdreg s21  }
0xa: {  	s8 =	sadd.s32 s8, s2;
	s7 =	sadd.s32 s7, s5;
	[dreg:$0x5] =	wrdreg s9  }
0xb: {  	s10 =	sshrl.u32 s10, $0x3;
	s20 =	rddreg [dreg:$0x4];
	s17 =	sadd.s32 $0x17400, s7  }
0xc: {  	s5 =	sadd.s32 s10, s5;
	s7 =	sadd.s32 $0x21200, s7;
	[dreg:$0x6] =	wrdreg s17  }
0xd: {  	s6 =	simm.s32 $0x3;
	s19 =	sadd.s32 $0xE5C00, s5;
	[dreg:$0x7] =	wrdreg s7  }
0xe: {  	s5 =	sor.u32 $0x1C03, s18;
	[dreg:$0x8] =	wrdreg s19;
	s7 =	sshrl.u32 s8, $0x3  }
0xf: {  	[spmem:s7], [sflag:s5] =	dma.local [hbm:s20], $0x9E0  }
0x10: {  	_ =	swait.ge [sflag:s6], $0x9E0  }
0x11: {  	s22 =	rddreg [dreg:$0x9];
	[sflag:s6] =	ssyncset.done $0x0  }
0x12: {  	s23 =	rddreg [dreg:$0x5];
	[sflag:s6] =	ssyncadd.s32 $0xFFFFF620  }
0x13: {  	[spmem:s22], [sflag:s5] =	dma.local [hbm:s23], $0x9C4  }
0x14: {  	_ =	swait.ge [sflag:s6], $0x9C4  }
0x15: {  	[sflag:s6] =	ssyncset.done $0x0  }
0x16: {  	s24 =	rddreg [dreg:$0x6];
	[sflag:s6] =	ssyncadd.s32 $0xFFFFF63C  }
0x17: {  	[tilespmem:s4], [sflag:$0x3] =	stream.linear.gather [hbm4b:s24+s4], $0x2710, $0x38;
	[tilespmem:$0x1E540] =	vst v63  }
0x18: {  	_ =	swait.ge [sflag:s6], $0x2710  }
0x19: {  	[sflag:s6] =	ssyncset.done $0x0  }
0x1a: {  	s8 =	simm.s32 $0x2710;
	s25 =	rddreg [dreg:$0x7];
	[sflag:s6] =	ssyncadd.s32 $0xFFFFD8F0  }
0x1b: {  	[tilespmem:s8], [sflag:$0x3] =	stream.linear.gather [hbm4b:s25+s4], $0x2710, $0x38;
	[tilespmem:$0x1E540] =	vst v63  }
0x1c: {  	_ =	swait.ge [sflag:s6], $0x2710  }
0x1d: {  	[sflag:s6] =	ssyncset.done $0x0  }
0x1e: {  	[sflag:s6] =	ssyncadd.s32 $0xFFFFD8F0  }
0x1f: {  	s9 =	simm.s32 $0x3E8;
	s10 =	simm.s32 $0x4E20;
	[bflag:$0x0] =	sbarrier.arrive $0xFFFF  }
0x20: {  	[tilespmem:s10], [sflag:$0x1] =	stream.indirect.gather [spmem:s3], $0x20, s4, s9, $0xb8;
	[tilespmem:$0x1E540] =	vst v63  }
0x21: {  	s12 =	simm.s32 $0x1;
	s11 =	simm.s32 $0xCB20  }
0x22: {  	[tilespmem:s11], [sflag:$0x2] =	stream.indirect.gather [spmem:s3], $0x20, s9, s9, $0xb8;
	[tilespmem:$0x1E540] =	vst v63  }
0x23: {  	_ =	swait.ge [sflag:s12], $0x7D00  }
0x24: {  	[sflag:s12] =	ssyncset.done $0x0  }
0x25: {  	[sflag:s12] =	ssyncadd.s32 $0xFFFF8300  }
0x26: {  	[spmem:s2] =	stream.indirect.scatter.add.f32 [tilespmem:s10], [sflag:$0x3], $0x20, s8, s9, $0xb8;
	[tilespmem:$0x1E540] =	vst v63  }
0x27: {  	_ =	swait.ge [sflag:s6], $0x7D00  }
0x28: {  	[sflag:s6] =	ssyncset.done $0x0  }
0x29: {  	s26 =	simm.s32 $0x7D0;
	s14 =	simm.s32 $0x2;
	[sflag:s6] =	ssyncadd.s32 $0xFFFF8300  }
0x2a: {  	[tilespmem:s10], [sflag:$0x1] =	stream.indirect.gather [spmem:s3], $0x20, s26, s9, $0xb8;
	[tilespmem:$0x1E540] =	vst v63  }
0x2b: {  	_ =	swait.ge [sflag:s14], $0x7D00  }
0x2c: {  	[sflag:s14] =	ssyncset.done $0x0  }
0x2d: {  	s15 =	simm.s32 $0x2AF8;
	[sflag:s14] =	ssyncadd.s32 $0xFFFF8300  }
0x2e: {  	[spmem:s2] =	stream.indirect.scatter.add.f32 [tilespmem:s11], [sflag:$0x3], $0x20, s15, s9, $0xb8;
	[tilespmem:$0x1E540] =	vst v63  }
0x2f: {  	_ =	swait.ge [sflag:s6], $0x7D00  }
0x30: {  	[sflag:s6] =	ssyncset.done $0x0  }
0x31: {  	s16 =	simm.s32 $0xBB8;
	[sflag:s6] =	ssyncadd.s32 $0xFFFF8300  }
0x32: {  	[tilespmem:s11], [sflag:$0x2] =	stream.indirect.gather [spmem:s3], $0x20, s16, s9, $0xb8;
	[tilespmem:$0x1E540] =	vst v63  }
0x33: {  	_ =	swait.ge [sflag:s12], $0x7D00  }
0x34: {  	[sflag:s12] =	ssyncset.done $0x0  }
0x35: {  	s17 =	simm.s32 $0x2EE0;
	[sflag:s12] =	ssyncadd.s32 $0xFFFF8300  }
0x36: {  	[spmem:s2] =	stream.indirect.scatter.add.f32 [tilespmem:s10], [sflag:$0x3], $0x20, s17, s9, $0xb8;
	[tilespmem:$0x1E540] =	vst v63  }
0x37: {  	_ =	swait.ge [sflag:s6], $0x7D00  }
0x38: {  	[sflag:s6] =	ssyncset.done $0x0  }
0x39: {  	s18 =	simm.s32 $0xFA0;
	[sflag:s6] =	ssyncadd.s32 $0xFFFF8300  }
0x3a: {  	[tilespmem:s10], [sflag:$0x1] =	stream.indirect.gather [spmem:s3], $0x20, s18, s9, $0xb8;
	[tilespmem:$0x1E540] =	vst v63  }
0x3b: {  	_ =	swait.ge [sflag:s14], $0x7D00  }
0x3c: {  	[sflag:s14] =	ssyncset.done $0x0  }
0x3d: {  	s19 =	simm.s32 $0x32C8;
	[sflag:s14] =	ssyncadd.s32 $0xFFFF8300  }
0x3e: {  	[spmem:s2] =	stream.indirect.scatter.add.f32 [tilespmem:s11], [sflag:$0x3], $0x20, s19, s9, $0xb8;
	[tilespmem:$0x1E540] =	vst v63  }
0x3f: {  	_ =	swait.ge [sflag:s6], $0x7D00  }
0x40: {  	[sflag:s6] =	ssyncset.done $0x0  }
0x41: {  	s20 =	simm.s32 $0x1388;
	[sflag:s6] =	ssyncadd.s32 $0xFFFF8300  }
0x42: {  	[tilespmem:s11], [sflag:$0x2] =	stream.indirect.gather [spmem:s3], $0x20, s20, s9, $0xb8;
	[tilespmem:$0x1E540] =	vst v63  }
0x43: {  	_ =	swait.ge [sflag:s12], $0x7D00  }
0x44: {  	[sflag:s12] =	ssyncset.done $0x0  }
0x45: {  	s21 =	simm.s32 $0x36B0;
	[sflag:s12] =	ssyncadd.s32 $0xFFFF8300  }
0x46: {  	[spmem:s2] =	stream.indirect.scatter.add.f32 [tilespmem:s10], [sflag:$0x3], $0x20, s21, s9, $0xb8;
	[tilespmem:$0x1E540] =	vst v63  }
0x47: {  	_ =	swait.ge [sflag:s6], $0x7D00  }
0x48: {  	[sflag:s6] =	ssyncset.done $0x0  }
0x49: {  	s22 =	simm.s32 $0x1770;
	[sflag:s6] =	ssyncadd.s32 $0xFFFF8300  }
0x4a: {  	[tilespmem:s10], [sflag:$0x1] =	stream.indirect.gather [spmem:s3], $0x20, s22, s9, $0xb8;
	[tilespmem:$0x1E540] =	vst v63  }
0x4b: {  	_ =	swait.ge [sflag:s14], $0x7D00  }
0x4c: {  	[sflag:s14] =	ssyncset.done $0x0  }
0x4d: {  	s23 =	simm.s32 $0x3A98;
	[sflag:s14] =	ssyncadd.s32 $0xFFFF8300  }
0x4e: {  	[spmem:s2] =	stream.indirect.scatter.add.f32 [tilespmem:s11], [sflag:$0x3], $0x20, s23, s9, $0xb8;
	[tilespmem:$0x1E540] =	vst v63  }
0x4f: {  	_ =	swait.ge [sflag:s6], $0x7D00  }
0x50: {  	[sflag:s6] =	ssyncset.done $0x0  }
0x51: {  	s24 =	simm.s32 $0x1B58;
	[sflag:s6] =	ssyncadd.s32 $0xFFFF8300  }
0x52: {  	[tilespmem:s11], [sflag:$0x2] =	stream.indirect.gather [spmem:s3], $0x20, s24, s9, $0xb8;
	[tilespmem:$0x1E540] =	vst v63  }
0x53: {  	_ =	swait.ge [sflag:s12], $0x7D00  }
0x54: {  	[sflag:s12] =	ssyncset.done $0x0  }
0x55: {  	s25 =	simm.s32 $0x3E80;
	[sflag:s12] =	ssyncadd.s32 $0xFFFF8300  }
0x56: {  	[spmem:s2] =	stream.indirect.scatter.add.f32 [tilespmem:s10], [sflag:$0x3], $0x20, s25, s9, $0xb8;
	[tilespmem:$0x1E540] =	vst v63  }
0x57: {  	_ =	swait.ge [sflag:s6], $0x7D00  }
0x58: {  	[sflag:s6] =	ssyncset.done $0x0  }
0x59: {  	s26 =	simm.s32 $0x1F40;
	[sflag:s6] =	ssyncadd.s32 $0xFFFF8300  }
0x5a: {  	[tilespmem:s10], [sflag:$0x1] =	stream.indirect.gather [spmem:s3], $0x20, s26, s9, $0xb8;
	[tilespmem:$0x1E540] =	vst v63  }
0x5b: {  	_ =	swait.ge [sflag:s14], $0x7D00  }
0x5c: {  	[sflag:s14] =	ssyncset.done $0x0  }
0x5d: {  	s28 =	simm.s32 $0x4268;
	[sflag:s14] =	ssyncadd.s32 $0xFFFF8300  }
0x5e: {  	[spmem:s2] =	stream.indirect.scatter.add.f32 [tilespmem:s11], [sflag:$0x3], $0x20, s28, s9, $0xb8;
	[tilespmem:$0x1E540] =	vst v63  }
0x5f: {  	_ =	swait.ge [sflag:s6], $0x7D00  }
0x60: {  	[sflag:s6] =	ssyncset.done $0x0  }
0x61: {  	s29 =	simm.s32 $0x2328;
	[sflag:s6] =	ssyncadd.s32 $0xFFFF8300  }
0x62: {  	[tilespmem:s11], [sflag:$0x2] =	stream.indirect.gather [spmem:s3], $0x20, s29, s9, $0xb8;
	[tilespmem:$0x1E540] =	vst v63  }
0x63: {  	_ =	swait.ge [sflag:s12], $0x7D00  }
0x64: {  	[sflag:s12] =	ssyncset.done $0x0  }
0x65: {  	s30 =	simm.s32 $0x4650;
	[sflag:s12] =	ssyncadd.s32 $0xFFFF8300  }
0x66: {  	[spmem:s2] =	stream.indirect.scatter.add.f32 [tilespmem:s10], [sflag:$0x3], $0x20, s30, s9, $0xb8;
	[tilespmem:$0x1E540] =	vst v63  }
0x67: {  	_ =	swait.ge [sflag:s6], $0x7D00  }
0x68: {  	[sflag:s6] =	ssyncset.done $0x0  }
0x69: {  	[sflag:s6] =	ssyncadd.s32 $0xFFFF8300  }
0x6a: {  	[tilespmem:s10], [sflag:$0x1] =	stream.indirect.gather [spmem:s3], $0x20, s4, s9, $0xb8;
	[tilespmem:$0x1E540] =	vst v63  }
0x6b: {  	_ =	swait.ge [sflag:s14], $0x7D00  }
0x6c: {  	[sflag:s14] =	ssyncset.done $0x0  }
0x6d: {  	s31 =	simm.s32 $0x4A38;
	[sflag:s14] =	ssyncadd.s32 $0xFFFF8300  }
0x6e: {  	[spmem:s2] =	stream.indirect.scatter.add.f32 [tilespmem:s11], [sflag:$0x3], $0x20, s31, s9, $0xb8;
	[tilespmem:$0x1E540] =	vst v63  }
0x6f: {  	s1 =	ssub.s32 $0x2, s1;
	_ =	swait.ge [sflag:s6], $0x7D00  }
0x70: {  	s0 =	sshrl.u32 s1, $0x1;
	[sflag:s6] =	ssyncset.done $0x0  }
0x71: {  	s0 =	ssub.s32 s1, s0;
	[sflag:s6] =	ssyncadd.s32 $0xFFFF8300  }
0x72: {  	s0 =	smax.u32 s0, $0x1;
	_ =	swait.ge [sflag:s12], $0x7D00  }
0x73: {  	p0 =	sne.s32 s0, $0x1;
	[sflag:s12] =	ssyncset.done $0x0  }
.Ltmp0:
0x74: {  	[sflag:s12] =	ssyncadd.s32 $0xFFFF8300;
	(pc) =	sbr.rel @!p0 .LBB2_2-.Ltmp0, $4  }
0x75: {  	[bflag:$0x0] =	sbarrier.arrive $0xFFFF  }
0x76: {  	s13 =	rddreg [dreg:$0x8]  }
0x77: {  	[hbm:s13], [sflag:s5] =	dma.local [spmem:s7], $0x9E0  }
0x78: {  	s1 =	sadd.s32 $0xFFFFFFFF, s0;
	_ =	swait.ge [sflag:s6], $0x9E0  }
.LBB2_1:
0x79: {  	[sflag:s6] =	ssyncset.done $0x0  }
0x7a: {  	s0 =	rddreg [dreg:$0x4];
	[sflag:s6] =	ssyncadd.s32 $0xFFFFF620  }
0x7b: {  	[spmem:s7], [sflag:s5] =	dma.local [hbm:s0], $0x9E0  }
0x7c: {  	_ =	swait.ge [sflag:s6], $0x9E0  }
0x7d: {  	[sflag:s6] =	ssyncset.done $0x0;
	s0 =	rddreg [dreg:$0x9]  }
0x7e: {  	s13 =	rddreg [dreg:$0x5];
	[sflag:s6] =	ssyncadd.s32 $0xFFFFF620  }
0x7f: {  	[spmem:s0], [sflag:s5] =	dma.local [hbm:s13], $0x9C4  }
0x80: {  	_ =	swait.ge [sflag:s6], $0x9C4  }
0x81: {  	[sflag:s6] =	ssyncset.done $0x0  }
0x82: {  	s13 =	rddreg [dreg:$0x6];
	[sflag:s6] =	ssyncadd.s32 $0xFFFFF63C  }
0x83: {  	[tilespmem:s4], [sflag:$0x3] =	stream.linear.gather [hbm4b:s13+s4], $0x2710, $0x38;
	[tilespmem:$0x1E540] =	vst v63  }
0x84: {  	_ =	swait.ge [sflag:s6], $0x2710  }
0x85: {  	[sflag:s6] =	ssyncset.done $0x0  }
0x86: {  	s13 =	rddreg [dreg:$0x7];
	[sflag:s6] =	ssyncadd.s32 $0xFFFFD8F0  }
0x87: {  	[tilespmem:s8], [sflag:$0x3] =	stream.linear.gather [hbm4b:s13+s4], $0x2710, $0x38;
	[tilespmem:$0x1E540] =	vst v63  }
0x88: {  	_ =	swait.ge [sflag:s6], $0x2710  }
0x89: {  	[sflag:s6] =	ssyncset.done $0x0  }
0x8a: {  	[sflag:s6] =	ssyncadd.s32 $0xFFFFD8F0  }
0x8b: {  	[bflag:$0x0] =	sbarrier.arrive $0xFFFF  }
0x8c: {  	[tilespmem:s10], [sflag:$0x1] =	stream.indirect.gather [spmem:s3], $0x20, s4, s9, $0xb8;
	[tilespmem:$0x1E540] =	vst v63  }
0x8d: {  	_ = 	snop  }
0x8e: {  	[tilespmem:s11], [sflag:$0x2] =	stream.indirect.gather [spmem:s3], $0x20, s9, s9, $0xb8;
	[tilespmem:$0x1E540] =	vst v63  }
0x8f: {  	_ =	swait.ge [sflag:s12], $0x7D00  }
0x90: {  	[sflag:s12] =	ssyncset.done $0x0  }
0x91: {  	[sflag:s12] =	ssyncadd.s32 $0xFFFF8300  }
0x92: {  	[spmem:s2] =	stream.indirect.scatter.add.f32 [tilespmem:s10], [sflag:$0x3], $0x20, s8, s9, $0xb8;
	[tilespmem:$0x1E540] =	vst v63  }
0x93: {  	_ =	swait.ge [sflag:s6], $0x7D00  }
0x94: {  	[sflag:s6] =	ssyncset.done $0x0  }
0x95: {  	s13 =	simm.s32 $0x7D0;
	[sflag:s6] =	ssyncadd.s32 $0xFFFF8300  }
0x96: {  	[tilespmem:s10], [sflag:$0x1] =	stream.indirect.gather [spmem:s3], $0x20, s13, s9, $0xb8;
	[tilespmem:$0x1E540] =	vst v63  }
0x97: {  	_ =	swait.ge [sflag:s14], $0x7D00  }
0x98: {  	[sflag:s14] =	ssyncset.done $0x0  }
0x99: {  	[sflag:s14] =	ssyncadd.s32 $0xFFFF8300  }
0x9a: {  	[spmem:s2] =	stream.indirect.scatter.add.f32 [tilespmem:s11], [sflag:$0x3], $0x20, s15, s9, $0xb8;
	[tilespmem:$0x1E540] =	vst v63  }
0x9b: {  	_ =	swait.ge [sflag:s6], $0x7D00  }
0x9c: {  	[sflag:s6] =	ssyncset.done $0x0  }
0x9d: {  	[sflag:s6] =	ssyncadd.s32 $0xFFFF8300  }
0x9e: {  	[tilespmem:s11], [sflag:$0x2] =	stream.indirect.gather [spmem:s3], $0x20, s16, s9, $0xb8;
	[tilespmem:$0x1E540] =	vst v63  }
0x9f: {  	_ =	swait.ge [sflag:s12], $0x7D00  }
0xa0: {  	[sflag:s12] =	ssyncset.done $0x0  }
0xa1: {  	[sflag:s12] =	ssyncadd.s32 $0xFFFF8300  }
0xa2: {  	[spmem:s2] =	stream.indirect.scatter.add.f32 [tilespmem:s10], [sflag:$0x3], $0x20, s17, s9, $0xb8;
	[tilespmem:$0x1E540] =	vst v63  }
0xa3: {  	_ =	swait.ge [sflag:s6], $0x7D00  }
0xa4: {  	[sflag:s6] =	ssyncset.done $0x0  }
0xa5: {  	[sflag:s6] =	ssyncadd.s32 $0xFFFF8300  }
0xa6: {  	[tilespmem:s10], [sflag:$0x1] =	stream.indirect.gather [spmem:s3], $0x20, s18, s9, $0xb8;
	[tilespmem:$0x1E540] =	vst v63  }
0xa7: {  	_ =	swait.ge [sflag:s14], $0x7D00  }
0xa8: {  	[sflag:s14] =	ssyncset.done $0x0  }
0xa9: {  	[sflag:s14] =	ssyncadd.s32 $0xFFFF8300  }
0xaa: {  	[spmem:s2] =	stream.indirect.scatter.add.f32 [tilespmem:s11], [sflag:$0x3], $0x20, s19, s9, $0xb8;
	[tilespmem:$0x1E540] =	vst v63  }
0xab: {  	_ =	swait.ge [sflag:s6], $0x7D00  }
0xac: {  	[sflag:s6] =	ssyncset.done $0x0  }
0xad: {  	[sflag:s6] =	ssyncadd.s32 $0xFFFF8300  }
0xae: {  	[tilespmem:s11], [sflag:$0x2] =	stream.indirect.gather [spmem:s3], $0x20, s20, s9, $0xb8;
	[tilespmem:$0x1E540] =	vst v63  }
0xaf: {  	_ =	swait.ge [sflag:s12], $0x7D00  }
0xb0: {  	[sflag:s12] =	ssyncset.done $0x0  }
0xb1: {  	[sflag:s12] =	ssyncadd.s32 $0xFFFF8300  }
0xb2: {  	[spmem:s2] =	stream.indirect.scatter.add.f32 [tilespmem:s10], [sflag:$0x3], $0x20, s21, s9, $0xb8;
	[tilespmem:$0x1E540] =	vst v63  }
0xb3: {  	_ =	swait.ge [sflag:s6], $0x7D00  }
0xb4: {  	[sflag:s6] =	ssyncset.done $0x0  }
0xb5: {  	[sflag:s6] =	ssyncadd.s32 $0xFFFF8300  }
0xb6: {  	[tilespmem:s10], [sflag:$0x1] =	stream.indirect.gather [spmem:s3], $0x20, s22, s9, $0xb8;
	[tilespmem:$0x1E540] =	vst v63  }
0xb7: {  	_ =	swait.ge [sflag:s14], $0x7D00  }
0xb8: {  	[sflag:s14] =	ssyncset.done $0x0  }
0xb9: {  	[sflag:s14] =	ssyncadd.s32 $0xFFFF8300  }
0xba: {  	[spmem:s2] =	stream.indirect.scatter.add.f32 [tilespmem:s11], [sflag:$0x3], $0x20, s23, s9, $0xb8;
	[tilespmem:$0x1E540] =	vst v63  }
0xbb: {  	_ =	swait.ge [sflag:s6], $0x7D00  }
0xbc: {  	[sflag:s6] =	ssyncset.done $0x0  }
0xbd: {  	[sflag:s6] =	ssyncadd.s32 $0xFFFF8300  }
0xbe: {  	[tilespmem:s11], [sflag:$0x2] =	stream.indirect.gather [spmem:s3], $0x20, s24, s9, $0xb8;
	[tilespmem:$0x1E540] =	vst v63  }
0xbf: {  	_ =	swait.ge [sflag:s12], $0x7D00  }
0xc0: {  	[sflag:s12] =	ssyncset.done $0x0  }
0xc1: {  	[sflag:s12] =	ssyncadd.s32 $0xFFFF8300  }
0xc2: {  	[spmem:s2] =	stream.indirect.scatter.add.f32 [tilespmem:s10], [sflag:$0x3], $0x20, s25, s9, $0xb8;
	[tilespmem:$0x1E540] =	vst v63  }
0xc3: {  	_ =	swait.ge [sflag:s6], $0x7D00  }
0xc4: {  	[sflag:s6] =	ssyncset.done $0x0  }
0xc5: {  	[sflag:s6] =	ssyncadd.s32 $0xFFFF8300  }
0xc6: {  	[tilespmem:s10], [sflag:$0x1] =	stream.indirect.gather [spmem:s3], $0x20, s26, s9, $0xb8;
	[tilespmem:$0x1E540] =	vst v63  }
0xc7: {  	_ =	swait.ge [sflag:s14], $0x7D00  }
0xc8: {  	[sflag:s14] =	ssyncset.done $0x0  }
0xc9: {  	[sflag:s14] =	ssyncadd.s32 $0xFFFF8300  }
0xca: {  	[spmem:s2] =	stream.indirect.scatter.add.f32 [tilespmem:s11], [sflag:$0x3], $0x20, s28, s9, $0xb8;
	[tilespmem:$0x1E540] =	vst v63  }
0xcb: {  	_ =	swait.ge [sflag:s6], $0x7D00  }
0xcc: {  	[sflag:s6] =	ssyncset.done $0x0  }
0xcd: {  	[sflag:s6] =	ssyncadd.s32 $0xFFFF8300  }
0xce: {  	[tilespmem:s11], [sflag:$0x2] =	stream.indirect.gather [spmem:s3], $0x20, s29, s9, $0xb8;
	[tilespmem:$0x1E540] =	vst v63  }
0xcf: {  	_ =	swait.ge [sflag:s12], $0x7D00  }
0xd0: {  	[sflag:s12] =	ssyncset.done $0x0  }
0xd1: {  	[sflag:s12] =	ssyncadd.s32 $0xFFFF8300  }
0xd2: {  	[spmem:s2] =	stream.indirect.scatter.add.f32 [tilespmem:s10], [sflag:$0x3], $0x20, s30, s9, $0xb8;
	[tilespmem:$0x1E540] =	vst v63  }
0xd3: {  	_ =	swait.ge [sflag:s6], $0x7D00  }
0xd4: {  	[sflag:s6] =	ssyncset.done $0x0  }
0xd5: {  	[sflag:s6] =	ssyncadd.s32 $0xFFFF8300  }
0xd6: {  	[tilespmem:s10], [sflag:$0x1] =	stream.indirect.gather [spmem:s3], $0x20, s4, s9, $0xb8;
	[tilespmem:$0x1E540] =	vst v63  }
0xd7: {  	_ =	swait.ge [sflag:s14], $0x7D00  }
0xd8: {  	[sflag:s14] =	ssyncset.done $0x0  }
0xd9: {  	[sflag:s14] =	ssyncadd.s32 $0xFFFF8300  }
0xda: {  	[spmem:s2] =	stream.indirect.scatter.add.f32 [tilespmem:s11], [sflag:$0x3], $0x20, s31, s9, $0xb8;
	[tilespmem:$0x1E540] =	vst v63  }
0xdb: {  	_ =	swait.ge [sflag:s6], $0x7D00  }
0xdc: {  	[sflag:s6] =	ssyncset.done $0x0  }
0xdd: {  	[sflag:s6] =	ssyncadd.s32 $0xFFFF8300  }
0xde: {  	_ =	swait.ge [sflag:s12], $0x7D00  }
0xdf: {  	p0 =	sne.s32 s1, $0x1;
	[sflag:s12] =	ssyncset.done $0x0  }
.Ltmp1:
0xe0: {  	[sflag:s12] =	ssyncadd.s32 $0xFFFF8300;
	(pc) =	sbr.rel @p0 .LBB2_1-.Ltmp1, $4  }
0xe1: {  	[bflag:$0x0] =	sbarrier.arrive $0xFFFF  }
0xe2: {  	s13 =	rddreg [dreg:$0x8]  }
0xe3: {  	[hbm:s13], [sflag:s5] =	dma.local [spmem:s7], $0x9E0  }
0xe4: {  	s1 =	sadd.s32 $0xFFFFFFFF, s1;
	_ =	swait.ge [sflag:s6], $0x9E0  }
.LBB2_2:
0xe5: {  	[sflag:s6] =	ssyncset.done $0x0  }
0xe6: {  	[sflag:s6] =	ssyncadd.s32 $0xFFFFF620  }
0xe7: {  	_ =	sfence.sel $0x180000  }
0xe8: {  	[bflag:$0x0] =	sbarrier.arrive $0xFFFF  }
0xe9: {  	_ =	strace $0x90000053  }
0xea: {  	s0 =	stileid.u32;
	[bflag:$0x2] =	sbarrier.arrive $0xFFFF  }
0xeb: {  	p0 =	sne.s32 s0, $0x0;
	s0 =	rddreg [dreg:$0x3]  }
0xec: {  	s0 =	sadd.s32 @!p0 $0x100000, s0  }
0xed: {  	[sflag:s0] =	ssyncadd.tile.s32 @!p0 $0x1;
	_ =	shalt  }
.Lfunc_end2:
_tile_overlayer_lowered:
.L_overlay_start_2:
0xee: {  	(tag) =	ssettag $0x2  }
0xef: {  	s0 =	rddreg [dreg:$0x0];
	s2 =	stileid.u32  }
0xf0: {  	s1 =	rddreg [dreg:$0x1];
	p0 =	sne.s32 s2, $0x0  }
0xf1: {  	s3 =	rddreg [dreg:$0x2];
	[bflag:$0x3] =	sbarrier.arrive $0xFFFF;
	s2 =	simm.s32 @!p0 $0x1C03  }
0xf2: {  	[timem:s3], [sflag:s2] =	dma.local @!p0 [hbm:s0], s1  }
0xf3: {  	s0 =	simm.s32 @!p0 $0x3  }
0xf4: {  	_ =	swait.ge @!p0 [sflag:s0], s1  }
0xf5: {  	s1 =	ssub.s32 @!p0 $0x0, s1;
	[sflag:s0] =	ssyncset.done @!p0 $0x0  }
0xf6: {  	[sflag:s0] =	ssyncadd.s32 @!p0 s1  }
0xf7: {  	[bflag:$0x3] =	sbarrier.arrive $0xFFFF  }
0xf8: {  	_ =	shalt  }

</sc_bundles>
